<compile_context>
chip_gen: v7x
topology: tpu7x:2x2x1
jax: 0.10.2.dev20260603
libtpu: 0.0.44.dev20260713+nightly
codegen_flags: <defaults>
</compile_context>

<pallas_src>
import functools

import jax
import jax.numpy as jnp
from jax import lax
from jax.experimental import pallas as pl
from jax.experimental.pallas import tpu as pltpu
from jax.experimental.pallas import tpu_sc as plsc

F32 = jnp.float32

NUM_P = 10000
NUM_A = 10000
NUM_E = 200000
DIM = 128
DIM_OUT = 64

NC = 2
NS = 16
NW = NC * NS
K = 128
NCH = 50
EPW = NCH * K
E_PAD = NW * EPW
N_PAD = 10240
ROWS_PT = N_PAD // NS
PAD_ROW = 10000

_MESH = plsc.VectorSubcoreMesh(
    core_axis_name="c", subcore_axis_name="s", num_cores=NC, num_subcores=NS)


def _make_segsum(num_types):
  out_t = [jax.ShapeDtypeStruct((NC, N_PAD, DIM), F32)] * num_types
  NBUF = 2
  scratch = [
      pltpu.VMEM((NCH, K), jnp.int32),
      pltpu.VMEM((NCH, K), jnp.int32),
      pltpu.VMEM((NBUF, K, DIM), F32),
      pltpu.VMEM_SHARED((N_PAD, DIM), F32),
      pltpu.SemaphoreType.DMA,
  ]

  @functools.partial(pl.kernel, out_type=out_t, mesh=_MESH,
                     scratch_types=scratch)
  def seg_kernel(*refs):
    xs = refs[:num_types]
    srcs = refs[num_types:2 * num_types]
    dsts = refs[2 * num_types:3 * num_types]
    zeros_hbm = refs[3 * num_types]
    outs = refs[3 * num_types + 1:4 * num_types + 1]
    src_v, dst_v, rows_v, acc, gsem = refs[4 * num_types + 1:]
    c = lax.axis_index("c")
    s = lax.axis_index("s")
    wid = c * NS + s
    for t in range(num_types):
      pltpu.sync_copy(zeros_hbm, acc.at[pl.ds(s * ROWS_PT, ROWS_PT)])
      pltpu.sync_copy(srcs[t].at[wid], src_v)
      pltpu.sync_copy(dsts[t].at[wid], dst_v)
      plsc.subcore_barrier()

      for j in range(NBUF - 1):
        pltpu.async_copy(xs[t].at[src_v.at[j]], rows_v.at[j], gsem)

      def chunk(j, carry, t=t):
        cur = lax.rem(j, NBUF)
        pltpu.make_async_copy(xs[t].at[src_v.at[j]], rows_v.at[cur],
                              gsem).wait()
        nxt_j = j + (NBUF - 1)

        @pl.when(nxt_j < NCH)
        def _():
          pltpu.async_copy(xs[t].at[src_v.at[nxt_j]],
                           rows_v.at[lax.rem(nxt_j, NBUF)], gsem)

        pltpu.sync_copy(rows_v.at[cur], acc.at[dst_v.at[j]], add=True)
        return carry

      lax.fori_loop(0, NCH, chunk, 0)
      plsc.subcore_barrier()
      pltpu.sync_copy(acc.at[pl.ds(s * ROWS_PT, ROWS_PT)],
                      outs[t].at[c, pl.ds(s * ROWS_PT, ROWS_PT)])

  return seg_kernel


def _make_counts():
  out_t = [jax.ShapeDtypeStruct((NC, N_PAD, DIM), F32)] * 3
  scratch = [
      pltpu.VMEM((NCH, K), jnp.int32),
      pltpu.VMEM((K, DIM), F32),
      pltpu.VMEM_SHARED((N_PAD, DIM), F32),
  ]

  @functools.partial(pl.kernel, out_type=out_t, mesh=_MESH,
                     scratch_types=scratch)
  def cnt_kernel(d0, d1, d2, ones_hbm, zeros_hbm, o0, o1, o2,
                 dst_v, ones_v, acc):
    c = lax.axis_index("c")
    s = lax.axis_index("s")
    wid = c * NS + s
    pltpu.sync_copy(ones_hbm, ones_v)
    for t, (dref, oref) in enumerate(((d0, o0), (d1, o1), (d2, o2))):
      pltpu.sync_copy(zeros_hbm, acc.at[pl.ds(s * ROWS_PT, ROWS_PT)])
      pltpu.sync_copy(dref.at[wid], dst_v)
      plsc.subcore_barrier()

      def chunk(j, carry, t=t):
        pltpu.sync_copy(ones_v, acc.at[dst_v.at[j]], add=True)
        return carry

      lax.fori_loop(0, NCH, chunk, 0)
      plsc.subcore_barrier()
      pltpu.sync_copy(acc.at[pl.ds(s * ROWS_PT, ROWS_PT)],
                      oref.at[c, pl.ds(s * ROWS_PT, ROWS_PT)])

  return cnt_kernel


_SEG3 = _make_segsum(3)
_SEG2 = _make_segsum(2)
_COUNTS = _make_counts()

BLK = 2048


def _acc_spec():
  return pl.BlockSpec((NC, BLK, DIM), lambda i: (0, i, 0))


def _cnt_spec():
  return pl.BlockSpec((NC, BLK, DIM), lambda i: (0, i, 0))


def _x_spec():
  return pl.BlockSpec((BLK, DIM), lambda i: (i, 0))


def _w_spec():
  return pl.BlockSpec((DIM, DIM), lambda i: (0, 0))


def _b_spec():
  return pl.BlockSpec((1, DIM), lambda i: (0, 0))


def _mean(a_ref, c_ref):
  cnt = jnp.maximum(c_ref[0, :, 0:1] + c_ref[1, :, 0:1], 1.0)
  return (a_ref[0] + a_ref[1]) / cnt


def _dense2_body(aA, cA, aB, cB, x, wnA, wrA, bA, wnB, wrB, bB, o):
  h = (jnp.dot(_mean(aA, cA), wnA[...], preferred_element_type=F32)
       + jnp.dot(_mean(aB, cB), wnB[...], preferred_element_type=F32)
       + jnp.dot(x[...], wrA[...] + wrB[...], preferred_element_type=F32)
       + bA[...] + bB[...])
  o[...] = jnp.where(h >= 0, h, 0.01 * h)


_DENSE2 = pl.pallas_call(
    _dense2_body,
    grid=(N_PAD // BLK,),
    in_specs=[_acc_spec(), _cnt_spec(), _acc_spec(), _cnt_spec(), _x_spec(),
              _w_spec(), _w_spec(), _b_spec(), _w_spec(), _w_spec(), _b_spec()],
    out_specs=pl.BlockSpec((BLK, DIM), lambda i: (i, 0)),
    out_shape=jax.ShapeDtypeStruct((N_PAD, DIM), F32),
)


def _dense1_body(aA, cA, x, wn, wr, b, o):
  h = (jnp.dot(_mean(aA, cA), wn[...], preferred_element_type=F32)
       + jnp.dot(x[...], wr[...], preferred_element_type=F32)
       + b[...])
  o[...] = jnp.where(h >= 0, h, 0.01 * h)


_DENSE1 = pl.pallas_call(
    _dense1_body,
    grid=(N_PAD // BLK,),
    in_specs=[_acc_spec(), _cnt_spec(), _x_spec(),
              _w_spec(), _w_spec(), _b_spec()],
    out_specs=pl.BlockSpec((BLK, DIM), lambda i: (i, 0)),
    out_shape=jax.ShapeDtypeStruct((N_PAD, DIM), F32),
)


def _dense2_final_body(aA, cA, aB, cB, x, wnA, wrA, bA, wnB, wrB, bB,
                       wl, bl, o):
  h = (jnp.dot(_mean(aA, cA), wnA[...], preferred_element_type=F32)
       + jnp.dot(_mean(aB, cB), wnB[...], preferred_element_type=F32)
       + jnp.dot(x[...], wrA[...] + wrB[...], preferred_element_type=F32)
       + bA[...] + bB[...])
  xp2 = jnp.where(h >= 0, h, 0.01 * h)
  o[...] = jnp.dot(xp2, wl[...], preferred_element_type=F32) + bl[...]


_DENSE2_FINAL = pl.pallas_call(
    _dense2_final_body,
    grid=(N_PAD // BLK,),
    in_specs=[_acc_spec(), _cnt_spec(), _acc_spec(), _cnt_spec(), _x_spec(),
              _w_spec(), _w_spec(), _b_spec(), _w_spec(), _w_spec(), _b_spec(),
              pl.BlockSpec((DIM, DIM_OUT), lambda i: (0, 0)),
              pl.BlockSpec((1, DIM_OUT), lambda i: (0, 0))],
    out_specs=pl.BlockSpec((BLK, DIM_OUT), lambda i: (i, 0)),
    out_shape=jax.ShapeDtypeStruct((N_PAD, DIM_OUT), F32),
)


def _prep_edges(e):
  src = jnp.concatenate([e[0], jnp.zeros((E_PAD - NUM_E,), jnp.int32)])
  dst = jnp.concatenate(
      [e[1], jnp.full((E_PAD - NUM_E,), PAD_ROW, jnp.int32)])
  return src.reshape(NW, NCH, K), dst.reshape(NW, NCH, K)


def kernel(x_paper, x_author, edge_index_pcp, edge_index_awp, edge_index_pwa,
           Wn_0_pcp, Wr_0_pcp, bn_0_pcp, Wn_0_awp, Wr_0_awp, bn_0_awp,
           Wn_0_pwa, Wr_0_pwa, bn_0_pwa,
           Wn_1_pcp, Wr_1_pcp, bn_1_pcp, Wn_1_awp, Wr_1_awp, bn_1_awp,
           Wn_1_pwa, Wr_1_pwa, bn_1_pwa, W_lin, b_lin):
  sp, dp = _prep_edges(edge_index_pcp)
  sw, dw = _prep_edges(edge_index_awp)
  sa, da = _prep_edges(edge_index_pwa)
  xp = jnp.pad(x_paper, ((0, N_PAD - NUM_P), (0, 0)))
  xa = jnp.pad(x_author, ((0, N_PAD - NUM_A), (0, 0)))
  zeros_b = jnp.zeros((ROWS_PT, DIM), F32)
  ones_b = jnp.ones((K, DIM), F32)

  cnt_pcp, cnt_awp, cnt_pwa = _COUNTS(dp, dw, da, ones_b, zeros_b)
  a_pcp, a_awp, a_pwa = _SEG3(xp, xa, xp, sp, sw, sa, dp, dw, da, zeros_b)
  xp1 = _DENSE2(a_pcp, cnt_pcp, a_awp, cnt_awp, xp,
                Wn_0_pcp, Wr_0_pcp, bn_0_pcp.reshape(1, DIM),
                Wn_0_awp, Wr_0_awp, bn_0_awp.reshape(1, DIM))
  xa1 = _DENSE1(a_pwa, cnt_pwa, xa,
                Wn_0_pwa, Wr_0_pwa, bn_0_pwa.reshape(1, DIM))
  b_pcp, b_awp = _SEG2(xp1, xa1, sp, sw, dp, dw, zeros_b)
  out = _DENSE2_FINAL(b_pcp, cnt_pcp, b_awp, cnt_awp, xp1,
                      Wn_1_pcp, Wr_1_pcp, bn_1_pcp.reshape(1, DIM),
                      Wn_1_awp, Wr_1_awp, bn_1_awp.reshape(1, DIM),
                      W_lin, b_lin.reshape(1, DIM_OUT))
  return out[:NUM_P]

# --- scband reference (transcript-rebuilt; emitter-appended) ---
"""Pipeline reference for scband-hetero-gnnmodel-57011395887283 (READ-ONLY COPY).

The authoritative reference and input builder live on the scoring server;
editing this copy changes nothing except your own understanding.
"""

import jax, jax.numpy as jnp
import numpy as np

N_P = 10000
N_A = 10000
E = 200000
D = 128
H = 128
OUT = 64
EDGE_TYPES = ("pcp", "awp", "pwa")


def _seg_mean(x_src, src, dst, num_dst):
    msg = jax.ops.segment_sum(x_src[src], dst, num_segments=num_dst)
    cnt = jax.ops.segment_sum(jnp.ones((src.shape[0],), x_src.dtype), dst, num_segments=num_dst)
    return msg / jnp.clip(cnt, 1.0)[:, None]


def setup_inputs(seed: int = 0) -> dict:
    key = jax.random.key(seed)
    ks = jax.random.split(key, 64)
    inp = {}
    inp["x_paper"] = jax.random.normal(ks[0], (N_P, D), jnp.float32)
    inp["x_author"] = jax.random.normal(ks[1], (N_A, D), jnp.float32)
    inp["edge_index_pcp"] = jax.random.randint(ks[2], (2, E), 0, N_P, jnp.int32)
    inp["edge_index_awp"] = jax.random.randint(ks[3], (2, E), 0, N_P, jnp.int32)
    inp["edge_index_pwa"] = jax.random.randint(ks[4], (2, E), 0, N_A, jnp.int32)
    i = 5
    for l in range(2):
        for et in EDGE_TYPES:
            d_in = D if l == 0 else H
            inp[f"Wn_{l}_{et}"] = jax.random.normal(ks[i], (d_in, H), jnp.float32) * 0.05; i += 1
            inp[f"Wr_{l}_{et}"] = jax.random.normal(ks[i], (d_in, H), jnp.float32) * 0.05; i += 1
            inp[f"bn_{l}_{et}"] = jnp.zeros((H,), jnp.float32)
    inp["W_lin"] = jax.random.normal(ks[i], (H, OUT), jnp.float32) * 0.05
    inp["b_lin"] = jnp.zeros((OUT,), jnp.float32)
    return inp


def reference(x_paper, x_author, edge_index_pcp, edge_index_awp, edge_index_pwa,
              Wn_0_pcp, Wr_0_pcp, bn_0_pcp, Wn_0_awp, Wr_0_awp, bn_0_awp,
              Wn_0_pwa, Wr_0_pwa, bn_0_pwa,
              Wn_1_pcp, Wr_1_pcp, bn_1_pcp, Wn_1_awp, Wr_1_awp, bn_1_awp,
              Wn_1_pwa, Wr_1_pwa, bn_1_pwa,
              W_lin, b_lin):
    inp = {
        "x_paper": x_paper, "x_author": x_author,
        "edge_index_pcp": edge_index_pcp, "edge_index_awp": edge_index_awp,
        "edge_index_pwa": edge_index_pwa,
        "Wn_0_pcp": Wn_0_pcp, "Wr_0_pcp": Wr_0_pcp, "bn_0_pcp": bn_0_pcp,
        "Wn_0_awp": Wn_0_awp, "Wr_0_awp": Wr_0_awp, "bn_0_awp": bn_0_awp,
        "Wn_0_pwa": Wn_0_pwa, "Wr_0_pwa": Wr_0_pwa, "bn_0_pwa": bn_0_pwa,
        "Wn_1_pcp": Wn_1_pcp, "Wr_1_pcp": Wr_1_pcp, "bn_1_pcp": bn_1_pcp,
        "Wn_1_awp": Wn_1_awp, "Wr_1_awp": Wr_1_awp, "bn_1_awp": bn_1_awp,
        "Wn_1_pwa": Wn_1_pwa, "Wr_1_pwa": Wr_1_pwa, "bn_1_pwa": bn_1_pwa,
        "W_lin": W_lin, "b_lin": b_lin,
    }
    xp = inp["x_paper"]
    xa = inp["x_author"]
    e_pcp = inp["edge_index_pcp"]
    e_awp = inp["edge_index_awp"]
    e_pwa = inp["edge_index_pwa"]
    for l in range(2):
        # SAGEConv per edge type: out = lin_l(mean_aggr(x_src)[dst]) + lin_r(x_dst)
        agg_pcp = _seg_mean(xp, e_pcp[0], e_pcp[1], N_P)
        out_pcp = agg_pcp @ inp[f"Wn_{l}_pcp"] + inp[f"bn_{l}_pcp"] + xp @ inp[f"Wr_{l}_pcp"]
        agg_awp = _seg_mean(xa, e_awp[0], e_awp[1], N_P)
        out_awp = agg_awp @ inp[f"Wn_{l}_awp"] + inp[f"bn_{l}_awp"] + xp @ inp[f"Wr_{l}_awp"]
        agg_pwa = _seg_mean(xp, e_pwa[0], e_pwa[1], N_A)
        out_pwa = agg_pwa @ inp[f"Wn_{l}_pwa"] + inp[f"bn_{l}_pwa"] + xa @ inp[f"Wr_{l}_pwa"]
        # HeteroConv default aggr='sum' over edge types sharing a dst node type
        xp = jax.nn.leaky_relu(out_pcp + out_awp, 0.01)
        xa = jax.nn.leaky_relu(out_pwa, 0.01)
    return xp @ inp["W_lin"] + inp["b_lin"]

if __name__ == "__main__":
    import jax
    _d = setup_inputs()
    print(jax.jit(kernel)(*tuple(_d.values())))

</pallas_src>

<mosaic_0001>
#map = affine_map<(d0, d1) -> (0, 0)>
#map1 = affine_map<(d0, d1) -> (0, 0, 0)>
module attributes {stable_mosaic.version = 14 : i64} {
  func.func @seg_kernel(%arg0: i32, %arg1: i32, %arg2: memref<10240x128xf32, #tpu.memory_space<hbm>>, %arg3: memref<10240x128xf32, #tpu.memory_space<hbm>>, %arg4: memref<10240x128xf32, #tpu.memory_space<hbm>>, %arg5: memref<32x50x128xi32, #tpu.memory_space<hbm>>, %arg6: memref<32x50x128xi32, #tpu.memory_space<hbm>>, %arg7: memref<32x50x128xi32, #tpu.memory_space<hbm>>, %arg8: memref<32x50x128xi32, #tpu.memory_space<hbm>>, %arg9: memref<32x50x128xi32, #tpu.memory_space<hbm>>, %arg10: memref<32x50x128xi32, #tpu.memory_space<hbm>>, %arg11: memref<640x128xf32, #tpu.memory_space<hbm>>, %arg12: memref<2x10240x128xf32, #tpu.memory_space<hbm>>, %arg13: memref<2x10240x128xf32, #tpu.memory_space<hbm>>, %arg14: memref<2x10240x128xf32, #tpu.memory_space<hbm>>, %arg15: memref<50x128xi32, #tpu.memory_space<vmem>>, %arg16: memref<50x128xi32, #tpu.memory_space<vmem>>, %arg17: memref<2x128x128xf32, #tpu.memory_space<vmem>>, %arg18: memref<10240x128xf32, #tpu.memory_space<vmem_shared>>, %arg19: memref<!tpu.dma_semaphore, #tpu.memory_space<semaphore_mem>>) attributes {dimension_semantics = [#tpu.dimension_semantics<core_parallel>, #tpu.dimension_semantics<subcore_parallel>], iteration_bounds = array<i64: 2, 16>, scalar_prefetch = 0 : i64, scratch_operands = 5 : i64, tpu.core_type = #tpu.core_type<sc_vector_subcore>, window_params = [{transform_indices = #map}, {transform_indices = #map}, {transform_indices = #map}, {transform_indices = #map1}, {transform_indices = #map1}, {transform_indices = #map1}, {transform_indices = #map1}, {transform_indices = #map1}, {transform_indices = #map1}, {transform_indices = #map}, {transform_indices = #map1}, {transform_indices = #map1}, {transform_indices = #map1}]} {
    %mul3A = arith.constant 16 : i32
    %mul3A_0 = arith.muli %arg0, %mul3A : i32
    %add3A = arith.addi %mul3A_0, %arg1 : i32
    %mul3A_1 = arith.constant 640 : i32
    %mul3A_2 = arith.muli %arg1, %mul3A_1 : i32
    "tpu.region"() ({
      %run_scoped3A = tpu.sem_alloc : memref<!tpu.dma_semaphore, #tpu.memory_space<semaphore_mem>>
      %dma_start3A_76 = arith.constant 0 : i32
      %dma_start3A_77 = tpu.memref_slice %arg18[%mul3A_2, %dma_start3A_76] : memref<10240x128xf32, #tpu.memory_space<vmem_shared>> -> memref<640x128xf32, #tpu.memory_space<vmem_shared>>
      tpu.enqueue_dma source(%arg11 : memref<640x128xf32, #tpu.memory_space<hbm>>) target(%dma_start3A_77 : memref<640x128xf32, #tpu.memory_space<vmem_shared>>) target_semaphore(%run_scoped3A : memref<!tpu.dma_semaphore, #tpu.memory_space<semaphore_mem>>)
      %dma_wait3A = arith.constant 0 : i32
      %dma_wait3A_78 = tpu.memref_slice %arg18[%mul3A_2, %dma_wait3A] : memref<10240x128xf32, #tpu.memory_space<vmem_shared>> -> memref<640x128xf32, #tpu.memory_space<vmem_shared>>
      tpu.wait_dma2 semaphore(%run_scoped3A : memref<!tpu.dma_semaphore, #tpu.memory_space<semaphore_mem>>) src(%arg11 : memref<640x128xf32, #tpu.memory_space<hbm>>) dst(%dma_wait3A_78 : memref<640x128xf32, #tpu.memory_space<vmem_shared>>)
      tpu.yield
    }) : () -> ()
    "tpu.region"() ({
      %run_scoped3A = tpu.sem_alloc : memref<!tpu.dma_semaphore, #tpu.memory_space<semaphore_mem>>
      %dma_start3A_76 = arith.constant 0 : i32
      %dma_start3A_77 = arith.constant 0 : i32
      %dma_start3A_78 = tpu.memref_slice %arg5[%add3A, %dma_start3A_76, %dma_start3A_77] : memref<32x50x128xi32, #tpu.memory_space<hbm>> -> memref<1x50x128xi32, #tpu.memory_space<hbm>>
      %dma_start3A_79 = tpu.memref_squeeze %dma_start3A_78 : memref<1x50x128xi32, #tpu.memory_space<hbm>> -> memref<50x128xi32, #tpu.memory_space<hbm>>
      %dma_start3A_80 = arith.constant 0 : i32
      %dma_start3A_81 = arith.constant 0 : i32
      %dma_start3A_82 = tpu.memref_slice %arg5[%add3A, %dma_start3A_80, %dma_start3A_81] : memref<32x50x128xi32, #tpu.memory_space<hbm>> -> memref<1x50x128xi32, #tpu.memory_space<hbm>>
      %dma_start3A_83 = tpu.memref_squeeze %dma_start3A_82 : memref<1x50x128xi32, #tpu.memory_space<hbm>> -> memref<50x128xi32, #tpu.memory_space<hbm>>
      tpu.enqueue_dma source(%dma_start3A_83 : memref<50x128xi32, #tpu.memory_space<hbm>>) target(%arg15 : memref<50x128xi32, #tpu.memory_space<vmem>>) target_semaphore(%run_scoped3A : memref<!tpu.dma_semaphore, #tpu.memory_space<semaphore_mem>>)
      %dma_wait3A = arith.constant 0 : i32
      %dma_wait3A_84 = arith.constant 0 : i32
      %dma_wait3A_85 = tpu.memref_slice %arg5[%add3A, %dma_wait3A, %dma_wait3A_84] : memref<32x50x128xi32, #tpu.memory_space<hbm>> -> memref<1x50x128xi32, #tpu.memory_space<hbm>>
      %dma_wait3A_86 = tpu.memref_squeeze %dma_wait3A_85 : memref<1x50x128xi32, #tpu.memory_space<hbm>> -> memref<50x128xi32, #tpu.memory_space<hbm>>
      %dma_wait3A_87 = arith.constant 0 : i32
      %dma_wait3A_88 = arith.constant 0 : i32
      %dma_wait3A_89 = tpu.memref_slice %arg5[%add3A, %dma_wait3A_87, %dma_wait3A_88] : memref<32x50x128xi32, #tpu.memory_space<hbm>> -> memref<1x50x128xi32, #tpu.memory_space<hbm>>
      %dma_wait3A_90 = tpu.memref_squeeze %dma_wait3A_89 : memref<1x50x128xi32, #tpu.memory_space<hbm>> -> memref<50x128xi32, #tpu.memory_space<hbm>>
      tpu.wait_dma2 semaphore(%run_scoped3A : memref<!tpu.dma_semaphore, #tpu.memory_space<semaphore_mem>>) src(%dma_wait3A_90 : memref<50x128xi32, #tpu.memory_space<hbm>>) dst(%arg15 : memref<50x128xi32, #tpu.memory_space<vmem>>)
      tpu.yield
    }) : () -> ()
    "tpu.region"() ({
      %run_scoped3A = tpu.sem_alloc : memref<!tpu.dma_semaphore, #tpu.memory_space<semaphore_mem>>
      %dma_start3A_76 = arith.constant 0 : i32
      %dma_start3A_77 = arith.constant 0 : i32
      %dma_start3A_78 = tpu.memref_slice %arg8[%add3A, %dma_start3A_76, %dma_start3A_77] : memref<32x50x128xi32, #tpu.memory_space<hbm>> -> memref<1x50x128xi32, #tpu.memory_space<hbm>>
      %dma_start3A_79 = tpu.memref_squeeze %dma_start3A_78 : memref<1x50x128xi32, #tpu.memory_space<hbm>> -> memref<50x128xi32, #tpu.memory_space<hbm>>
      %dma_start3A_80 = arith.constant 0 : i32
      %dma_start3A_81 = arith.constant 0 : i32
      %dma_start3A_82 = tpu.memref_slice %arg8[%add3A, %dma_start3A_80, %dma_start3A_81] : memref<32x50x128xi32, #tpu.memory_space<hbm>> -> memref<1x50x128xi32, #tpu.memory_space<hbm>>
      %dma_start3A_83 = tpu.memref_squeeze %dma_start3A_82 : memref<1x50x128xi32, #tpu.memory_space<hbm>> -> memref<50x128xi32, #tpu.memory_space<hbm>>
      tpu.enqueue_dma source(%dma_start3A_83 : memref<50x128xi32, #tpu.memory_space<hbm>>) target(%arg16 : memref<50x128xi32, #tpu.memory_space<vmem>>) target_semaphore(%run_scoped3A : memref<!tpu.dma_semaphore, #tpu.memory_space<semaphore_mem>>)
      %dma_wait3A = arith.constant 0 : i32
      %dma_wait3A_84 = arith.constant 0 : i32
      %dma_wait3A_85 = tpu.memref_slice %arg8[%add3A, %dma_wait3A, %dma_wait3A_84] : memref<32x50x128xi32, #tpu.memory_space<hbm>> -> memref<1x50x128xi32, #tpu.memory_space<hbm>>
      %dma_wait3A_86 = tpu.memref_squeeze %dma_wait3A_85 : memref<1x50x128xi32, #tpu.memory_space<hbm>> -> memref<50x128xi32, #tpu.memory_space<hbm>>
      %dma_wait3A_87 = arith.constant 0 : i32
      %dma_wait3A_88 = arith.constant 0 : i32
      %dma_wait3A_89 = tpu.memref_slice %arg8[%add3A, %dma_wait3A_87, %dma_wait3A_88] : memref<32x50x128xi32, #tpu.memory_space<hbm>> -> memref<1x50x128xi32, #tpu.memory_space<hbm>>
      %dma_wait3A_90 = tpu.memref_squeeze %dma_wait3A_89 : memref<1x50x128xi32, #tpu.memory_space<hbm>> -> memref<50x128xi32, #tpu.memory_space<hbm>>
      tpu.wait_dma2 semaphore(%run_scoped3A : memref<!tpu.dma_semaphore, #tpu.memory_space<semaphore_mem>>) src(%dma_wait3A_90 : memref<50x128xi32, #tpu.memory_space<hbm>>) dst(%arg16 : memref<50x128xi32, #tpu.memory_space<vmem>>)
      tpu.yield
    }) : () -> ()
    %barrier3A = arith.constant 0 : index
    tpu.barrier barrier_id(%barrier3A)
    %dma_start3A = arith.constant 0 : i32
    %dma_start3A_3 = arith.constant 0 : i32
    %dma_start3A_4 = arith.constant 0 : i32
    %dma_start3A_5 = arith.constant 0 : i32
    %dma_start3A_6 = tpu.memref_slice %arg17[%dma_start3A_3, %dma_start3A_4, %dma_start3A_5] : memref<2x128x128xf32, #tpu.memory_space<vmem>> -> memref<1x128x128xf32, #tpu.memory_space<vmem>>
    %dma_start3A_7 = tpu.memref_squeeze %dma_start3A_6 : memref<1x128x128xf32, #tpu.memory_space<vmem>> -> memref<128x128xf32, #tpu.memory_space<vmem>>
    %dma_start3A_8 = arith.constant 0 : i32
    %dma_start3A_9 = tpu.memref_slice %arg15[%dma_start3A, %dma_start3A_8] : memref<50x128xi32, #tpu.memory_space<vmem>> -> memref<1x128xi32, #tpu.memory_space<vmem>>
    %dma_start3A_10 = tpu.memref_squeeze %dma_start3A_9 : memref<1x128xi32, #tpu.memory_space<vmem>> -> memref<128xi32, #tpu.memory_space<vmem>>
    %dma_start3A_11 = arith.constant 0 : i32
    %dma_start3A_12 = arith.constant 0 : i32
    %dma_start3A_13 = tpu.memref_slice %arg2[%dma_start3A_11, %dma_start3A_12] : memref<10240x128xf32, #tpu.memory_space<hbm>> -> memref<10240x128xf32, #tpu.memory_space<hbm>>
    tpu.enqueue_indirect_dma source(%dma_start3A_13 : memref<10240x128xf32, #tpu.memory_space<hbm>>) target(%dma_start3A_7 : memref<128x128xf32, #tpu.memory_space<vmem>>) offsets(%dma_start3A_10 : memref<128xi32, #tpu.memory_space<vmem>>) semaphore(%arg19 : memref<!tpu.dma_semaphore, #tpu.memory_space<semaphore_mem>>)
    %scan3A = arith.constant 0 : i32
    %scan3A_14 = arith.constant 0 : i32
    %scan3A_15 = arith.constant 50 : i32
    %scan3A_16 = arith.addi %scan3A_14, %scan3A_15 : i32
    %scan3A_17 = arith.constant 1 : i32
    scf.for %scan3A_76 = %scan3A_14 to %scan3A_16 step %scan3A_17  : i32 {
      %rem3A = arith.constant 2 : i32
      %rem3A_77 = arith.remsi %scan3A_76, %rem3A : i32
      %dma_wait3A = arith.constant 0 : i32
      %dma_wait3A_78 = arith.constant 0 : i32
      %dma_wait3A_79 = tpu.memref_slice %arg17[%rem3A_77, %dma_wait3A, %dma_wait3A_78] : memref<2x128x128xf32, #tpu.memory_space<vmem>> -> memref<1x128x128xf32, #tpu.memory_space<vmem>>
      %dma_wait3A_80 = tpu.memref_squeeze %dma_wait3A_79 : memref<1x128x128xf32, #tpu.memory_space<vmem>> -> memref<128x128xf32, #tpu.memory_space<vmem>>
      %dma_wait3A_81 = arith.constant 0 : i32
      %dma_wait3A_82 = tpu.memref_slice %arg15[%scan3A_76, %dma_wait3A_81] : memref<50x128xi32, #tpu.memory_space<vmem>> -> memref<1x128xi32, #tpu.memory_space<vmem>>
      %dma_wait3A_83 = tpu.memref_squeeze %dma_wait3A_82 : memref<1x128xi32, #tpu.memory_space<vmem>> -> memref<128xi32, #tpu.memory_space<vmem>>
      %dma_wait3A_84 = arith.constant 0 : i32
      %dma_wait3A_85 = arith.constant 0 : i32
      %dma_wait3A_86 = tpu.memref_slice %arg2[%dma_wait3A_84, %dma_wait3A_85] : memref<10240x128xf32, #tpu.memory_space<hbm>> -> memref<10240x128xf32, #tpu.memory_space<hbm>>
      tpu.wait_indirect_dma semaphore(%arg19 : memref<!tpu.dma_semaphore, #tpu.memory_space<semaphore_mem>>) src(%dma_wait3A_86 : memref<10240x128xf32, #tpu.memory_space<hbm>>) dst(%dma_wait3A_80 : memref<128x128xf32, #tpu.memory_space<vmem>>)
      %add3A_87 = arith.constant 1 : i32
      %add3A_88 = arith.addi %scan3A_76, %add3A_87 : i32
      %lt3A = arith.constant 50 : i32
      %lt3A_89 = arith.cmpi slt, %add3A_88, %lt3A : i32
      %convert_element_type3A = arith.extui %lt3A_89 : i1 to i32
      %cond3A = arith.constant 0 : i32
      %cond3A_90 = arith.cmpi ne, %convert_element_type3A, %cond3A : i32
      scf.if %cond3A_90 {
        %rem3A_91 = arith.constant 2 : i32
        %rem3A_92 = arith.remsi %add3A_88, %rem3A_91 : i32
        %dma_start3A_93 = arith.constant 0 : i32
        %dma_start3A_94 = arith.constant 0 : i32
        %dma_start3A_95 = tpu.memref_slice %arg17[%rem3A_92, %dma_start3A_93, %dma_start3A_94] : memref<2x128x128xf32, #tpu.memory_space<vmem>> -> memref<1x128x128xf32, #tpu.memory_space<vmem>>
        %dma_start3A_96 = tpu.memref_squeeze %dma_start3A_95 : memref<1x128x128xf32, #tpu.memory_space<vmem>> -> memref<128x128xf32, #tpu.memory_space<vmem>>
        %dma_start3A_97 = arith.constant 0 : i32
        %dma_start3A_98 = tpu.memref_slice %arg15[%add3A_88, %dma_start3A_97] : memref<50x128xi32, #tpu.memory_space<vmem>> -> memref<1x128xi32, #tpu.memory_space<vmem>>
        %dma_start3A_99 = tpu.memref_squeeze %dma_start3A_98 : memref<1x128xi32, #tpu.memory_space<vmem>> -> memref<128xi32, #tpu.memory_space<vmem>>
        %dma_start3A_100 = arith.constant 0 : i32
        %dma_start3A_101 = arith.constant 0 : i32
        %dma_start3A_102 = tpu.memref_slice %arg2[%dma_start3A_100, %dma_start3A_101] : memref<10240x128xf32, #tpu.memory_space<hbm>> -> memref<10240x128xf32, #tpu.memory_space<hbm>>
        tpu.enqueue_indirect_dma source(%dma_start3A_102 : memref<10240x128xf32, #tpu.memory_space<hbm>>) target(%dma_start3A_96 : memref<128x128xf32, #tpu.memory_space<vmem>>) offsets(%dma_start3A_99 : memref<128xi32, #tpu.memory_space<vmem>>) semaphore(%arg19 : memref<!tpu.dma_semaphore, #tpu.memory_space<semaphore_mem>>)
      } else {
      }
      "tpu.region"() ({
        %run_scoped3A = tpu.sem_alloc : memref<!tpu.dma_semaphore, #tpu.memory_space<semaphore_mem>>
        %dma_start3A_91 = arith.constant 0 : i32
        %dma_start3A_92 = arith.constant 0 : i32
        %dma_start3A_93 = tpu.memref_slice %arg17[%rem3A_77, %dma_start3A_91, %dma_start3A_92] : memref<2x128x128xf32, #tpu.memory_space<vmem>> -> memref<1x128x128xf32, #tpu.memory_space<vmem>>
        %dma_start3A_94 = tpu.memref_squeeze %dma_start3A_93 : memref<1x128x128xf32, #tpu.memory_space<vmem>> -> memref<128x128xf32, #tpu.memory_space<vmem>>
        %dma_start3A_95 = arith.constant 0 : i32
        %dma_start3A_96 = tpu.memref_slice %arg16[%scan3A_76, %dma_start3A_95] : memref<50x128xi32, #tpu.memory_space<vmem>> -> memref<1x128xi32, #tpu.memory_space<vmem>>
        %dma_start3A_97 = tpu.memref_squeeze %dma_start3A_96 : memref<1x128xi32, #tpu.memory_space<vmem>> -> memref<128xi32, #tpu.memory_space<vmem>>
        %dma_start3A_98 = arith.constant 0 : i32
        %dma_start3A_99 = arith.constant 0 : i32
        %dma_start3A_100 = tpu.memref_slice %arg18[%dma_start3A_98, %dma_start3A_99] : memref<10240x128xf32, #tpu.memory_space<vmem_shared>> -> memref<10240x128xf32, #tpu.memory_space<vmem_shared>>
        tpu.enqueue_indirect_dma source(%dma_start3A_94 : memref<128x128xf32, #tpu.memory_space<vmem>>) target(%dma_start3A_100 : memref<10240x128xf32, #tpu.memory_space<vmem_shared>>) offsets(%dma_start3A_97 : memref<128xi32, #tpu.memory_space<vmem>>) semaphore(%run_scoped3A : memref<!tpu.dma_semaphore, #tpu.memory_space<semaphore_mem>>) {add = true}
        %dma_wait3A_101 = arith.constant 0 : i32
        %dma_wait3A_102 = arith.constant 0 : i32
        %dma_wait3A_103 = tpu.memref_slice %arg17[%rem3A_77, %dma_wait3A_101, %dma_wait3A_102] : memref<2x128x128xf32, #tpu.memory_space<vmem>> -> memref<1x128x128xf32, #tpu.memory_space<vmem>>
        %dma_wait3A_104 = tpu.memref_squeeze %dma_wait3A_103 : memref<1x128x128xf32, #tpu.memory_space<vmem>> -> memref<128x128xf32, #tpu.memory_space<vmem>>
        %dma_wait3A_105 = arith.constant 0 : i32
        %dma_wait3A_106 = tpu.memref_slice %arg16[%scan3A_76, %dma_wait3A_105] : memref<50x128xi32, #tpu.memory_space<vmem>> -> memref<1x128xi32, #tpu.memory_space<vmem>>
        %dma_wait3A_107 = tpu.memref_squeeze %dma_wait3A_106 : memref<1x128xi32, #tpu.memory_space<vmem>> -> memref<128xi32, #tpu.memory_space<vmem>>
        %dma_wait3A_108 = arith.constant 0 : i32
        %dma_wait3A_109 = arith.constant 0 : i32
        %dma_wait3A_110 = tpu.memref_slice %arg18[%dma_wait3A_108, %dma_wait3A_109] : memref<10240x128xf32, #tpu.memory_space<vmem_shared>> -> memref<10240x128xf32, #tpu.memory_space<vmem_shared>>
        tpu.wait_indirect_dma semaphore(%run_scoped3A : memref<!tpu.dma_semaphore, #tpu.memory_space<semaphore_mem>>) src(%dma_wait3A_104 : memref<128x128xf32, #tpu.memory_space<vmem>>) dst(%dma_wait3A_110 : memref<10240x128xf32, #tpu.memory_space<vmem_shared>>)
        tpu.yield
      }) : () -> ()
    }
    %scan3A_18 = arith.constant 50 : i32
    %barrier3A_19 = arith.constant 0 : index
    tpu.barrier barrier_id(%barrier3A_19)
    %mul3A_20 = arith.constant 640 : i32
    %mul3A_21 = arith.muli %arg1, %mul3A_20 : i32
    %mul3A_22 = arith.constant 640 : i32
    %mul3A_23 = arith.muli %arg1, %mul3A_22 : i32
    "tpu.region"() ({
      %run_scoped3A = tpu.sem_alloc : memref<!tpu.dma_semaphore, #tpu.memory_space<semaphore_mem>>
      %dma_start3A_76 = arith.constant 0 : i32
      %dma_start3A_77 = tpu.memref_slice %arg12[%arg0, %mul3A_23, %dma_start3A_76] : memref<2x10240x128xf32, #tpu.memory_space<hbm>> -> memref<1x640x128xf32, #tpu.memory_space<hbm>>
      %dma_start3A_78 = tpu.memref_squeeze %dma_start3A_77 : memref<1x640x128xf32, #tpu.memory_space<hbm>> -> memref<640x128xf32, #tpu.memory_space<hbm>>
      %dma_start3A_79 = arith.constant 0 : i32
      %dma_start3A_80 = tpu.memref_slice %arg18[%mul3A_21, %dma_start3A_79] : memref<10240x128xf32, #tpu.memory_space<vmem_shared>> -> memref<640x128xf32, #tpu.memory_space<vmem_shared>>
      tpu.enqueue_dma source(%dma_start3A_80 : memref<640x128xf32, #tpu.memory_space<vmem_shared>>) target(%dma_start3A_78 : memref<640x128xf32, #tpu.memory_space<hbm>>) target_semaphore(%run_scoped3A : memref<!tpu.dma_semaphore, #tpu.memory_space<semaphore_mem>>)
      %dma_wait3A = arith.constant 0 : i32
      %dma_wait3A_81 = tpu.memref_slice %arg12[%arg0, %mul3A_23, %dma_wait3A] : memref<2x10240x128xf32, #tpu.memory_space<hbm>> -> memref<1x640x128xf32, #tpu.memory_space<hbm>>
      %dma_wait3A_82 = tpu.memref_squeeze %dma_wait3A_81 : memref<1x640x128xf32, #tpu.memory_space<hbm>> -> memref<640x128xf32, #tpu.memory_space<hbm>>
      %dma_wait3A_83 = arith.constant 0 : i32
      %dma_wait3A_84 = tpu.memref_slice %arg18[%mul3A_21, %dma_wait3A_83] : memref<10240x128xf32, #tpu.memory_space<vmem_shared>> -> memref<640x128xf32, #tpu.memory_space<vmem_shared>>
      tpu.wait_dma2 semaphore(%run_scoped3A : memref<!tpu.dma_semaphore, #tpu.memory_space<semaphore_mem>>) src(%dma_wait3A_84 : memref<640x128xf32, #tpu.memory_space<vmem_shared>>) dst(%dma_wait3A_82 : memref<640x128xf32, #tpu.memory_space<hbm>>)
      tpu.yield
    }) : () -> ()
    %mul3A_24 = arith.constant 640 : i32
    %mul3A_25 = arith.muli %arg1, %mul3A_24 : i32
    "tpu.region"() ({
      %run_scoped3A = tpu.sem_alloc : memref<!tpu.dma_semaphore, #tpu.memory_space<semaphore_mem>>
      %dma_start3A_76 = arith.constant 0 : i32
      %dma_start3A_77 = tpu.memref_slice %arg18[%mul3A_25, %dma_start3A_76] : memref<10240x128xf32, #tpu.memory_space<vmem_shared>> -> memref<640x128xf32, #tpu.memory_space<vmem_shared>>
      tpu.enqueue_dma source(%arg11 : memref<640x128xf32, #tpu.memory_space<hbm>>) target(%dma_start3A_77 : memref<640x128xf32, #tpu.memory_space<vmem_shared>>) target_semaphore(%run_scoped3A : memref<!tpu.dma_semaphore, #tpu.memory_space<semaphore_mem>>)
      %dma_wait3A = arith.constant 0 : i32
      %dma_wait3A_78 = tpu.memref_slice %arg18[%mul3A_25, %dma_wait3A] : memref<10240x128xf32, #tpu.memory_space<vmem_shared>> -> memref<640x128xf32, #tpu.memory_space<vmem_shared>>
      tpu.wait_dma2 semaphore(%run_scoped3A : memref<!tpu.dma_semaphore, #tpu.memory_space<semaphore_mem>>) src(%arg11 : memref<640x128xf32, #tpu.memory_space<hbm>>) dst(%dma_wait3A_78 : memref<640x128xf32, #tpu.memory_space<vmem_shared>>)
      tpu.yield
    }) : () -> ()
    "tpu.region"() ({
      %run_scoped3A = tpu.sem_alloc : memref<!tpu.dma_semaphore, #tpu.memory_space<semaphore_mem>>
      %dma_start3A_76 = arith.constant 0 : i32
      %dma_start3A_77 = arith.constant 0 : i32
      %dma_start3A_78 = tpu.memref_slice %arg6[%add3A, %dma_start3A_76, %dma_start3A_77] : memref<32x50x128xi32, #tpu.memory_space<hbm>> -> memref<1x50x128xi32, #tpu.memory_space<hbm>>
      %dma_start3A_79 = tpu.memref_squeeze %dma_start3A_78 : memref<1x50x128xi32, #tpu.memory_space<hbm>> -> memref<50x128xi32, #tpu.memory_space<hbm>>
      %dma_start3A_80 = arith.constant 0 : i32
      %dma_start3A_81 = arith.constant 0 : i32
      %dma_start3A_82 = tpu.memref_slice %arg6[%add3A, %dma_start3A_80, %dma_start3A_81] : memref<32x50x128xi32, #tpu.memory_space<hbm>> -> memref<1x50x128xi32, #tpu.memory_space<hbm>>
      %dma_start3A_83 = tpu.memref_squeeze %dma_start3A_82 : memref<1x50x128xi32, #tpu.memory_space<hbm>> -> memref<50x128xi32, #tpu.memory_space<hbm>>
      tpu.enqueue_dma source(%dma_start3A_83 : memref<50x128xi32, #tpu.memory_space<hbm>>) target(%arg15 : memref<50x128xi32, #tpu.memory_space<vmem>>) target_semaphore(%run_scoped3A : memref<!tpu.dma_semaphore, #tpu.memory_space<semaphore_mem>>)
      %dma_wait3A = arith.constant 0 : i32
      %dma_wait3A_84 = arith.constant 0 : i32
      %dma_wait3A_85 = tpu.memref_slice %arg6[%add3A, %dma_wait3A, %dma_wait3A_84] : memref<32x50x128xi32, #tpu.memory_space<hbm>> -> memref<1x50x128xi32, #tpu.memory_space<hbm>>
      %dma_wait3A_86 = tpu.memref_squeeze %dma_wait3A_85 : memref<1x50x128xi32, #tpu.memory_space<hbm>> -> memref<50x128xi32, #tpu.memory_space<hbm>>
      %dma_wait3A_87 = arith.constant 0 : i32
      %dma_wait3A_88 = arith.constant 0 : i32
      %dma_wait3A_89 = tpu.memref_slice %arg6[%add3A, %dma_wait3A_87, %dma_wait3A_88] : memref<32x50x128xi32, #tpu.memory_space<hbm>> -> memref<1x50x128xi32, #tpu.memory_space<hbm>>
      %dma_wait3A_90 = tpu.memref_squeeze %dma_wait3A_89 : memref<1x50x128xi32, #tpu.memory_space<hbm>> -> memref<50x128xi32, #tpu.memory_space<hbm>>
      tpu.wait_dma2 semaphore(%run_scoped3A : memref<!tpu.dma_semaphore, #tpu.memory_space<semaphore_mem>>) src(%dma_wait3A_90 : memref<50x128xi32, #tpu.memory_space<hbm>>) dst(%arg15 : memref<50x128xi32, #tpu.memory_space<vmem>>)
      tpu.yield
    }) : () -> ()
    "tpu.region"() ({
      %run_scoped3A = tpu.sem_alloc : memref<!tpu.dma_semaphore, #tpu.memory_space<semaphore_mem>>
      %dma_start3A_76 = arith.constant 0 : i32
      %dma_start3A_77 = arith.constant 0 : i32
      %dma_start3A_78 = tpu.memref_slice %arg9[%add3A, %dma_start3A_76, %dma_start3A_77] : memref<32x50x128xi32, #tpu.memory_space<hbm>> -> memref<1x50x128xi32, #tpu.memory_space<hbm>>
      %dma_start3A_79 = tpu.memref_squeeze %dma_start3A_78 : memref<1x50x128xi32, #tpu.memory_space<hbm>> -> memref<50x128xi32, #tpu.memory_space<hbm>>
      %dma_start3A_80 = arith.constant 0 : i32
      %dma_start3A_81 = arith.constant 0 : i32
      %dma_start3A_82 = tpu.memref_slice %arg9[%add3A, %dma_start3A_80, %dma_start3A_81] : memref<32x50x128xi32, #tpu.memory_space<hbm>> -> memref<1x50x128xi32, #tpu.memory_space<hbm>>
      %dma_start3A_83 = tpu.memref_squeeze %dma_start3A_82 : memref<1x50x128xi32, #tpu.memory_space<hbm>> -> memref<50x128xi32, #tpu.memory_space<hbm>>
      tpu.enqueue_dma source(%dma_start3A_83 : memref<50x128xi32, #tpu.memory_space<hbm>>) target(%arg16 : memref<50x128xi32, #tpu.memory_space<vmem>>) target_semaphore(%run_scoped3A : memref<!tpu.dma_semaphore, #tpu.memory_space<semaphore_mem>>)
      %dma_wait3A = arith.constant 0 : i32
      %dma_wait3A_84 = arith.constant 0 : i32
      %dma_wait3A_85 = tpu.memref_slice %arg9[%add3A, %dma_wait3A, %dma_wait3A_84] : memref<32x50x128xi32, #tpu.memory_space<hbm>> -> memref<1x50x128xi32, #tpu.memory_space<hbm>>
      %dma_wait3A_86 = tpu.memref_squeeze %dma_wait3A_85 : memref<1x50x128xi32, #tpu.memory_space<hbm>> -> memref<50x128xi32, #tpu.memory_space<hbm>>
      %dma_wait3A_87 = arith.constant 0 : i32
      %dma_wait3A_88 = arith.constant 0 : i32
      %dma_wait3A_89 = tpu.memref_slice %arg9[%add3A, %dma_wait3A_87, %dma_wait3A_88] : memref<32x50x128xi32, #tpu.memory_space<hbm>> -> memref<1x50x128xi32, #tpu.memory_space<hbm>>
      %dma_wait3A_90 = tpu.memref_squeeze %dma_wait3A_89 : memref<1x50x128xi32, #tpu.memory_space<hbm>> -> memref<50x128xi32, #tpu.memory_space<hbm>>
      tpu.wait_dma2 semaphore(%run_scoped3A : memref<!tpu.dma_semaphore, #tpu.memory_space<semaphore_mem>>) src(%dma_wait3A_90 : memref<50x128xi32, #tpu.memory_space<hbm>>) dst(%arg16 : memref<50x128xi32, #tpu.memory_space<vmem>>)
      tpu.yield
    }) : () -> ()
    %barrier3A_26 = arith.constant 0 : index
    tpu.barrier barrier_id(%barrier3A_26)
    %dma_start3A_27 = arith.constant 0 : i32
    %dma_start3A_28 = arith.constant 0 : i32
    %dma_start3A_29 = arith.constant 0 : i32
    %dma_start3A_30 = arith.constant 0 : i32
    %dma_start3A_31 = tpu.memref_slice %arg17[%dma_start3A_28, %dma_start3A_29, %dma_start3A_30] : memref<2x128x128xf32, #tpu.memory_space<vmem>> -> memref<1x128x128xf32, #tpu.memory_space<vmem>>
    %dma_start3A_32 = tpu.memref_squeeze %dma_start3A_31 : memref<1x128x128xf32, #tpu.memory_space<vmem>> -> memref<128x128xf32, #tpu.memory_space<vmem>>
    %dma_start3A_33 = arith.constant 0 : i32
    %dma_start3A_34 = tpu.memref_slice %arg15[%dma_start3A_27, %dma_start3A_33] : memref<50x128xi32, #tpu.memory_space<vmem>> -> memref<1x128xi32, #tpu.memory_space<vmem>>
    %dma_start3A_35 = tpu.memref_squeeze %dma_start3A_34 : memref<1x128xi32, #tpu.memory_space<vmem>> -> memref<128xi32, #tpu.memory_space<vmem>>
    %dma_start3A_36 = arith.constant 0 : i32
    %dma_start3A_37 = arith.constant 0 : i32
    %dma_start3A_38 = tpu.memref_slice %arg3[%dma_start3A_36, %dma_start3A_37] : memref<10240x128xf32, #tpu.memory_space<hbm>> -> memref<10240x128xf32, #tpu.memory_space<hbm>>
    tpu.enqueue_indirect_dma source(%dma_start3A_38 : memref<10240x128xf32, #tpu.memory_space<hbm>>) target(%dma_start3A_32 : memref<128x128xf32, #tpu.memory_space<vmem>>) offsets(%dma_start3A_35 : memref<128xi32, #tpu.memory_space<vmem>>) semaphore(%arg19 : memref<!tpu.dma_semaphore, #tpu.memory_space<semaphore_mem>>)
    %scan3A_39 = arith.constant 0 : i32
    %scan3A_40 = arith.constant 0 : i32
    %scan3A_41 = arith.constant 50 : i32
    %scan3A_42 = arith.addi %scan3A_40, %scan3A_41 : i32
    %scan3A_43 = arith.constant 1 : i32
    scf.for %scan3A_76 = %scan3A_40 to %scan3A_42 step %scan3A_43  : i32 {
      %rem3A = arith.constant 2 : i32
      %rem3A_77 = arith.remsi %scan3A_76, %rem3A : i32
      %dma_wait3A = arith.constant 0 : i32
      %dma_wait3A_78 = arith.constant 0 : i32
      %dma_wait3A_79 = tpu.memref_slice %arg17[%rem3A_77, %dma_wait3A, %dma_wait3A_78] : memref<2x128x128xf32, #tpu.memory_space<vmem>> -> memref<1x128x128xf32, #tpu.memory_space<vmem>>
      %dma_wait3A_80 = tpu.memref_squeeze %dma_wait3A_79 : memref<1x128x128xf32, #tpu.memory_space<vmem>> -> memref<128x128xf32, #tpu.memory_space<vmem>>
      %dma_wait3A_81 = arith.constant 0 : i32
      %dma_wait3A_82 = tpu.memref_slice %arg15[%scan3A_76, %dma_wait3A_81] : memref<50x128xi32, #tpu.memory_space<vmem>> -> memref<1x128xi32, #tpu.memory_space<vmem>>
      %dma_wait3A_83 = tpu.memref_squeeze %dma_wait3A_82 : memref<1x128xi32, #tpu.memory_space<vmem>> -> memref<128xi32, #tpu.memory_space<vmem>>
      %dma_wait3A_84 = arith.constant 0 : i32
      %dma_wait3A_85 = arith.constant 0 : i32
      %dma_wait3A_86 = tpu.memref_slice %arg3[%dma_wait3A_84, %dma_wait3A_85] : memref<10240x128xf32, #tpu.memory_space<hbm>> -> memref<10240x128xf32, #tpu.memory_space<hbm>>
      tpu.wait_indirect_dma semaphore(%arg19 : memref<!tpu.dma_semaphore, #tpu.memory_space<semaphore_mem>>) src(%dma_wait3A_86 : memref<10240x128xf32, #tpu.memory_space<hbm>>) dst(%dma_wait3A_80 : memref<128x128xf32, #tpu.memory_space<vmem>>)
      %add3A_87 = arith.constant 1 : i32
      %add3A_88 = arith.addi %scan3A_76, %add3A_87 : i32
      %lt3A = arith.constant 50 : i32
      %lt3A_89 = arith.cmpi slt, %add3A_88, %lt3A : i32
      %convert_element_type3A = arith.extui %lt3A_89 : i1 to i32
      %cond3A = arith.constant 0 : i32
      %cond3A_90 = arith.cmpi ne, %convert_element_type3A, %cond3A : i32
      scf.if %cond3A_90 {
        %rem3A_91 = arith.constant 2 : i32
        %rem3A_92 = arith.remsi %add3A_88, %rem3A_91 : i32
        %dma_start3A_93 = arith.constant 0 : i32
        %dma_start3A_94 = arith.constant 0 : i32
        %dma_start3A_95 = tpu.memref_slice %arg17[%rem3A_92, %dma_start3A_93, %dma_start3A_94] : memref<2x128x128xf32, #tpu.memory_space<vmem>> -> memref<1x128x128xf32, #tpu.memory_space<vmem>>
        %dma_start3A_96 = tpu.memref_squeeze %dma_start3A_95 : memref<1x128x128xf32, #tpu.memory_space<vmem>> -> memref<128x128xf32, #tpu.memory_space<vmem>>
        %dma_start3A_97 = arith.constant 0 : i32
        %dma_start3A_98 = tpu.memref_slice %arg15[%add3A_88, %dma_start3A_97] : memref<50x128xi32, #tpu.memory_space<vmem>> -> memref<1x128xi32, #tpu.memory_space<vmem>>
        %dma_start3A_99 = tpu.memref_squeeze %dma_start3A_98 : memref<1x128xi32, #tpu.memory_space<vmem>> -> memref<128xi32, #tpu.memory_space<vmem>>
        %dma_start3A_100 = arith.constant 0 : i32
        %dma_start3A_101 = arith.constant 0 : i32
        %dma_start3A_102 = tpu.memref_slice %arg3[%dma_start3A_100, %dma_start3A_101] : memref<10240x128xf32, #tpu.memory_space<hbm>> -> memref<10240x128xf32, #tpu.memory_space<hbm>>
        tpu.enqueue_indirect_dma source(%dma_start3A_102 : memref<10240x128xf32, #tpu.memory_space<hbm>>) target(%dma_start3A_96 : memref<128x128xf32, #tpu.memory_space<vmem>>) offsets(%dma_start3A_99 : memref<128xi32, #tpu.memory_space<vmem>>) semaphore(%arg19 : memref<!tpu.dma_semaphore, #tpu.memory_space<semaphore_mem>>)
      } else {
      }
      "tpu.region"() ({
        %run_scoped3A = tpu.sem_alloc : memref<!tpu.dma_semaphore, #tpu.memory_space<semaphore_mem>>
        %dma_start3A_91 = arith.constant 0 : i32
        %dma_start3A_92 = arith.constant 0 : i32
        %dma_start3A_93 = tpu.memref_slice %arg17[%rem3A_77, %dma_start3A_91, %dma_start3A_92] : memref<2x128x128xf32, #tpu.memory_space<vmem>> -> memref<1x128x128xf32, #tpu.memory_space<vmem>>
        %dma_start3A_94 = tpu.memref_squeeze %dma_start3A_93 : memref<1x128x128xf32, #tpu.memory_space<vmem>> -> memref<128x128xf32, #tpu.memory_space<vmem>>
        %dma_start3A_95 = arith.constant 0 : i32
        %dma_start3A_96 = tpu.memref_slice %arg16[%scan3A_76, %dma_start3A_95] : memref<50x128xi32, #tpu.memory_space<vmem>> -> memref<1x128xi32, #tpu.memory_space<vmem>>
        %dma_start3A_97 = tpu.memref_squeeze %dma_start3A_96 : memref<1x128xi32, #tpu.memory_space<vmem>> -> memref<128xi32, #tpu.memory_space<vmem>>
        %dma_start3A_98 = arith.constant 0 : i32
        %dma_start3A_99 = arith.constant 0 : i32
        %dma_start3A_100 = tpu.memref_slice %arg18[%dma_start3A_98, %dma_start3A_99] : memref<10240x128xf32, #tpu.memory_space<vmem_shared>> -> memref<10240x128xf32, #tpu.memory_space<vmem_shared>>
        tpu.enqueue_indirect_dma source(%dma_start3A_94 : memref<128x128xf32, #tpu.memory_space<vmem>>) target(%dma_start3A_100 : memref<10240x128xf32, #tpu.memory_space<vmem_shared>>) offsets(%dma_start3A_97 : memref<128xi32, #tpu.memory_space<vmem>>) semaphore(%run_scoped3A : memref<!tpu.dma_semaphore, #tpu.memory_space<semaphore_mem>>) {add = true}
        %dma_wait3A_101 = arith.constant 0 : i32
        %dma_wait3A_102 = arith.constant 0 : i32
        %dma_wait3A_103 = tpu.memref_slice %arg17[%rem3A_77, %dma_wait3A_101, %dma_wait3A_102] : memref<2x128x128xf32, #tpu.memory_space<vmem>> -> memref<1x128x128xf32, #tpu.memory_space<vmem>>
        %dma_wait3A_104 = tpu.memref_squeeze %dma_wait3A_103 : memref<1x128x128xf32, #tpu.memory_space<vmem>> -> memref<128x128xf32, #tpu.memory_space<vmem>>
        %dma_wait3A_105 = arith.constant 0 : i32
        %dma_wait3A_106 = tpu.memref_slice %arg16[%scan3A_76, %dma_wait3A_105] : memref<50x128xi32, #tpu.memory_space<vmem>> -> memref<1x128xi32, #tpu.memory_space<vmem>>
        %dma_wait3A_107 = tpu.memref_squeeze %dma_wait3A_106 : memref<1x128xi32, #tpu.memory_space<vmem>> -> memref<128xi32, #tpu.memory_space<vmem>>
        %dma_wait3A_108 = arith.constant 0 : i32
        %dma_wait3A_109 = arith.constant 0 : i32
        %dma_wait3A_110 = tpu.memref_slice %arg18[%dma_wait3A_108, %dma_wait3A_109] : memref<10240x128xf32, #tpu.memory_space<vmem_shared>> -> memref<10240x128xf32, #tpu.memory_space<vmem_shared>>
        tpu.wait_indirect_dma semaphore(%run_scoped3A : memref<!tpu.dma_semaphore, #tpu.memory_space<semaphore_mem>>) src(%dma_wait3A_104 : memref<128x128xf32, #tpu.memory_space<vmem>>) dst(%dma_wait3A_110 : memref<10240x128xf32, #tpu.memory_space<vmem_shared>>)
        tpu.yield
      }) : () -> ()
    }
    %scan3A_44 = arith.constant 50 : i32
    %barrier3A_45 = arith.constant 0 : index
    tpu.barrier barrier_id(%barrier3A_45)
    %mul3A_46 = arith.constant 640 : i32
    %mul3A_47 = arith.muli %arg1, %mul3A_46 : i32
    %mul3A_48 = arith.constant 640 : i32
    %mul3A_49 = arith.muli %arg1, %mul3A_48 : i32
    "tpu.region"() ({
      %run_scoped3A = tpu.sem_alloc : memref<!tpu.dma_semaphore, #tpu.memory_space<semaphore_mem>>
      %dma_start3A_76 = arith.constant 0 : i32
      %dma_start3A_77 = tpu.memref_slice %arg13[%arg0, %mul3A_49, %dma_start3A_76] : memref<2x10240x128xf32, #tpu.memory_space<hbm>> -> memref<1x640x128xf32, #tpu.memory_space<hbm>>
      %dma_start3A_78 = tpu.memref_squeeze %dma_start3A_77 : memref<1x640x128xf32, #tpu.memory_space<hbm>> -> memref<640x128xf32, #tpu.memory_space<hbm>>
      %dma_start3A_79 = arith.constant 0 : i32
      %dma_start3A_80 = tpu.memref_slice %arg18[%mul3A_47, %dma_start3A_79] : memref<10240x128xf32, #tpu.memory_space<vmem_shared>> -> memref<640x128xf32, #tpu.memory_space<vmem_shared>>
      tpu.enqueue_dma source(%dma_start3A_80 : memref<640x128xf32, #tpu.memory_space<vmem_shared>>) target(%dma_start3A_78 : memref<640x128xf32, #tpu.memory_space<hbm>>) target_semaphore(%run_scoped3A : memref<!tpu.dma_semaphore, #tpu.memory_space<semaphore_mem>>)
      %dma_wait3A = arith.constant 0 : i32
      %dma_wait3A_81 = tpu.memref_slice %arg13[%arg0, %mul3A_49, %dma_wait3A] : memref<2x10240x128xf32, #tpu.memory_space<hbm>> -> memref<1x640x128xf32, #tpu.memory_space<hbm>>
      %dma_wait3A_82 = tpu.memref_squeeze %dma_wait3A_81 : memref<1x640x128xf32, #tpu.memory_space<hbm>> -> memref<640x128xf32, #tpu.memory_space<hbm>>
      %dma_wait3A_83 = arith.constant 0 : i32
      %dma_wait3A_84 = tpu.memref_slice %arg18[%mul3A_47, %dma_wait3A_83] : memref<10240x128xf32, #tpu.memory_space<vmem_shared>> -> memref<640x128xf32, #tpu.memory_space<vmem_shared>>
      tpu.wait_dma2 semaphore(%run_scoped3A : memref<!tpu.dma_semaphore, #tpu.memory_space<semaphore_mem>>) src(%dma_wait3A_84 : memref<640x128xf32, #tpu.memory_space<vmem_shared>>) dst(%dma_wait3A_82 : memref<640x128xf32, #tpu.memory_space<hbm>>)
      tpu.yield
    }) : () -> ()
    %mul3A_50 = arith.constant 640 : i32
    %mul3A_51 = arith.muli %arg1, %mul3A_50 : i32
    "tpu.region"() ({
      %run_scoped3A = tpu.sem_alloc : memref<!tpu.dma_semaphore, #tpu.memory_space<semaphore_mem>>
      %dma_start3A_76 = arith.constant 0 : i32
      %dma_start3A_77 = tpu.memref_slice %arg18[%mul3A_51, %dma_start3A_76] : memref<10240x128xf32, #tpu.memory_space<vmem_shared>> -> memref<640x128xf32, #tpu.memory_space<vmem_shared>>
      tpu.enqueue_dma source(%arg11 : memref<640x128xf32, #tpu.memory_space<hbm>>) target(%dma_start3A_77 : memref<640x128xf32, #tpu.memory_space<vmem_shared>>) target_semaphore(%run_scoped3A : memref<!tpu.dma_semaphore, #tpu.memory_space<semaphore_mem>>)
      %dma_wait3A = arith.constant 0 : i32
      %dma_wait3A_78 = tpu.memref_slice %arg18[%mul3A_51, %dma_wait3A] : memref<10240x128xf32, #tpu.memory_space<vmem_shared>> -> memref<640x128xf32, #tpu.memory_space<vmem_shared>>
      tpu.wait_dma2 semaphore(%run_scoped3A : memref<!tpu.dma_semaphore, #tpu.memory_space<semaphore_mem>>) src(%arg11 : memref<640x128xf32, #tpu.memory_space<hbm>>) dst(%dma_wait3A_78 : memref<640x128xf32, #tpu.memory_space<vmem_shared>>)
      tpu.yield
    }) : () -> ()
    "tpu.region"() ({
      %run_scoped3A = tpu.sem_alloc : memref<!tpu.dma_semaphore, #tpu.memory_space<semaphore_mem>>
      %dma_start3A_76 = arith.constant 0 : i32
      %dma_start3A_77 = arith.constant 0 : i32
      %dma_start3A_78 = tpu.memref_slice %arg7[%add3A, %dma_start3A_76, %dma_start3A_77] : memref<32x50x128xi32, #tpu.memory_space<hbm>> -> memref<1x50x128xi32, #tpu.memory_space<hbm>>
      %dma_start3A_79 = tpu.memref_squeeze %dma_start3A_78 : memref<1x50x128xi32, #tpu.memory_space<hbm>> -> memref<50x128xi32, #tpu.memory_space<hbm>>
      %dma_start3A_80 = arith.constant 0 : i32
      %dma_start3A_81 = arith.constant 0 : i32
      %dma_start3A_82 = tpu.memref_slice %arg7[%add3A, %dma_start3A_80, %dma_start3A_81] : memref<32x50x128xi32, #tpu.memory_space<hbm>> -> memref<1x50x128xi32, #tpu.memory_space<hbm>>
      %dma_start3A_83 = tpu.memref_squeeze %dma_start3A_82 : memref<1x50x128xi32, #tpu.memory_space<hbm>> -> memref<50x128xi32, #tpu.memory_space<hbm>>
      tpu.enqueue_dma source(%dma_start3A_83 : memref<50x128xi32, #tpu.memory_space<hbm>>) target(%arg15 : memref<50x128xi32, #tpu.memory_space<vmem>>) target_semaphore(%run_scoped3A : memref<!tpu.dma_semaphore, #tpu.memory_space<semaphore_mem>>)
      %dma_wait3A = arith.constant 0 : i32
      %dma_wait3A_84 = arith.constant 0 : i32
      %dma_wait3A_85 = tpu.memref_slice %arg7[%add3A, %dma_wait3A, %dma_wait3A_84] : memref<32x50x128xi32, #tpu.memory_space<hbm>> -> memref<1x50x128xi32, #tpu.memory_space<hbm>>
      %dma_wait3A_86 = tpu.memref_squeeze %dma_wait3A_85 : memref<1x50x128xi32, #tpu.memory_space<hbm>> -> memref<50x128xi32, #tpu.memory_space<hbm>>
      %dma_wait3A_87 = arith.constant 0 : i32
      %dma_wait3A_88 = arith.constant 0 : i32
      %dma_wait3A_89 = tpu.memref_slice %arg7[%add3A, %dma_wait3A_87, %dma_wait3A_88] : memref<32x50x128xi32, #tpu.memory_space<hbm>> -> memref<1x50x128xi32, #tpu.memory_space<hbm>>
      %dma_wait3A_90 = tpu.memref_squeeze %dma_wait3A_89 : memref<1x50x128xi32, #tpu.memory_space<hbm>> -> memref<50x128xi32, #tpu.memory_space<hbm>>
      tpu.wait_dma2 semaphore(%run_scoped3A : memref<!tpu.dma_semaphore, #tpu.memory_space<semaphore_mem>>) src(%dma_wait3A_90 : memref<50x128xi32, #tpu.memory_space<hbm>>) dst(%arg15 : memref<50x128xi32, #tpu.memory_space<vmem>>)
      tpu.yield
    }) : () -> ()
    "tpu.region"() ({
      %run_scoped3A = tpu.sem_alloc : memref<!tpu.dma_semaphore, #tpu.memory_space<semaphore_mem>>
      %dma_start3A_76 = arith.constant 0 : i32
      %dma_start3A_77 = arith.constant 0 : i32
      %dma_start3A_78 = tpu.memref_slice %arg10[%add3A, %dma_start3A_76, %dma_start3A_77] : memref<32x50x128xi32, #tpu.memory_space<hbm>> -> memref<1x50x128xi32, #tpu.memory_space<hbm>>
      %dma_start3A_79 = tpu.memref_squeeze %dma_start3A_78 : memref<1x50x128xi32, #tpu.memory_space<hbm>> -> memref<50x128xi32, #tpu.memory_space<hbm>>
      %dma_start3A_80 = arith.constant 0 : i32
      %dma_start3A_81 = arith.constant 0 : i32
      %dma_start3A_82 = tpu.memref_slice %arg10[%add3A, %dma_start3A_80, %dma_start3A_81] : memref<32x50x128xi32, #tpu.memory_space<hbm>> -> memref<1x50x128xi32, #tpu.memory_space<hbm>>
      %dma_start3A_83 = tpu.memref_squeeze %dma_start3A_82 : memref<1x50x128xi32, #tpu.memory_space<hbm>> -> memref<50x128xi32, #tpu.memory_space<hbm>>
      tpu.enqueue_dma source(%dma_start3A_83 : memref<50x128xi32, #tpu.memory_space<hbm>>) target(%arg16 : memref<50x128xi32, #tpu.memory_space<vmem>>) target_semaphore(%run_scoped3A : memref<!tpu.dma_semaphore, #tpu.memory_space<semaphore_mem>>)
      %dma_wait3A = arith.constant 0 : i32
      %dma_wait3A_84 = arith.constant 0 : i32
      %dma_wait3A_85 = tpu.memref_slice %arg10[%add3A, %dma_wait3A, %dma_wait3A_84] : memref<32x50x128xi32, #tpu.memory_space<hbm>> -> memref<1x50x128xi32, #tpu.memory_space<hbm>>
      %dma_wait3A_86 = tpu.memref_squeeze %dma_wait3A_85 : memref<1x50x128xi32, #tpu.memory_space<hbm>> -> memref<50x128xi32, #tpu.memory_space<hbm>>
      %dma_wait3A_87 = arith.constant 0 : i32
      %dma_wait3A_88 = arith.constant 0 : i32
      %dma_wait3A_89 = tpu.memref_slice %arg10[%add3A, %dma_wait3A_87, %dma_wait3A_88] : memref<32x50x128xi32, #tpu.memory_space<hbm>> -> memref<1x50x128xi32, #tpu.memory_space<hbm>>
      %dma_wait3A_90 = tpu.memref_squeeze %dma_wait3A_89 : memref<1x50x128xi32, #tpu.memory_space<hbm>> -> memref<50x128xi32, #tpu.memory_space<hbm>>
      tpu.wait_dma2 semaphore(%run_scoped3A : memref<!tpu.dma_semaphore, #tpu.memory_space<semaphore_mem>>) src(%dma_wait3A_90 : memref<50x128xi32, #tpu.memory_space<hbm>>) dst(%arg16 : memref<50x128xi32, #tpu.memory_space<vmem>>)
      tpu.yield
    }) : () -> ()
    %barrier3A_52 = arith.constant 0 : index
    tpu.barrier barrier_id(%barrier3A_52)
    %dma_start3A_53 = arith.constant 0 : i32
    %dma_start3A_54 = arith.constant 0 : i32
    %dma_start3A_55 = arith.constant 0 : i32
    %dma_start3A_56 = arith.constant 0 : i32
    %dma_start3A_57 = tpu.memref_slice %arg17[%dma_start3A_54, %dma_start3A_55, %dma_start3A_56] : memref<2x128x128xf32, #tpu.memory_space<vmem>> -> memref<1x128x128xf32, #tpu.memory_space<vmem>>
    %dma_start3A_58 = tpu.memref_squeeze %dma_start3A_57 : memref<1x128x128xf32, #tpu.memory_space<vmem>> -> memref<128x128xf32, #tpu.memory_space<vmem>>
    %dma_start3A_59 = arith.constant 0 : i32
    %dma_start3A_60 = tpu.memref_slice %arg15[%dma_start3A_53, %dma_start3A_59] : memref<50x128xi32, #tpu.memory_space<vmem>> -> memref<1x128xi32, #tpu.memory_space<vmem>>
    %dma_start3A_61 = tpu.memref_squeeze %dma_start3A_60 : memref<1x128xi32, #tpu.memory_space<vmem>> -> memref<128xi32, #tpu.memory_space<vmem>>
    %dma_start3A_62 = arith.constant 0 : i32
    %dma_start3A_63 = arith.constant 0 : i32
    %dma_start3A_64 = tpu.memref_slice %arg4[%dma_start3A_62, %dma_start3A_63] : memref<10240x128xf32, #tpu.memory_space<hbm>> -> memref<10240x128xf32, #tpu.memory_space<hbm>>
    tpu.enqueue_indirect_dma source(%dma_start3A_64 : memref<10240x128xf32, #tpu.memory_space<hbm>>) target(%dma_start3A_58 : memref<128x128xf32, #tpu.memory_space<vmem>>) offsets(%dma_start3A_61 : memref<128xi32, #tpu.memory_space<vmem>>) semaphore(%arg19 : memref<!tpu.dma_semaphore, #tpu.memory_space<semaphore_mem>>)
    %scan3A_65 = arith.constant 0 : i32
    %scan3A_66 = arith.constant 0 : i32
    %scan3A_67 = arith.constant 50 : i32
    %scan3A_68 = arith.addi %scan3A_66, %scan3A_67 : i32
    %scan3A_69 = arith.constant 1 : i32
    scf.for %scan3A_76 = %scan3A_66 to %scan3A_68 step %scan3A_69  : i32 {
      %rem3A = arith.constant 2 : i32
      %rem3A_77 = arith.remsi %scan3A_76, %rem3A : i32
      %dma_wait3A = arith.constant 0 : i32
      %dma_wait3A_78 = arith.constant 0 : i32
      %dma_wait3A_79 = tpu.memref_slice %arg17[%rem3A_77, %dma_wait3A, %dma_wait3A_78] : memref<2x128x128xf32, #tpu.memory_space<vmem>> -> memref<1x128x128xf32, #tpu.memory_space<vmem>>
      %dma_wait3A_80 = tpu.memref_squeeze %dma_wait3A_79 : memref<1x128x128xf32, #tpu.memory_space<vmem>> -> memref<128x128xf32, #tpu.memory_space<vmem>>
      %dma_wait3A_81 = arith.constant 0 : i32
      %dma_wait3A_82 = tpu.memref_slice %arg15[%scan3A_76, %dma_wait3A_81] : memref<50x128xi32, #tpu.memory_space<vmem>> -> memref<1x128xi32, #tpu.memory_space<vmem>>
      %dma_wait3A_83 = tpu.memref_squeeze %dma_wait3A_82 : memref<1x128xi32, #tpu.memory_space<vmem>> -> memref<128xi32, #tpu.memory_space<vmem>>
      %dma_wait3A_84 = arith.constant 0 : i32
      %dma_wait3A_85 = arith.constant 0 : i32
      %dma_wait3A_86 = tpu.memref_slice %arg4[%dma_wait3A_84, %dma_wait3A_85] : memref<10240x128xf32, #tpu.memory_space<hbm>> -> memref<10240x128xf32, #tpu.memory_space<hbm>>
      tpu.wait_indirect_dma semaphore(%arg19 : memref<!tpu.dma_semaphore, #tpu.memory_space<semaphore_mem>>) src(%dma_wait3A_86 : memref<10240x128xf32, #tpu.memory_space<hbm>>) dst(%dma_wait3A_80 : memref<128x128xf32, #tpu.memory_space<vmem>>)
      %add3A_87 = arith.constant 1 : i32
      %add3A_88 = arith.addi %scan3A_76, %add3A_87 : i32
      %lt3A = arith.constant 50 : i32
      %lt3A_89 = arith.cmpi slt, %add3A_88, %lt3A : i32
      %convert_element_type3A = arith.extui %lt3A_89 : i1 to i32
      %cond3A = arith.constant 0 : i32
      %cond3A_90 = arith.cmpi ne, %convert_element_type3A, %cond3A : i32
      scf.if %cond3A_90 {
        %rem3A_91 = arith.constant 2 : i32
        %rem3A_92 = arith.remsi %add3A_88, %rem3A_91 : i32
        %dma_start3A_93 = arith.constant 0 : i32
        %dma_start3A_94 = arith.constant 0 : i32
        %dma_start3A_95 = tpu.memref_slice %arg17[%rem3A_92, %dma_start3A_93, %dma_start3A_94] : memref<2x128x128xf32, #tpu.memory_space<vmem>> -> memref<1x128x128xf32, #tpu.memory_space<vmem>>
        %dma_start3A_96 = tpu.memref_squeeze %dma_start3A_95 : memref<1x128x128xf32, #tpu.memory_space<vmem>> -> memref<128x128xf32, #tpu.memory_space<vmem>>
        %dma_start3A_97 = arith.constant 0 : i32
        %dma_start3A_98 = tpu.memref_slice %arg15[%add3A_88, %dma_start3A_97] : memref<50x128xi32, #tpu.memory_space<vmem>> -> memref<1x128xi32, #tpu.memory_space<vmem>>
        %dma_start3A_99 = tpu.memref_squeeze %dma_start3A_98 : memref<1x128xi32, #tpu.memory_space<vmem>> -> memref<128xi32, #tpu.memory_space<vmem>>
        %dma_start3A_100 = arith.constant 0 : i32
        %dma_start3A_101 = arith.constant 0 : i32
        %dma_start3A_102 = tpu.memref_slice %arg4[%dma_start3A_100, %dma_start3A_101] : memref<10240x128xf32, #tpu.memory_space<hbm>> -> memref<10240x128xf32, #tpu.memory_space<hbm>>
        tpu.enqueue_indirect_dma source(%dma_start3A_102 : memref<10240x128xf32, #tpu.memory_space<hbm>>) target(%dma_start3A_96 : memref<128x128xf32, #tpu.memory_space<vmem>>) offsets(%dma_start3A_99 : memref<128xi32, #tpu.memory_space<vmem>>) semaphore(%arg19 : memref<!tpu.dma_semaphore, #tpu.memory_space<semaphore_mem>>)
      } else {
      }
      "tpu.region"() ({
        %run_scoped3A = tpu.sem_alloc : memref<!tpu.dma_semaphore, #tpu.memory_space<semaphore_mem>>
        %dma_start3A_91 = arith.constant 0 : i32
        %dma_start3A_92 = arith.constant 0 : i32
        %dma_start3A_93 = tpu.memref_slice %arg17[%rem3A_77, %dma_start3A_91, %dma_start3A_92] : memref<2x128x128xf32, #tpu.memory_space<vmem>> -> memref<1x128x128xf32, #tpu.memory_space<vmem>>
        %dma_start3A_94 = tpu.memref_squeeze %dma_start3A_93 : memref<1x128x128xf32, #tpu.memory_space<vmem>> -> memref<128x128xf32, #tpu.memory_space<vmem>>
        %dma_start3A_95 = arith.constant 0 : i32
        %dma_start3A_96 = tpu.memref_slice %arg16[%scan3A_76, %dma_start3A_95] : memref<50x128xi32, #tpu.memory_space<vmem>> -> memref<1x128xi32, #tpu.memory_space<vmem>>
        %dma_start3A_97 = tpu.memref_squeeze %dma_start3A_96 : memref<1x128xi32, #tpu.memory_space<vmem>> -> memref<128xi32, #tpu.memory_space<vmem>>
        %dma_start3A_98 = arith.constant 0 : i32
        %dma_start3A_99 = arith.constant 0 : i32
        %dma_start3A_100 = tpu.memref_slice %arg18[%dma_start3A_98, %dma_start3A_99] : memref<10240x128xf32, #tpu.memory_space<vmem_shared>> -> memref<10240x128xf32, #tpu.memory_space<vmem_shared>>
        tpu.enqueue_indirect_dma source(%dma_start3A_94 : memref<128x128xf32, #tpu.memory_space<vmem>>) target(%dma_start3A_100 : memref<10240x128xf32, #tpu.memory_space<vmem_shared>>) offsets(%dma_start3A_97 : memref<128xi32, #tpu.memory_space<vmem>>) semaphore(%run_scoped3A : memref<!tpu.dma_semaphore, #tpu.memory_space<semaphore_mem>>) {add = true}
        %dma_wait3A_101 = arith.constant 0 : i32
        %dma_wait3A_102 = arith.constant 0 : i32
        %dma_wait3A_103 = tpu.memref_slice %arg17[%rem3A_77, %dma_wait3A_101, %dma_wait3A_102] : memref<2x128x128xf32, #tpu.memory_space<vmem>> -> memref<1x128x128xf32, #tpu.memory_space<vmem>>
        %dma_wait3A_104 = tpu.memref_squeeze %dma_wait3A_103 : memref<1x128x128xf32, #tpu.memory_space<vmem>> -> memref<128x128xf32, #tpu.memory_space<vmem>>
        %dma_wait3A_105 = arith.constant 0 : i32
        %dma_wait3A_106 = tpu.memref_slice %arg16[%scan3A_76, %dma_wait3A_105] : memref<50x128xi32, #tpu.memory_space<vmem>> -> memref<1x128xi32, #tpu.memory_space<vmem>>
        %dma_wait3A_107 = tpu.memref_squeeze %dma_wait3A_106 : memref<1x128xi32, #tpu.memory_space<vmem>> -> memref<128xi32, #tpu.memory_space<vmem>>
        %dma_wait3A_108 = arith.constant 0 : i32
        %dma_wait3A_109 = arith.constant 0 : i32
        %dma_wait3A_110 = tpu.memref_slice %arg18[%dma_wait3A_108, %dma_wait3A_109] : memref<10240x128xf32, #tpu.memory_space<vmem_shared>> -> memref<10240x128xf32, #tpu.memory_space<vmem_shared>>
        tpu.wait_indirect_dma semaphore(%run_scoped3A : memref<!tpu.dma_semaphore, #tpu.memory_space<semaphore_mem>>) src(%dma_wait3A_104 : memref<128x128xf32, #tpu.memory_space<vmem>>) dst(%dma_wait3A_110 : memref<10240x128xf32, #tpu.memory_space<vmem_shared>>)
        tpu.yield
      }) : () -> ()
    }
    %scan3A_70 = arith.constant 50 : i32
    %barrier3A_71 = arith.constant 0 : index
    tpu.barrier barrier_id(%barrier3A_71)
    %mul3A_72 = arith.constant 640 : i32
    %mul3A_73 = arith.muli %arg1, %mul3A_72 : i32
    %mul3A_74 = arith.constant 640 : i32
    %mul3A_75 = arith.muli %arg1, %mul3A_74 : i32
    "tpu.region"() ({
      %run_scoped3A = tpu.sem_alloc : memref<!tpu.dma_semaphore, #tpu.memory_space<semaphore_mem>>
      %dma_start3A_76 = arith.constant 0 : i32
      %dma_start3A_77 = tpu.memref_slice %arg14[%arg0, %mul3A_75, %dma_start3A_76] : memref<2x10240x128xf32, #tpu.memory_space<hbm>> -> memref<1x640x128xf32, #tpu.memory_space<hbm>>
      %dma_start3A_78 = tpu.memref_squeeze %dma_start3A_77 : memref<1x640x128xf32, #tpu.memory_space<hbm>> -> memref<640x128xf32, #tpu.memory_space<hbm>>
      %dma_start3A_79 = arith.constant 0 : i32
      %dma_start3A_80 = tpu.memref_slice %arg18[%mul3A_73, %dma_start3A_79] : memref<10240x128xf32, #tpu.memory_space<vmem_shared>> -> memref<640x128xf32, #tpu.memory_space<vmem_shared>>
      tpu.enqueue_dma source(%dma_start3A_80 : memref<640x128xf32, #tpu.memory_space<vmem_shared>>) target(%dma_start3A_78 : memref<640x128xf32, #tpu.memory_space<hbm>>) target_semaphore(%run_scoped3A : memref<!tpu.dma_semaphore, #tpu.memory_space<semaphore_mem>>)
      %dma_wait3A = arith.constant 0 : i32
      %dma_wait3A_81 = tpu.memref_slice %arg14[%arg0, %mul3A_75, %dma_wait3A] : memref<2x10240x128xf32, #tpu.memory_space<hbm>> -> memref<1x640x128xf32, #tpu.memory_space<hbm>>
      %dma_wait3A_82 = tpu.memref_squeeze %dma_wait3A_81 : memref<1x640x128xf32, #tpu.memory_space<hbm>> -> memref<640x128xf32, #tpu.memory_space<hbm>>
      %dma_wait3A_83 = arith.constant 0 : i32
      %dma_wait3A_84 = tpu.memref_slice %arg18[%mul3A_73, %dma_wait3A_83] : memref<10240x128xf32, #tpu.memory_space<vmem_shared>> -> memref<640x128xf32, #tpu.memory_space<vmem_shared>>
      tpu.wait_dma2 semaphore(%run_scoped3A : memref<!tpu.dma_semaphore, #tpu.memory_space<semaphore_mem>>) src(%dma_wait3A_84 : memref<640x128xf32, #tpu.memory_space<vmem_shared>>) dst(%dma_wait3A_82 : memref<640x128xf32, #tpu.memory_space<hbm>>)
      tpu.yield
    }) : () -> ()
    return
  }
}

#map = affine_map<(d0, d1) -> (0, 0)>
#map1 = affine_map<(d0, d1) -> (0, 0, 0)>
module attributes {stable_mosaic.version = 14 : i64} {
  func.func @seg_kernel(%arg0: i32, %arg1: i32, %arg2: memref<10240x128xf32, #tpu.memory_space<hbm>>, %arg3: memref<10240x128xf32, #tpu.memory_space<hbm>>, %arg4: memref<32x50x128xi32, #tpu.memory_space<hbm>>, %arg5: memref<32x50x128xi32, #tpu.memory_space<hbm>>, %arg6: memref<32x50x128xi32, #tpu.memory_space<hbm>>, %arg7: memref<32x50x128xi32, #tpu.memory_space<hbm>>, %arg8: memref<640x128xf32, #tpu.memory_space<hbm>>, %arg9: memref<2x10240x128xf32, #tpu.memory_space<hbm>>, %arg10: memref<2x10240x128xf32, #tpu.memory_space<hbm>>, %arg11: memref<50x128xi32, #tpu.memory_space<vmem>>, %arg12: memref<50x128xi32, #tpu.memory_space<vmem>>, %arg13: memref<2x128x128xf32, #tpu.memory_space<vmem>>, %arg14: memref<10240x128xf32, #tpu.memory_space<vmem_shared>>, %arg15: memref<!tpu.dma_semaphore, #tpu.memory_space<semaphore_mem>>) attributes {dimension_semantics = [#tpu.dimension_semantics<core_parallel>, #tpu.dimension_semantics<subcore_parallel>], iteration_bounds = array<i64: 2, 16>, scalar_prefetch = 0 : i64, scratch_operands = 5 : i64, tpu.core_type = #tpu.core_type<sc_vector_subcore>, window_params = [{transform_indices = #map}, {transform_indices = #map}, {transform_indices = #map1}, {transform_indices = #map1}, {transform_indices = #map1}, {transform_indices = #map1}, {transform_indices = #map}, {transform_indices = #map1}, {transform_indices = #map1}]} {
    %mul3A = arith.constant 16 : i32
    %mul3A_0 = arith.muli %arg0, %mul3A : i32
    %add3A = arith.addi %mul3A_0, %arg1 : i32
    %mul3A_1 = arith.constant 640 : i32
    %mul3A_2 = arith.muli %arg1, %mul3A_1 : i32
    "tpu.region"() ({
      %run_scoped3A = tpu.sem_alloc : memref<!tpu.dma_semaphore, #tpu.memory_space<semaphore_mem>>
      %dma_start3A_50 = arith.constant 0 : i32
      %dma_start3A_51 = tpu.memref_slice %arg14[%mul3A_2, %dma_start3A_50] : memref<10240x128xf32, #tpu.memory_space<vmem_shared>> -> memref<640x128xf32, #tpu.memory_space<vmem_shared>>
      tpu.enqueue_dma source(%arg8 : memref<640x128xf32, #tpu.memory_space<hbm>>) target(%dma_start3A_51 : memref<640x128xf32, #tpu.memory_space<vmem_shared>>) target_semaphore(%run_scoped3A : memref<!tpu.dma_semaphore, #tpu.memory_space<semaphore_mem>>)
      %dma_wait3A = arith.constant 0 : i32
      %dma_wait3A_52 = tpu.memref_slice %arg14[%mul3A_2, %dma_wait3A] : memref<10240x128xf32, #tpu.memory_space<vmem_shared>> -> memref<640x128xf32, #tpu.memory_space<vmem_shared>>
      tpu.wait_dma2 semaphore(%run_scoped3A : memref<!tpu.dma_semaphore, #tpu.memory_space<semaphore_mem>>) src(%arg8 : memref<640x128xf32, #tpu.memory_space<hbm>>) dst(%dma_wait3A_52 : memref<640x128xf32, #tpu.memory_space<vmem_shared>>)
      tpu.yield
    }) : () -> ()
    "tpu.region"() ({
      %run_scoped3A = tpu.sem_alloc : memref<!tpu.dma_semaphore, #tpu.memory_space<semaphore_mem>>
      %dma_start3A_50 = arith.constant 0 : i32
      %dma_start3A_51 = arith.constant 0 : i32
      %dma_start3A_52 = tpu.memref_slice %arg4[%add3A, %dma_start3A_50, %dma_start3A_51] : memref<32x50x128xi32, #tpu.memory_space<hbm>> -> memref<1x50x128xi32, #tpu.memory_space<hbm>>
      %dma_start3A_53 = tpu.memref_squeeze %dma_start3A_52 : memref<1x50x128xi32, #tpu.memory_space<hbm>> -> memref<50x128xi32, #tpu.memory_space<hbm>>
      %dma_start3A_54 = arith.constant 0 : i32
      %dma_start3A_55 = arith.constant 0 : i32
      %dma_start3A_56 = tpu.memref_slice %arg4[%add3A, %dma_start3A_54, %dma_start3A_55] : memref<32x50x128xi32, #tpu.memory_space<hbm>> -> memref<1x50x128xi32, #tpu.memory_space<hbm>>
      %dma_start3A_57 = tpu.memref_squeeze %dma_start3A_56 : memref<1x50x128xi32, #tpu.memory_space<hbm>> -> memref<50x128xi32, #tpu.memory_space<hbm>>
      tpu.enqueue_dma source(%dma_start3A_57 : memref<50x128xi32, #tpu.memory_space<hbm>>) target(%arg11 : memref<50x128xi32, #tpu.memory_space<vmem>>) target_semaphore(%run_scoped3A : memref<!tpu.dma_semaphore, #tpu.memory_space<semaphore_mem>>)
      %dma_wait3A = arith.constant 0 : i32
      %dma_wait3A_58 = arith.constant 0 : i32
      %dma_wait3A_59 = tpu.memref_slice %arg4[%add3A, %dma_wait3A, %dma_wait3A_58] : memref<32x50x128xi32, #tpu.memory_space<hbm>> -> memref<1x50x128xi32, #tpu.memory_space<hbm>>
      %dma_wait3A_60 = tpu.memref_squeeze %dma_wait3A_59 : memref<1x50x128xi32, #tpu.memory_space<hbm>> -> memref<50x128xi32, #tpu.memory_space<hbm>>
      %dma_wait3A_61 = arith.constant 0 : i32
      %dma_wait3A_62 = arith.constant 0 : i32
      %dma_wait3A_63 = tpu.memref_slice %arg4[%add3A, %dma_wait3A_61, %dma_wait3A_62] : memref<32x50x128xi32, #tpu.memory_space<hbm>> -> memref<1x50x128xi32, #tpu.memory_space<hbm>>
      %dma_wait3A_64 = tpu.memref_squeeze %dma_wait3A_63 : memref<1x50x128xi32, #tpu.memory_space<hbm>> -> memref<50x128xi32, #tpu.memory_space<hbm>>
      tpu.wait_dma2 semaphore(%run_scoped3A : memref<!tpu.dma_semaphore, #tpu.memory_space<semaphore_mem>>) src(%dma_wait3A_64 : memref<50x128xi32, #tpu.memory_space<hbm>>) dst(%arg11 : memref<50x128xi32, #tpu.memory_space<vmem>>)
      tpu.yield
    }) : () -> ()
    "tpu.region"() ({
      %run_scoped3A = tpu.sem_alloc : memref<!tpu.dma_semaphore, #tpu.memory_space<semaphore_mem>>
      %dma_start3A_50 = arith.constant 0 : i32
      %dma_start3A_51 = arith.constant 0 : i32
      %dma_start3A_52 = tpu.memref_slice %arg6[%add3A, %dma_start3A_50, %dma_start3A_51] : memref<32x50x128xi32, #tpu.memory_space<hbm>> -> memref<1x50x128xi32, #tpu.memory_space<hbm>>
      %dma_start3A_53 = tpu.memref_squeeze %dma_start3A_52 : memref<1x50x128xi32, #tpu.memory_space<hbm>> -> memref<50x128xi32, #tpu.memory_space<hbm>>
      %dma_start3A_54 = arith.constant 0 : i32
      %dma_start3A_55 = arith.constant 0 : i32
      %dma_start3A_56 = tpu.memref_slice %arg6[%add3A, %dma_start3A_54, %dma_start3A_55] : memref<32x50x128xi32, #tpu.memory_space<hbm>> -> memref<1x50x128xi32, #tpu.memory_space<hbm>>
      %dma_start3A_57 = tpu.memref_squeeze %dma_start3A_56 : memref<1x50x128xi32, #tpu.memory_space<hbm>> -> memref<50x128xi32, #tpu.memory_space<hbm>>
      tpu.enqueue_dma source(%dma_start3A_57 : memref<50x128xi32, #tpu.memory_space<hbm>>) target(%arg12 : memref<50x128xi32, #tpu.memory_space<vmem>>) target_semaphore(%run_scoped3A : memref<!tpu.dma_semaphore, #tpu.memory_space<semaphore_mem>>)
      %dma_wait3A = arith.constant 0 : i32
      %dma_wait3A_58 = arith.constant 0 : i32
      %dma_wait3A_59 = tpu.memref_slice %arg6[%add3A, %dma_wait3A, %dma_wait3A_58] : memref<32x50x128xi32, #tpu.memory_space<hbm>> -> memref<1x50x128xi32, #tpu.memory_space<hbm>>
      %dma_wait3A_60 = tpu.memref_squeeze %dma_wait3A_59 : memref<1x50x128xi32, #tpu.memory_space<hbm>> -> memref<50x128xi32, #tpu.memory_space<hbm>>
      %dma_wait3A_61 = arith.constant 0 : i32
      %dma_wait3A_62 = arith.constant 0 : i32
      %dma_wait3A_63 = tpu.memref_slice %arg6[%add3A, %dma_wait3A_61, %dma_wait3A_62] : memref<32x50x128xi32, #tpu.memory_space<hbm>> -> memref<1x50x128xi32, #tpu.memory_space<hbm>>
      %dma_wait3A_64 = tpu.memref_squeeze %dma_wait3A_63 : memref<1x50x128xi32, #tpu.memory_space<hbm>> -> memref<50x128xi32, #tpu.memory_space<hbm>>
      tpu.wait_dma2 semaphore(%run_scoped3A : memref<!tpu.dma_semaphore, #tpu.memory_space<semaphore_mem>>) src(%dma_wait3A_64 : memref<50x128xi32, #tpu.memory_space<hbm>>) dst(%arg12 : memref<50x128xi32, #tpu.memory_space<vmem>>)
      tpu.yield
    }) : () -> ()
    %barrier3A = arith.constant 0 : index
    tpu.barrier barrier_id(%barrier3A)
    %dma_start3A = arith.constant 0 : i32
    %dma_start3A_3 = arith.constant 0 : i32
    %dma_start3A_4 = arith.constant 0 : i32
    %dma_start3A_5 = arith.constant 0 : i32
    %dma_start3A_6 = tpu.memref_slice %arg13[%dma_start3A_3, %dma_start3A_4, %dma_start3A_5] : memref<2x128x128xf32, #tpu.memory_space<vmem>> -> memref<1x128x128xf32, #tpu.memory_space<vmem>>
    %dma_start3A_7 = tpu.memref_squeeze %dma_start3A_6 : memref<1x128x128xf32, #tpu.memory_space<vmem>> -> memref<128x128xf32, #tpu.memory_space<vmem>>
    %dma_start3A_8 = arith.constant 0 : i32
    %dma_start3A_9 = tpu.memref_slice %arg11[%dma_start3A, %dma_start3A_8] : memref<50x128xi32, #tpu.memory_space<vmem>> -> memref<1x128xi32, #tpu.memory_space<vmem>>
    %dma_start3A_10 = tpu.memref_squeeze %dma_start3A_9 : memref<1x128xi32, #tpu.memory_space<vmem>> -> memref<128xi32, #tpu.memory_space<vmem>>
    %dma_start3A_11 = arith.constant 0 : i32
    %dma_start3A_12 = arith.constant 0 : i32
    %dma_start3A_13 = tpu.memref_slice %arg2[%dma_start3A_11, %dma_start3A_12] : memref<10240x128xf32, #tpu.memory_space<hbm>> -> memref<10240x128xf32, #tpu.memory_space<hbm>>
    tpu.enqueue_indirect_dma source(%dma_start3A_13 : memref<10240x128xf32, #tpu.memory_space<hbm>>) target(%dma_start3A_7 : memref<128x128xf32, #tpu.memory_space<vmem>>) offsets(%dma_start3A_10 : memref<128xi32, #tpu.memory_space<vmem>>) semaphore(%arg15 : memref<!tpu.dma_semaphore, #tpu.memory_space<semaphore_mem>>)
    %scan3A = arith.constant 0 : i32
    %scan3A_14 = arith.constant 0 : i32
    %scan3A_15 = arith.constant 50 : i32
    %scan3A_16 = arith.addi %scan3A_14, %scan3A_15 : i32
    %scan3A_17 = arith.constant 1 : i32
    scf.for %scan3A_50 = %scan3A_14 to %scan3A_16 step %scan3A_17  : i32 {
      %rem3A = arith.constant 2 : i32
      %rem3A_51 = arith.remsi %scan3A_50, %rem3A : i32
      %dma_wait3A = arith.constant 0 : i32
      %dma_wait3A_52 = arith.constant 0 : i32
      %dma_wait3A_53 = tpu.memref_slice %arg13[%rem3A_51, %dma_wait3A, %dma_wait3A_52] : memref<2x128x128xf32, #tpu.memory_space<vmem>> -> memref<1x128x128xf32, #tpu.memory_space<vmem>>
      %dma_wait3A_54 = tpu.memref_squeeze %dma_wait3A_53 : memref<1x128x128xf32, #tpu.memory_space<vmem>> -> memref<128x128xf32, #tpu.memory_space<vmem>>
      %dma_wait3A_55 = arith.constant 0 : i32
      %dma_wait3A_56 = tpu.memref_slice %arg11[%scan3A_50, %dma_wait3A_55] : memref<50x128xi32, #tpu.memory_space<vmem>> -> memref<1x128xi32, #tpu.memory_space<vmem>>
      %dma_wait3A_57 = tpu.memref_squeeze %dma_wait3A_56 : memref<1x128xi32, #tpu.memory_space<vmem>> -> memref<128xi32, #tpu.memory_space<vmem>>
      %dma_wait3A_58 = arith.constant 0 : i32
      %dma_wait3A_59 = arith.constant 0 : i32
      %dma_wait3A_60 = tpu.memref_slice %arg2[%dma_wait3A_58, %dma_wait3A_59] : memref<10240x128xf32, #tpu.memory_space<hbm>> -> memref<10240x128xf32, #tpu.memory_space<hbm>>
      tpu.wait_indirect_dma semaphore(%arg15 : memref<!tpu.dma_semaphore, #tpu.memory_space<semaphore_mem>>) src(%dma_wait3A_60 : memref<10240x128xf32, #tpu.memory_space<hbm>>) dst(%dma_wait3A_54 : memref<128x128xf32, #tpu.memory_space<vmem>>)
      %add3A_61 = arith.constant 1 : i32
      %add3A_62 = arith.addi %scan3A_50, %add3A_61 : i32
      %lt3A = arith.constant 50 : i32
      %lt3A_63 = arith.cmpi slt, %add3A_62, %lt3A : i32
      %convert_element_type3A = arith.extui %lt3A_63 : i1 to i32
      %cond3A = arith.constant 0 : i32
      %cond3A_64 = arith.cmpi ne, %convert_element_type3A, %cond3A : i32
      scf.if %cond3A_64 {
        %rem3A_65 = arith.constant 2 : i32
        %rem3A_66 = arith.remsi %add3A_62, %rem3A_65 : i32
        %dma_start3A_67 = arith.constant 0 : i32
        %dma_start3A_68 = arith.constant 0 : i32
        %dma_start3A_69 = tpu.memref_slice %arg13[%rem3A_66, %dma_start3A_67, %dma_start3A_68] : memref<2x128x128xf32, #tpu.memory_space<vmem>> -> memref<1x128x128xf32, #tpu.memory_space<vmem>>
        %dma_start3A_70 = tpu.memref_squeeze %dma_start3A_69 : memref<1x128x128xf32, #tpu.memory_space<vmem>> -> memref<128x128xf32, #tpu.memory_space<vmem>>
        %dma_start3A_71 = arith.constant 0 : i32
        %dma_start3A_72 = tpu.memref_slice %arg11[%add3A_62, %dma_start3A_71] : memref<50x128xi32, #tpu.memory_space<vmem>> -> memref<1x128xi32, #tpu.memory_space<vmem>>
        %dma_start3A_73 = tpu.memref_squeeze %dma_start3A_72 : memref<1x128xi32, #tpu.memory_space<vmem>> -> memref<128xi32, #tpu.memory_space<vmem>>
        %dma_start3A_74 = arith.constant 0 : i32
        %dma_start3A_75 = arith.constant 0 : i32
        %dma_start3A_76 = tpu.memref_slice %arg2[%dma_start3A_74, %dma_start3A_75] : memref<10240x128xf32, #tpu.memory_space<hbm>> -> memref<10240x128xf32, #tpu.memory_space<hbm>>
        tpu.enqueue_indirect_dma source(%dma_start3A_76 : memref<10240x128xf32, #tpu.memory_space<hbm>>) target(%dma_start3A_70 : memref<128x128xf32, #tpu.memory_space<vmem>>) offsets(%dma_start3A_73 : memref<128xi32, #tpu.memory_space<vmem>>) semaphore(%arg15 : memref<!tpu.dma_semaphore, #tpu.memory_space<semaphore_mem>>)
      } else {
      }
      "tpu.region"() ({
        %run_scoped3A = tpu.sem_alloc : memref<!tpu.dma_semaphore, #tpu.memory_space<semaphore_mem>>
        %dma_start3A_65 = arith.constant 0 : i32
        %dma_start3A_66 = arith.constant 0 : i32
        %dma_start3A_67 = tpu.memref_slice %arg13[%rem3A_51, %dma_start3A_65, %dma_start3A_66] : memref<2x128x128xf32, #tpu.memory_space<vmem>> -> memref<1x128x128xf32, #tpu.memory_space<vmem>>
        %dma_start3A_68 = tpu.memref_squeeze %dma_start3A_67 : memref<1x128x128xf32, #tpu.memory_space<vmem>> -> memref<128x128xf32, #tpu.memory_space<vmem>>
        %dma_start3A_69 = arith.constant 0 : i32
        %dma_start3A_70 = tpu.memref_slice %arg12[%scan3A_50, %dma_start3A_69] : memref<50x128xi32, #tpu.memory_space<vmem>> -> memref<1x128xi32, #tpu.memory_space<vmem>>
        %dma_start3A_71 = tpu.memref_squeeze %dma_start3A_70 : memref<1x128xi32, #tpu.memory_space<vmem>> -> memref<128xi32, #tpu.memory_space<vmem>>
        %dma_start3A_72 = arith.constant 0 : i32
        %dma_start3A_73 = arith.constant 0 : i32
        %dma_start3A_74 = tpu.memref_slice %arg14[%dma_start3A_72, %dma_start3A_73] : memref<10240x128xf32, #tpu.memory_space<vmem_shared>> -> memref<10240x128xf32, #tpu.memory_space<vmem_shared>>
        tpu.enqueue_indirect_dma source(%dma_start3A_68 : memref<128x128xf32, #tpu.memory_space<vmem>>) target(%dma_start3A_74 : memref<10240x128xf32, #tpu.memory_space<vmem_shared>>) offsets(%dma_start3A_71 : memref<128xi32, #tpu.memory_space<vmem>>) semaphore(%run_scoped3A : memref<!tpu.dma_semaphore, #tpu.memory_space<semaphore_mem>>) {add = true}
        %dma_wait3A_75 = arith.constant 0 : i32
        %dma_wait3A_76 = arith.constant 0 : i32
        %dma_wait3A_77 = tpu.memref_slice %arg13[%rem3A_51, %dma_wait3A_75, %dma_wait3A_76] : memref<2x128x128xf32, #tpu.memory_space<vmem>> -> memref<1x128x128xf32, #tpu.memory_space<vmem>>
        %dma_wait3A_78 = tpu.memref_squeeze %dma_wait3A_77 : memref<1x128x128xf32, #tpu.memory_space<vmem>> -> memref<128x128xf32, #tpu.memory_space<vmem>>
        %dma_wait3A_79 = arith.constant 0 : i32
        %dma_wait3A_80 = tpu.memref_slice %arg12[%scan3A_50, %dma_wait3A_79] : memref<50x128xi32, #tpu.memory_space<vmem>> -> memref<1x128xi32, #tpu.memory_space<vmem>>
        %dma_wait3A_81 = tpu.memref_squeeze %dma_wait3A_80 : memref<1x128xi32, #tpu.memory_space<vmem>> -> memref<128xi32, #tpu.memory_space<vmem>>
        %dma_wait3A_82 = arith.constant 0 : i32
        %dma_wait3A_83 = arith.constant 0 : i32
        %dma_wait3A_84 = tpu.memref_slice %arg14[%dma_wait3A_82, %dma_wait3A_83] : memref<10240x128xf32, #tpu.memory_space<vmem_shared>> -> memref<10240x128xf32, #tpu.memory_space<vmem_shared>>
        tpu.wait_indirect_dma semaphore(%run_scoped3A : memref<!tpu.dma_semaphore, #tpu.memory_space<semaphore_mem>>) src(%dma_wait3A_78 : memref<128x128xf32, #tpu.memory_space<vmem>>) dst(%dma_wait3A_84 : memref<10240x128xf32, #tpu.memory_space<vmem_shared>>)
        tpu.yield
      }) : () -> ()
    }
    %scan3A_18 = arith.constant 50 : i32
    %barrier3A_19 = arith.constant 0 : index
    tpu.barrier barrier_id(%barrier3A_19)
    %mul3A_20 = arith.constant 640 : i32
    %mul3A_21 = arith.muli %arg1, %mul3A_20 : i32
    %mul3A_22 = arith.constant 640 : i32
    %mul3A_23 = arith.muli %arg1, %mul3A_22 : i32
    "tpu.region"() ({
      %run_scoped3A = tpu.sem_alloc : memref<!tpu.dma_semaphore, #tpu.memory_space<semaphore_mem>>
      %dma_start3A_50 = arith.constant 0 : i32
      %dma_start3A_51 = tpu.memref_slice %arg9[%arg0, %mul3A_23, %dma_start3A_50] : memref<2x10240x128xf32, #tpu.memory_space<hbm>> -> memref<1x640x128xf32, #tpu.memory_space<hbm>>
      %dma_start3A_52 = tpu.memref_squeeze %dma_start3A_51 : memref<1x640x128xf32, #tpu.memory_space<hbm>> -> memref<640x128xf32, #tpu.memory_space<hbm>>
      %dma_start3A_53 = arith.constant 0 : i32
      %dma_start3A_54 = tpu.memref_slice %arg14[%mul3A_21, %dma_start3A_53] : memref<10240x128xf32, #tpu.memory_space<vmem_shared>> -> memref<640x128xf32, #tpu.memory_space<vmem_shared>>
      tpu.enqueue_dma source(%dma_start3A_54 : memref<640x128xf32, #tpu.memory_space<vmem_shared>>) target(%dma_start3A_52 : memref<640x128xf32, #tpu.memory_space<hbm>>) target_semaphore(%run_scoped3A : memref<!tpu.dma_semaphore, #tpu.memory_space<semaphore_mem>>)
      %dma_wait3A = arith.constant 0 : i32
      %dma_wait3A_55 = tpu.memref_slice %arg9[%arg0, %mul3A_23, %dma_wait3A] : memref<2x10240x128xf32, #tpu.memory_space<hbm>> -> memref<1x640x128xf32, #tpu.memory_space<hbm>>
      %dma_wait3A_56 = tpu.memref_squeeze %dma_wait3A_55 : memref<1x640x128xf32, #tpu.memory_space<hbm>> -> memref<640x128xf32, #tpu.memory_space<hbm>>
      %dma_wait3A_57 = arith.constant 0 : i32
      %dma_wait3A_58 = tpu.memref_slice %arg14[%mul3A_21, %dma_wait3A_57] : memref<10240x128xf32, #tpu.memory_space<vmem_shared>> -> memref<640x128xf32, #tpu.memory_space<vmem_shared>>
      tpu.wait_dma2 semaphore(%run_scoped3A : memref<!tpu.dma_semaphore, #tpu.memory_space<semaphore_mem>>) src(%dma_wait3A_58 : memref<640x128xf32, #tpu.memory_space<vmem_shared>>) dst(%dma_wait3A_56 : memref<640x128xf32, #tpu.memory_space<hbm>>)
      tpu.yield
    }) : () -> ()
    %mul3A_24 = arith.constant 640 : i32
    %mul3A_25 = arith.muli %arg1, %mul3A_24 : i32
    "tpu.region"() ({
      %run_scoped3A = tpu.sem_alloc : memref<!tpu.dma_semaphore, #tpu.memory_space<semaphore_mem>>
      %dma_start3A_50 = arith.constant 0 : i32
      %dma_start3A_51 = tpu.memref_slice %arg14[%mul3A_25, %dma_start3A_50] : memref<10240x128xf32, #tpu.memory_space<vmem_shared>> -> memref<640x128xf32, #tpu.memory_space<vmem_shared>>
      tpu.enqueue_dma source(%arg8 : memref<640x128xf32, #tpu.memory_space<hbm>>) target(%dma_start3A_51 : memref<640x128xf32, #tpu.memory_space<vmem_shared>>) target_semaphore(%run_scoped3A : memref<!tpu.dma_semaphore, #tpu.memory_space<semaphore_mem>>)
      %dma_wait3A = arith.constant 0 : i32
      %dma_wait3A_52 = tpu.memref_slice %arg14[%mul3A_25, %dma_wait3A] : memref<10240x128xf32, #tpu.memory_space<vmem_shared>> -> memref<640x128xf32, #tpu.memory_space<vmem_shared>>
      tpu.wait_dma2 semaphore(%run_scoped3A : memref<!tpu.dma_semaphore, #tpu.memory_space<semaphore_mem>>) src(%arg8 : memref<640x128xf32, #tpu.memory_space<hbm>>) dst(%dma_wait3A_52 : memref<640x128xf32, #tpu.memory_space<vmem_shared>>)
      tpu.yield
    }) : () -> ()
    "tpu.region"() ({
      %run_scoped3A = tpu.sem_alloc : memref<!tpu.dma_semaphore, #tpu.memory_space<semaphore_mem>>
      %dma_start3A_50 = arith.constant 0 : i32
      %dma_start3A_51 = arith.constant 0 : i32
      %dma_start3A_52 = tpu.memref_slice %arg5[%add3A, %dma_start3A_50, %dma_start3A_51] : memref<32x50x128xi32, #tpu.memory_space<hbm>> -> memref<1x50x128xi32, #tpu.memory_space<hbm>>
      %dma_start3A_53 = tpu.memref_squeeze %dma_start3A_52 : memref<1x50x128xi32, #tpu.memory_space<hbm>> -> memref<50x128xi32, #tpu.memory_space<hbm>>
      %dma_start3A_54 = arith.constant 0 : i32
      %dma_start3A_55 = arith.constant 0 : i32
      %dma_start3A_56 = tpu.memref_slice %arg5[%add3A, %dma_start3A_54, %dma_start3A_55] : memref<32x50x128xi32, #tpu.memory_space<hbm>> -> memref<1x50x128xi32, #tpu.memory_space<hbm>>
      %dma_start3A_57 = tpu.memref_squeeze %dma_start3A_56 : memref<1x50x128xi32, #tpu.memory_space<hbm>> -> memref<50x128xi32, #tpu.memory_space<hbm>>
      tpu.enqueue_dma source(%dma_start3A_57 : memref<50x128xi32, #tpu.memory_space<hbm>>) target(%arg11 : memref<50x128xi32, #tpu.memory_space<vmem>>) target_semaphore(%run_scoped3A : memref<!tpu.dma_semaphore, #tpu.memory_space<semaphore_mem>>)
      %dma_wait3A = arith.constant 0 : i32
      %dma_wait3A_58 = arith.constant 0 : i32
      %dma_wait3A_59 = tpu.memref_slice %arg5[%add3A, %dma_wait3A, %dma_wait3A_58] : memref<32x50x128xi32, #tpu.memory_space<hbm>> -> memref<1x50x128xi32, #tpu.memory_space<hbm>>
      %dma_wait3A_60 = tpu.memref_squeeze %dma_wait3A_59 : memref<1x50x128xi32, #tpu.memory_space<hbm>> -> memref<50x128xi32, #tpu.memory_space<hbm>>
      %dma_wait3A_61 = arith.constant 0 : i32
      %dma_wait3A_62 = arith.constant 0 : i32
      %dma_wait3A_63 = tpu.memref_slice %arg5[%add3A, %dma_wait3A_61, %dma_wait3A_62] : memref<32x50x128xi32, #tpu.memory_space<hbm>> -> memref<1x50x128xi32, #tpu.memory_space<hbm>>
      %dma_wait3A_64 = tpu.memref_squeeze %dma_wait3A_63 : memref<1x50x128xi32, #tpu.memory_space<hbm>> -> memref<50x128xi32, #tpu.memory_space<hbm>>
      tpu.wait_dma2 semaphore(%run_scoped3A : memref<!tpu.dma_semaphore, #tpu.memory_space<semaphore_mem>>) src(%dma_wait3A_64 : memref<50x128xi32, #tpu.memory_space<hbm>>) dst(%arg11 : memref<50x128xi32, #tpu.memory_space<vmem>>)
      tpu.yield
    }) : () -> ()
    "tpu.region"() ({
      %run_scoped3A = tpu.sem_alloc : memref<!tpu.dma_semaphore, #tpu.memory_space<semaphore_mem>>
      %dma_start3A_50 = arith.constant 0 : i32
      %dma_start3A_51 = arith.constant 0 : i32
      %dma_start3A_52 = tpu.memref_slice %arg7[%add3A, %dma_start3A_50, %dma_start3A_51] : memref<32x50x128xi32, #tpu.memory_space<hbm>> -> memref<1x50x128xi32, #tpu.memory_space<hbm>>
      %dma_start3A_53 = tpu.memref_squeeze %dma_start3A_52 : memref<1x50x128xi32, #tpu.memory_space<hbm>> -> memref<50x128xi32, #tpu.memory_space<hbm>>
      %dma_start3A_54 = arith.constant 0 : i32
      %dma_start3A_55 = arith.constant 0 : i32
      %dma_start3A_56 = tpu.memref_slice %arg7[%add3A, %dma_start3A_54, %dma_start3A_55] : memref<32x50x128xi32, #tpu.memory_space<hbm>> -> memref<1x50x128xi32, #tpu.memory_space<hbm>>
      %dma_start3A_57 = tpu.memref_squeeze %dma_start3A_56 : memref<1x50x128xi32, #tpu.memory_space<hbm>> -> memref<50x128xi32, #tpu.memory_space<hbm>>
      tpu.enqueue_dma source(%dma_start3A_57 : memref<50x128xi32, #tpu.memory_space<hbm>>) target(%arg12 : memref<50x128xi32, #tpu.memory_space<vmem>>) target_semaphore(%run_scoped3A : memref<!tpu.dma_semaphore, #tpu.memory_space<semaphore_mem>>)
      %dma_wait3A = arith.constant 0 : i32
      %dma_wait3A_58 = arith.constant 0 : i32
      %dma_wait3A_59 = tpu.memref_slice %arg7[%add3A, %dma_wait3A, %dma_wait3A_58] : memref<32x50x128xi32, #tpu.memory_space<hbm>> -> memref<1x50x128xi32, #tpu.memory_space<hbm>>
      %dma_wait3A_60 = tpu.memref_squeeze %dma_wait3A_59 : memref<1x50x128xi32, #tpu.memory_space<hbm>> -> memref<50x128xi32, #tpu.memory_space<hbm>>
      %dma_wait3A_61 = arith.constant 0 : i32
      %dma_wait3A_62 = arith.constant 0 : i32
      %dma_wait3A_63 = tpu.memref_slice %arg7[%add3A, %dma_wait3A_61, %dma_wait3A_62] : memref<32x50x128xi32, #tpu.memory_space<hbm>> -> memref<1x50x128xi32, #tpu.memory_space<hbm>>
      %dma_wait3A_64 = tpu.memref_squeeze %dma_wait3A_63 : memref<1x50x128xi32, #tpu.memory_space<hbm>> -> memref<50x128xi32, #tpu.memory_space<hbm>>
      tpu.wait_dma2 semaphore(%run_scoped3A : memref<!tpu.dma_semaphore, #tpu.memory_space<semaphore_mem>>) src(%dma_wait3A_64 : memref<50x128xi32, #tpu.memory_space<hbm>>) dst(%arg12 : memref<50x128xi32, #tpu.memory_space<vmem>>)
      tpu.yield
    }) : () -> ()
    %barrier3A_26 = arith.constant 0 : index
    tpu.barrier barrier_id(%barrier3A_26)
    %dma_start3A_27 = arith.constant 0 : i32
    %dma_start3A_28 = arith.constant 0 : i32
    %dma_start3A_29 = arith.constant 0 : i32
    %dma_start3A_30 = arith.constant 0 : i32
    %dma_start3A_31 = tpu.memref_slice %arg13[%dma_start3A_28, %dma_start3A_29, %dma_start3A_30] : memref<2x128x128xf32, #tpu.memory_space<vmem>> -> memref<1x128x128xf32, #tpu.memory_space<vmem>>
    %dma_start3A_32 = tpu.memref_squeeze %dma_start3A_31 : memref<1x128x128xf32, #tpu.memory_space<vmem>> -> memref<128x128xf32, #tpu.memory_space<vmem>>
    %dma_start3A_33 = arith.constant 0 : i32
    %dma_start3A_34 = tpu.memref_slice %arg11[%dma_start3A_27, %dma_start3A_33] : memref<50x128xi32, #tpu.memory_space<vmem>> -> memref<1x128xi32, #tpu.memory_space<vmem>>
    %dma_start3A_35 = tpu.memref_squeeze %dma_start3A_34 : memref<1x128xi32, #tpu.memory_space<vmem>> -> memref<128xi32, #tpu.memory_space<vmem>>
    %dma_start3A_36 = arith.constant 0 : i32
    %dma_start3A_37 = arith.constant 0 : i32
    %dma_start3A_38 = tpu.memref_slice %arg3[%dma_start3A_36, %dma_start3A_37] : memref<10240x128xf32, #tpu.memory_space<hbm>> -> memref<10240x128xf32, #tpu.memory_space<hbm>>
    tpu.enqueue_indirect_dma source(%dma_start3A_38 : memref<10240x128xf32, #tpu.memory_space<hbm>>) target(%dma_start3A_32 : memref<128x128xf32, #tpu.memory_space<vmem>>) offsets(%dma_start3A_35 : memref<128xi32, #tpu.memory_space<vmem>>) semaphore(%arg15 : memref<!tpu.dma_semaphore, #tpu.memory_space<semaphore_mem>>)
    %scan3A_39 = arith.constant 0 : i32
    %scan3A_40 = arith.constant 0 : i32
    %scan3A_41 = arith.constant 50 : i32
    %scan3A_42 = arith.addi %scan3A_40, %scan3A_41 : i32
    %scan3A_43 = arith.constant 1 : i32
    scf.for %scan3A_50 = %scan3A_40 to %scan3A_42 step %scan3A_43  : i32 {
      %rem3A = arith.constant 2 : i32
      %rem3A_51 = arith.remsi %scan3A_50, %rem3A : i32
      %dma_wait3A = arith.constant 0 : i32
      %dma_wait3A_52 = arith.constant 0 : i32
      %dma_wait3A_53 = tpu.memref_slice %arg13[%rem3A_51, %dma_wait3A, %dma_wait3A_52] : memref<2x128x128xf32, #tpu.memory_space<vmem>> -> memref<1x128x128xf32, #tpu.memory_space<vmem>>
      %dma_wait3A_54 = tpu.memref_squeeze %dma_wait3A_53 : memref<1x128x128xf32, #tpu.memory_space<vmem>> -> memref<128x128xf32, #tpu.memory_space<vmem>>
      %dma_wait3A_55 = arith.constant 0 : i32
      %dma_wait3A_56 = tpu.memref_slice %arg11[%scan3A_50, %dma_wait3A_55] : memref<50x128xi32, #tpu.memory_space<vmem>> -> memref<1x128xi32, #tpu.memory_space<vmem>>
      %dma_wait3A_57 = tpu.memref_squeeze %dma_wait3A_56 : memref<1x128xi32, #tpu.memory_space<vmem>> -> memref<128xi32, #tpu.memory_space<vmem>>
      %dma_wait3A_58 = arith.constant 0 : i32
      %dma_wait3A_59 = arith.constant 0 : i32
      %dma_wait3A_60 = tpu.memref_slice %arg3[%dma_wait3A_58, %dma_wait3A_59] : memref<10240x128xf32, #tpu.memory_space<hbm>> -> memref<10240x128xf32, #tpu.memory_space<hbm>>
      tpu.wait_indirect_dma semaphore(%arg15 : memref<!tpu.dma_semaphore, #tpu.memory_space<semaphore_mem>>) src(%dma_wait3A_60 : memref<10240x128xf32, #tpu.memory_space<hbm>>) dst(%dma_wait3A_54 : memref<128x128xf32, #tpu.memory_space<vmem>>)
      %add3A_61 = arith.constant 1 : i32
      %add3A_62 = arith.addi %scan3A_50, %add3A_61 : i32
      %lt3A = arith.constant 50 : i32
      %lt3A_63 = arith.cmpi slt, %add3A_62, %lt3A : i32
      %convert_element_type3A = arith.extui %lt3A_63 : i1 to i32
      %cond3A = arith.constant 0 : i32
      %cond3A_64 = arith.cmpi ne, %convert_element_type3A, %cond3A : i32
      scf.if %cond3A_64 {
        %rem3A_65 = arith.constant 2 : i32
        %rem3A_66 = arith.remsi %add3A_62, %rem3A_65 : i32
        %dma_start3A_67 = arith.constant 0 : i32
        %dma_start3A_68 = arith.constant 0 : i32
        %dma_start3A_69 = tpu.memref_slice %arg13[%rem3A_66, %dma_start3A_67, %dma_start3A_68] : memref<2x128x128xf32, #tpu.memory_space<vmem>> -> memref<1x128x128xf32, #tpu.memory_space<vmem>>
        %dma_start3A_70 = tpu.memref_squeeze %dma_start3A_69 : memref<1x128x128xf32, #tpu.memory_space<vmem>> -> memref<128x128xf32, #tpu.memory_space<vmem>>
        %dma_start3A_71 = arith.constant 0 : i32
        %dma_start3A_72 = tpu.memref_slice %arg11[%add3A_62, %dma_start3A_71] : memref<50x128xi32, #tpu.memory_space<vmem>> -> memref<1x128xi32, #tpu.memory_space<vmem>>
        %dma_start3A_73 = tpu.memref_squeeze %dma_start3A_72 : memref<1x128xi32, #tpu.memory_space<vmem>> -> memref<128xi32, #tpu.memory_space<vmem>>
        %dma_start3A_74 = arith.constant 0 : i32
        %dma_start3A_75 = arith.constant 0 : i32
        %dma_start3A_76 = tpu.memref_slice %arg3[%dma_start3A_74, %dma_start3A_75] : memref<10240x128xf32, #tpu.memory_space<hbm>> -> memref<10240x128xf32, #tpu.memory_space<hbm>>
        tpu.enqueue_indirect_dma source(%dma_start3A_76 : memref<10240x128xf32, #tpu.memory_space<hbm>>) target(%dma_start3A_70 : memref<128x128xf32, #tpu.memory_space<vmem>>) offsets(%dma_start3A_73 : memref<128xi32, #tpu.memory_space<vmem>>) semaphore(%arg15 : memref<!tpu.dma_semaphore, #tpu.memory_space<semaphore_mem>>)
      } else {
      }
      "tpu.region"() ({
        %run_scoped3A = tpu.sem_alloc : memref<!tpu.dma_semaphore, #tpu.memory_space<semaphore_mem>>
        %dma_start3A_65 = arith.constant 0 : i32
        %dma_start3A_66 = arith.constant 0 : i32
        %dma_start3A_67 = tpu.memref_slice %arg13[%rem3A_51, %dma_start3A_65, %dma_start3A_66] : memref<2x128x128xf32, #tpu.memory_space<vmem>> -> memref<1x128x128xf32, #tpu.memory_space<vmem>>
        %dma_start3A_68 = tpu.memref_squeeze %dma_start3A_67 : memref<1x128x128xf32, #tpu.memory_space<vmem>> -> memref<128x128xf32, #tpu.memory_space<vmem>>
        %dma_start3A_69 = arith.constant 0 : i32
        %dma_start3A_70 = tpu.memref_slice %arg12[%scan3A_50, %dma_start3A_69] : memref<50x128xi32, #tpu.memory_space<vmem>> -> memref<1x128xi32, #tpu.memory_space<vmem>>
        %dma_start3A_71 = tpu.memref_squeeze %dma_start3A_70 : memref<1x128xi32, #tpu.memory_space<vmem>> -> memref<128xi32, #tpu.memory_space<vmem>>
        %dma_start3A_72 = arith.constant 0 : i32
        %dma_start3A_73 = arith.constant 0 : i32
        %dma_start3A_74 = tpu.memref_slice %arg14[%dma_start3A_72, %dma_start3A_73] : memref<10240x128xf32, #tpu.memory_space<vmem_shared>> -> memref<10240x128xf32, #tpu.memory_space<vmem_shared>>
        tpu.enqueue_indirect_dma source(%dma_start3A_68 : memref<128x128xf32, #tpu.memory_space<vmem>>) target(%dma_start3A_74 : memref<10240x128xf32, #tpu.memory_space<vmem_shared>>) offsets(%dma_start3A_71 : memref<128xi32, #tpu.memory_space<vmem>>) semaphore(%run_scoped3A : memref<!tpu.dma_semaphore, #tpu.memory_space<semaphore_mem>>) {add = true}
        %dma_wait3A_75 = arith.constant 0 : i32
        %dma_wait3A_76 = arith.constant 0 : i32
        %dma_wait3A_77 = tpu.memref_slice %arg13[%rem3A_51, %dma_wait3A_75, %dma_wait3A_76] : memref<2x128x128xf32, #tpu.memory_space<vmem>> -> memref<1x128x128xf32, #tpu.memory_space<vmem>>
        %dma_wait3A_78 = tpu.memref_squeeze %dma_wait3A_77 : memref<1x128x128xf32, #tpu.memory_space<vmem>> -> memref<128x128xf32, #tpu.memory_space<vmem>>
        %dma_wait3A_79 = arith.constant 0 : i32
        %dma_wait3A_80 = tpu.memref_slice %arg12[%scan3A_50, %dma_wait3A_79] : memref<50x128xi32, #tpu.memory_space<vmem>> -> memref<1x128xi32, #tpu.memory_space<vmem>>
        %dma_wait3A_81 = tpu.memref_squeeze %dma_wait3A_80 : memref<1x128xi32, #tpu.memory_space<vmem>> -> memref<128xi32, #tpu.memory_space<vmem>>
        %dma_wait3A_82 = arith.constant 0 : i32
        %dma_wait3A_83 = arith.constant 0 : i32
        %dma_wait3A_84 = tpu.memref_slice %arg14[%dma_wait3A_82, %dma_wait3A_83] : memref<10240x128xf32, #tpu.memory_space<vmem_shared>> -> memref<10240x128xf32, #tpu.memory_space<vmem_shared>>
        tpu.wait_indirect_dma semaphore(%run_scoped3A : memref<!tpu.dma_semaphore, #tpu.memory_space<semaphore_mem>>) src(%dma_wait3A_78 : memref<128x128xf32, #tpu.memory_space<vmem>>) dst(%dma_wait3A_84 : memref<10240x128xf32, #tpu.memory_space<vmem_shared>>)
        tpu.yield
      }) : () -> ()
    }
    %scan3A_44 = arith.constant 50 : i32
    %barrier3A_45 = arith.constant 0 : index
    tpu.barrier barrier_id(%barrier3A_45)
    %mul3A_46 = arith.constant 640 : i32
    %mul3A_47 = arith.muli %arg1, %mul3A_46 : i32
    %mul3A_48 = arith.constant 640 : i32
    %mul3A_49 = arith.muli %arg1, %mul3A_48 : i32
    "tpu.region"() ({
      %run_scoped3A = tpu.sem_alloc : memref<!tpu.dma_semaphore, #tpu.memory_space<semaphore_mem>>
      %dma_start3A_50 = arith.constant 0 : i32
      %dma_start3A_51 = tpu.memref_slice %arg10[%arg0, %mul3A_49, %dma_start3A_50] : memref<2x10240x128xf32, #tpu.memory_space<hbm>> -> memref<1x640x128xf32, #tpu.memory_space<hbm>>
      %dma_start3A_52 = tpu.memref_squeeze %dma_start3A_51 : memref<1x640x128xf32, #tpu.memory_space<hbm>> -> memref<640x128xf32, #tpu.memory_space<hbm>>
      %dma_start3A_53 = arith.constant 0 : i32
      %dma_start3A_54 = tpu.memref_slice %arg14[%mul3A_47, %dma_start3A_53] : memref<10240x128xf32, #tpu.memory_space<vmem_shared>> -> memref<640x128xf32, #tpu.memory_space<vmem_shared>>
      tpu.enqueue_dma source(%dma_start3A_54 : memref<640x128xf32, #tpu.memory_space<vmem_shared>>) target(%dma_start3A_52 : memref<640x128xf32, #tpu.memory_space<hbm>>) target_semaphore(%run_scoped3A : memref<!tpu.dma_semaphore, #tpu.memory_space<semaphore_mem>>)
      %dma_wait3A = arith.constant 0 : i32
      %dma_wait3A_55 = tpu.memref_slice %arg10[%arg0, %mul3A_49, %dma_wait3A] : memref<2x10240x128xf32, #tpu.memory_space<hbm>> -> memref<1x640x128xf32, #tpu.memory_space<hbm>>
      %dma_wait3A_56 = tpu.memref_squeeze %dma_wait3A_55 : memref<1x640x128xf32, #tpu.memory_space<hbm>> -> memref<640x128xf32, #tpu.memory_space<hbm>>
      %dma_wait3A_57 = arith.constant 0 : i32
      %dma_wait3A_58 = tpu.memref_slice %arg14[%mul3A_47, %dma_wait3A_57] : memref<10240x128xf32, #tpu.memory_space<vmem_shared>> -> memref<640x128xf32, #tpu.memory_space<vmem_shared>>
      tpu.wait_dma2 semaphore(%run_scoped3A : memref<!tpu.dma_semaphore, #tpu.memory_space<semaphore_mem>>) src(%dma_wait3A_58 : memref<640x128xf32, #tpu.memory_space<vmem_shared>>) dst(%dma_wait3A_56 : memref<640x128xf32, #tpu.memory_space<hbm>>)
      tpu.yield
    }) : () -> ()
    return
  }
}

#map = affine_map<(d0, d1) -> (0, 0, 0)>
#map1 = affine_map<(d0, d1) -> (0, 0)>
module attributes {stable_mosaic.version = 14 : i64} {
  func.func @cnt_kernel(%arg0: i32, %arg1: i32, %arg2: memref<32x50x128xi32, #tpu.memory_space<hbm>>, %arg3: memref<32x50x128xi32, #tpu.memory_space<hbm>>, %arg4: memref<32x50x128xi32, #tpu.memory_space<hbm>>, %arg5: memref<128x128xf32, #tpu.memory_space<hbm>>, %arg6: memref<640x128xf32, #tpu.memory_space<hbm>>, %arg7: memref<2x10240x128xf32, #tpu.memory_space<hbm>>, %arg8: memref<2x10240x128xf32, #tpu.memory_space<hbm>>, %arg9: memref<2x10240x128xf32, #tpu.memory_space<hbm>>, %arg10: memref<50x128xi32, #tpu.memory_space<vmem>>, %arg11: memref<128x128xf32, #tpu.memory_space<vmem>>, %arg12: memref<10240x128xf32, #tpu.memory_space<vmem_shared>>) attributes {dimension_semantics = [#tpu.dimension_semantics<core_parallel>, #tpu.dimension_semantics<subcore_parallel>], iteration_bounds = array<i64: 2, 16>, scalar_prefetch = 0 : i64, scratch_operands = 3 : i64, tpu.core_type = #tpu.core_type<sc_vector_subcore>, window_params = [{transform_indices = #map}, {transform_indices = #map}, {transform_indices = #map}, {transform_indices = #map1}, {transform_indices = #map1}, {transform_indices = #map}, {transform_indices = #map}, {transform_indices = #map}]} {
    %mul3A = arith.constant 16 : i32
    %mul3A_0 = arith.muli %arg0, %mul3A : i32
    %add3A = arith.addi %mul3A_0, %arg1 : i32
    "tpu.region"() ({
      %run_scoped3A = tpu.sem_alloc : memref<!tpu.dma_semaphore, #tpu.memory_space<semaphore_mem>>
      tpu.enqueue_dma source(%arg5 : memref<128x128xf32, #tpu.memory_space<hbm>>) target(%arg11 : memref<128x128xf32, #tpu.memory_space<vmem>>) target_semaphore(%run_scoped3A : memref<!tpu.dma_semaphore, #tpu.memory_space<semaphore_mem>>)
      tpu.wait_dma2 semaphore(%run_scoped3A : memref<!tpu.dma_semaphore, #tpu.memory_space<semaphore_mem>>) src(%arg5 : memref<128x128xf32, #tpu.memory_space<hbm>>) dst(%arg11 : memref<128x128xf32, #tpu.memory_space<vmem>>)
      tpu.yield
    }) : () -> ()
    %mul3A_1 = arith.constant 640 : i32
    %mul3A_2 = arith.muli %arg1, %mul3A_1 : i32
    "tpu.region"() ({
      %run_scoped3A = tpu.sem_alloc : memref<!tpu.dma_semaphore, #tpu.memory_space<semaphore_mem>>
      %dma_start3A = arith.constant 0 : i32
      %dma_start3A_41 = tpu.memref_slice %arg12[%mul3A_2, %dma_start3A] : memref<10240x128xf32, #tpu.memory_space<vmem_shared>> -> memref<640x128xf32, #tpu.memory_space<vmem_shared>>
      tpu.enqueue_dma source(%arg6 : memref<640x128xf32, #tpu.memory_space<hbm>>) target(%dma_start3A_41 : memref<640x128xf32, #tpu.memory_space<vmem_shared>>) target_semaphore(%run_scoped3A : memref<!tpu.dma_semaphore, #tpu.memory_space<semaphore_mem>>)
      %dma_wait3A = arith.constant 0 : i32
      %dma_wait3A_42 = tpu.memref_slice %arg12[%mul3A_2, %dma_wait3A] : memref<10240x128xf32, #tpu.memory_space<vmem_shared>> -> memref<640x128xf32, #tpu.memory_space<vmem_shared>>
      tpu.wait_dma2 semaphore(%run_scoped3A : memref<!tpu.dma_semaphore, #tpu.memory_space<semaphore_mem>>) src(%arg6 : memref<640x128xf32, #tpu.memory_space<hbm>>) dst(%dma_wait3A_42 : memref<640x128xf32, #tpu.memory_space<vmem_shared>>)
      tpu.yield
    }) : () -> ()
    "tpu.region"() ({
      %run_scoped3A = tpu.sem_alloc : memref<!tpu.dma_semaphore, #tpu.memory_space<semaphore_mem>>
      %dma_start3A = arith.constant 0 : i32
      %dma_start3A_41 = arith.constant 0 : i32
      %dma_start3A_42 = tpu.memref_slice %arg2[%add3A, %dma_start3A, %dma_start3A_41] : memref<32x50x128xi32, #tpu.memory_space<hbm>> -> memref<1x50x128xi32, #tpu.memory_space<hbm>>
      %dma_start3A_43 = tpu.memref_squeeze %dma_start3A_42 : memref<1x50x128xi32, #tpu.memory_space<hbm>> -> memref<50x128xi32, #tpu.memory_space<hbm>>
      %dma_start3A_44 = arith.constant 0 : i32
      %dma_start3A_45 = arith.constant 0 : i32
      %dma_start3A_46 = tpu.memref_slice %arg2[%add3A, %dma_start3A_44, %dma_start3A_45] : memref<32x50x128xi32, #tpu.memory_space<hbm>> -> memref<1x50x128xi32, #tpu.memory_space<hbm>>
      %dma_start3A_47 = tpu.memref_squeeze %dma_start3A_46 : memref<1x50x128xi32, #tpu.memory_space<hbm>> -> memref<50x128xi32, #tpu.memory_space<hbm>>
      tpu.enqueue_dma source(%dma_start3A_47 : memref<50x128xi32, #tpu.memory_space<hbm>>) target(%arg10 : memref<50x128xi32, #tpu.memory_space<vmem>>) target_semaphore(%run_scoped3A : memref<!tpu.dma_semaphore, #tpu.memory_space<semaphore_mem>>)
      %dma_wait3A = arith.constant 0 : i32
      %dma_wait3A_48 = arith.constant 0 : i32
      %dma_wait3A_49 = tpu.memref_slice %arg2[%add3A, %dma_wait3A, %dma_wait3A_48] : memref<32x50x128xi32, #tpu.memory_space<hbm>> -> memref<1x50x128xi32, #tpu.memory_space<hbm>>
      %dma_wait3A_50 = tpu.memref_squeeze %dma_wait3A_49 : memref<1x50x128xi32, #tpu.memory_space<hbm>> -> memref<50x128xi32, #tpu.memory_space<hbm>>
      %dma_wait3A_51 = arith.constant 0 : i32
      %dma_wait3A_52 = arith.constant 0 : i32
      %dma_wait3A_53 = tpu.memref_slice %arg2[%add3A, %dma_wait3A_51, %dma_wait3A_52] : memref<32x50x128xi32, #tpu.memory_space<hbm>> -> memref<1x50x128xi32, #tpu.memory_space<hbm>>
      %dma_wait3A_54 = tpu.memref_squeeze %dma_wait3A_53 : memref<1x50x128xi32, #tpu.memory_space<hbm>> -> memref<50x128xi32, #tpu.memory_space<hbm>>
      tpu.wait_dma2 semaphore(%run_scoped3A : memref<!tpu.dma_semaphore, #tpu.memory_space<semaphore_mem>>) src(%dma_wait3A_54 : memref<50x128xi32, #tpu.memory_space<hbm>>) dst(%arg10 : memref<50x128xi32, #tpu.memory_space<vmem>>)
      tpu.yield
    }) : () -> ()
    %barrier3A = arith.constant 0 : index
    tpu.barrier barrier_id(%barrier3A)
    %scan3A = arith.constant 0 : i32
    %scan3A_3 = arith.constant 0 : i32
    %scan3A_4 = arith.constant 50 : i32
    %scan3A_5 = arith.addi %scan3A_3, %scan3A_4 : i32
    %scan3A_6 = arith.constant 1 : i32
    scf.for %scan3A_41 = %scan3A_3 to %scan3A_5 step %scan3A_6  : i32 {
      "tpu.region"() ({
        %run_scoped3A = tpu.sem_alloc : memref<!tpu.dma_semaphore, #tpu.memory_space<semaphore_mem>>
        %dma_start3A = arith.constant 0 : i32
        %dma_start3A_42 = tpu.memref_slice %arg10[%scan3A_41, %dma_start3A] : memref<50x128xi32, #tpu.memory_space<vmem>> -> memref<1x128xi32, #tpu.memory_space<vmem>>
        %dma_start3A_43 = tpu.memref_squeeze %dma_start3A_42 : memref<1x128xi32, #tpu.memory_space<vmem>> -> memref<128xi32, #tpu.memory_space<vmem>>
        %dma_start3A_44 = arith.constant 0 : i32
        %dma_start3A_45 = arith.constant 0 : i32
        %dma_start3A_46 = tpu.memref_slice %arg12[%dma_start3A_44, %dma_start3A_45] : memref<10240x128xf32, #tpu.memory_space<vmem_shared>> -> memref<10240x128xf32, #tpu.memory_space<vmem_shared>>
        tpu.enqueue_indirect_dma source(%arg11 : memref<128x128xf32, #tpu.memory_space<vmem>>) target(%dma_start3A_46 : memref<10240x128xf32, #tpu.memory_space<vmem_shared>>) offsets(%dma_start3A_43 : memref<128xi32, #tpu.memory_space<vmem>>) semaphore(%run_scoped3A : memref<!tpu.dma_semaphore, #tpu.memory_space<semaphore_mem>>) {add = true}
        %dma_wait3A = arith.constant 0 : i32
        %dma_wait3A_47 = tpu.memref_slice %arg10[%scan3A_41, %dma_wait3A] : memref<50x128xi32, #tpu.memory_space<vmem>> -> memref<1x128xi32, #tpu.memory_space<vmem>>
        %dma_wait3A_48 = tpu.memref_squeeze %dma_wait3A_47 : memref<1x128xi32, #tpu.memory_space<vmem>> -> memref<128xi32, #tpu.memory_space<vmem>>
        %dma_wait3A_49 = arith.constant 0 : i32
        %dma_wait3A_50 = arith.constant 0 : i32
        %dma_wait3A_51 = tpu.memref_slice %arg12[%dma_wait3A_49, %dma_wait3A_50] : memref<10240x128xf32, #tpu.memory_space<vmem_shared>> -> memref<10240x128xf32, #tpu.memory_space<vmem_shared>>
        tpu.wait_indirect_dma semaphore(%run_scoped3A : memref<!tpu.dma_semaphore, #tpu.memory_space<semaphore_mem>>) src(%arg11 : memref<128x128xf32, #tpu.memory_space<vmem>>) dst(%dma_wait3A_51 : memref<10240x128xf32, #tpu.memory_space<vmem_shared>>)
        tpu.yield
      }) : () -> ()
    }
    %scan3A_7 = arith.constant 50 : i32
    %barrier3A_8 = arith.constant 0 : index
    tpu.barrier barrier_id(%barrier3A_8)
    %mul3A_9 = arith.constant 640 : i32
    %mul3A_10 = arith.muli %arg1, %mul3A_9 : i32
    %mul3A_11 = arith.constant 640 : i32
    %mul3A_12 = arith.muli %arg1, %mul3A_11 : i32
    "tpu.region"() ({
      %run_scoped3A = tpu.sem_alloc : memref<!tpu.dma_semaphore, #tpu.memory_space<semaphore_mem>>
      %dma_start3A = arith.constant 0 : i32
      %dma_start3A_41 = tpu.memref_slice %arg7[%arg0, %mul3A_12, %dma_start3A] : memref<2x10240x128xf32, #tpu.memory_space<hbm>> -> memref<1x640x128xf32, #tpu.memory_space<hbm>>
      %dma_start3A_42 = tpu.memref_squeeze %dma_start3A_41 : memref<1x640x128xf32, #tpu.memory_space<hbm>> -> memref<640x128xf32, #tpu.memory_space<hbm>>
      %dma_start3A_43 = arith.constant 0 : i32
      %dma_start3A_44 = tpu.memref_slice %arg12[%mul3A_10, %dma_start3A_43] : memref<10240x128xf32, #tpu.memory_space<vmem_shared>> -> memref<640x128xf32, #tpu.memory_space<vmem_shared>>
      tpu.enqueue_dma source(%dma_start3A_44 : memref<640x128xf32, #tpu.memory_space<vmem_shared>>) target(%dma_start3A_42 : memref<640x128xf32, #tpu.memory_space<hbm>>) target_semaphore(%run_scoped3A : memref<!tpu.dma_semaphore, #tpu.memory_space<semaphore_mem>>)
      %dma_wait3A = arith.constant 0 : i32
      %dma_wait3A_45 = tpu.memref_slice %arg7[%arg0, %mul3A_12, %dma_wait3A] : memref<2x10240x128xf32, #tpu.memory_space<hbm>> -> memref<1x640x128xf32, #tpu.memory_space<hbm>>
      %dma_wait3A_46 = tpu.memref_squeeze %dma_wait3A_45 : memref<1x640x128xf32, #tpu.memory_space<hbm>> -> memref<640x128xf32, #tpu.memory_space<hbm>>
      %dma_wait3A_47 = arith.constant 0 : i32
      %dma_wait3A_48 = tpu.memref_slice %arg12[%mul3A_10, %dma_wait3A_47] : memref<10240x128xf32, #tpu.memory_space<vmem_shared>> -> memref<640x128xf32, #tpu.memory_space<vmem_shared>>
      tpu.wait_dma2 semaphore(%run_scoped3A : memref<!tpu.dma_semaphore, #tpu.memory_space<semaphore_mem>>) src(%dma_wait3A_48 : memref<640x128xf32, #tpu.memory_space<vmem_shared>>) dst(%dma_wait3A_46 : memref<640x128xf32, #tpu.memory_space<hbm>>)
      tpu.yield
    }) : () -> ()
    %mul3A_13 = arith.constant 640 : i32
    %mul3A_14 = arith.muli %arg1, %mul3A_13 : i32
    "tpu.region"() ({
      %run_scoped3A = tpu.sem_alloc : memref<!tpu.dma_semaphore, #tpu.memory_space<semaphore_mem>>
      %dma_start3A = arith.constant 0 : i32
      %dma_start3A_41 = tpu.memref_slice %arg12[%mul3A_14, %dma_start3A] : memref<10240x128xf32, #tpu.memory_space<vmem_shared>> -> memref<640x128xf32, #tpu.memory_space<vmem_shared>>
      tpu.enqueue_dma source(%arg6 : memref<640x128xf32, #tpu.memory_space<hbm>>) target(%dma_start3A_41 : memref<640x128xf32, #tpu.memory_space<vmem_shared>>) target_semaphore(%run_scoped3A : memref<!tpu.dma_semaphore, #tpu.memory_space<semaphore_mem>>)
      %dma_wait3A = arith.constant 0 : i32
      %dma_wait3A_42 = tpu.memref_slice %arg12[%mul3A_14, %dma_wait3A] : memref<10240x128xf32, #tpu.memory_space<vmem_shared>> -> memref<640x128xf32, #tpu.memory_space<vmem_shared>>
      tpu.wait_dma2 semaphore(%run_scoped3A : memref<!tpu.dma_semaphore, #tpu.memory_space<semaphore_mem>>) src(%arg6 : memref<640x128xf32, #tpu.memory_space<hbm>>) dst(%dma_wait3A_42 : memref<640x128xf32, #tpu.memory_space<vmem_shared>>)
      tpu.yield
    }) : () -> ()
    "tpu.region"() ({
      %run_scoped3A = tpu.sem_alloc : memref<!tpu.dma_semaphore, #tpu.memory_space<semaphore_mem>>
      %dma_start3A = arith.constant 0 : i32
      %dma_start3A_41 = arith.constant 0 : i32
      %dma_start3A_42 = tpu.memref_slice %arg3[%add3A, %dma_start3A, %dma_start3A_41] : memref<32x50x128xi32, #tpu.memory_space<hbm>> -> memref<1x50x128xi32, #tpu.memory_space<hbm>>
      %dma_start3A_43 = tpu.memref_squeeze %dma_start3A_42 : memref<1x50x128xi32, #tpu.memory_space<hbm>> -> memref<50x128xi32, #tpu.memory_space<hbm>>
      %dma_start3A_44 = arith.constant 0 : i32
      %dma_start3A_45 = arith.constant 0 : i32
      %dma_start3A_46 = tpu.memref_slice %arg3[%add3A, %dma_start3A_44, %dma_start3A_45] : memref<32x50x128xi32, #tpu.memory_space<hbm>> -> memref<1x50x128xi32, #tpu.memory_space<hbm>>
      %dma_start3A_47 = tpu.memref_squeeze %dma_start3A_46 : memref<1x50x128xi32, #tpu.memory_space<hbm>> -> memref<50x128xi32, #tpu.memory_space<hbm>>
      tpu.enqueue_dma source(%dma_start3A_47 : memref<50x128xi32, #tpu.memory_space<hbm>>) target(%arg10 : memref<50x128xi32, #tpu.memory_space<vmem>>) target_semaphore(%run_scoped3A : memref<!tpu.dma_semaphore, #tpu.memory_space<semaphore_mem>>)
      %dma_wait3A = arith.constant 0 : i32
      %dma_wait3A_48 = arith.constant 0 : i32
      %dma_wait3A_49 = tpu.memref_slice %arg3[%add3A, %dma_wait3A, %dma_wait3A_48] : memref<32x50x128xi32, #tpu.memory_space<hbm>> -> memref<1x50x128xi32, #tpu.memory_space<hbm>>
      %dma_wait3A_50 = tpu.memref_squeeze %dma_wait3A_49 : memref<1x50x128xi32, #tpu.memory_space<hbm>> -> memref<50x128xi32, #tpu.memory_space<hbm>>
      %dma_wait3A_51 = arith.constant 0 : i32
      %dma_wait3A_52 = arith.constant 0 : i32
      %dma_wait3A_53 = tpu.memref_slice %arg3[%add3A, %dma_wait3A_51, %dma_wait3A_52] : memref<32x50x128xi32, #tpu.memory_space<hbm>> -> memref<1x50x128xi32, #tpu.memory_space<hbm>>
      %dma_wait3A_54 = tpu.memref_squeeze %dma_wait3A_53 : memref<1x50x128xi32, #tpu.memory_space<hbm>> -> memref<50x128xi32, #tpu.memory_space<hbm>>
      tpu.wait_dma2 semaphore(%run_scoped3A : memref<!tpu.dma_semaphore, #tpu.memory_space<semaphore_mem>>) src(%dma_wait3A_54 : memref<50x128xi32, #tpu.memory_space<hbm>>) dst(%arg10 : memref<50x128xi32, #tpu.memory_space<vmem>>)
      tpu.yield
    }) : () -> ()
    %barrier3A_15 = arith.constant 0 : index
    tpu.barrier barrier_id(%barrier3A_15)
    %scan3A_16 = arith.constant 0 : i32
    %scan3A_17 = arith.constant 0 : i32
    %scan3A_18 = arith.constant 50 : i32
    %scan3A_19 = arith.addi %scan3A_17, %scan3A_18 : i32
    %scan3A_20 = arith.constant 1 : i32
    scf.for %scan3A_41 = %scan3A_17 to %scan3A_19 step %scan3A_20  : i32 {
      "tpu.region"() ({
        %run_scoped3A = tpu.sem_alloc : memref<!tpu.dma_semaphore, #tpu.memory_space<semaphore_mem>>
        %dma_start3A = arith.constant 0 : i32
        %dma_start3A_42 = tpu.memref_slice %arg10[%scan3A_41, %dma_start3A] : memref<50x128xi32, #tpu.memory_space<vmem>> -> memref<1x128xi32, #tpu.memory_space<vmem>>
        %dma_start3A_43 = tpu.memref_squeeze %dma_start3A_42 : memref<1x128xi32, #tpu.memory_space<vmem>> -> memref<128xi32, #tpu.memory_space<vmem>>
        %dma_start3A_44 = arith.constant 0 : i32
        %dma_start3A_45 = arith.constant 0 : i32
        %dma_start3A_46 = tpu.memref_slice %arg12[%dma_start3A_44, %dma_start3A_45] : memref<10240x128xf32, #tpu.memory_space<vmem_shared>> -> memref<10240x128xf32, #tpu.memory_space<vmem_shared>>
        tpu.enqueue_indirect_dma source(%arg11 : memref<128x128xf32, #tpu.memory_space<vmem>>) target(%dma_start3A_46 : memref<10240x128xf32, #tpu.memory_space<vmem_shared>>) offsets(%dma_start3A_43 : memref<128xi32, #tpu.memory_space<vmem>>) semaphore(%run_scoped3A : memref<!tpu.dma_semaphore, #tpu.memory_space<semaphore_mem>>) {add = true}
        %dma_wait3A = arith.constant 0 : i32
        %dma_wait3A_47 = tpu.memref_slice %arg10[%scan3A_41, %dma_wait3A] : memref<50x128xi32, #tpu.memory_space<vmem>> -> memref<1x128xi32, #tpu.memory_space<vmem>>
        %dma_wait3A_48 = tpu.memref_squeeze %dma_wait3A_47 : memref<1x128xi32, #tpu.memory_space<vmem>> -> memref<128xi32, #tpu.memory_space<vmem>>
        %dma_wait3A_49 = arith.constant 0 : i32
        %dma_wait3A_50 = arith.constant 0 : i32
        %dma_wait3A_51 = tpu.memref_slice %arg12[%dma_wait3A_49, %dma_wait3A_50] : memref<10240x128xf32, #tpu.memory_space<vmem_shared>> -> memref<10240x128xf32, #tpu.memory_space<vmem_shared>>
        tpu.wait_indirect_dma semaphore(%run_scoped3A : memref<!tpu.dma_semaphore, #tpu.memory_space<semaphore_mem>>) src(%arg11 : memref<128x128xf32, #tpu.memory_space<vmem>>) dst(%dma_wait3A_51 : memref<10240x128xf32, #tpu.memory_space<vmem_shared>>)
        tpu.yield
      }) : () -> ()
    }
    %scan3A_21 = arith.constant 50 : i32
    %barrier3A_22 = arith.constant 0 : index
    tpu.barrier barrier_id(%barrier3A_22)
    %mul3A_23 = arith.constant 640 : i32
    %mul3A_24 = arith.muli %arg1, %mul3A_23 : i32
    %mul3A_25 = arith.constant 640 : i32
    %mul3A_26 = arith.muli %arg1, %mul3A_25 : i32
    "tpu.region"() ({
      %run_scoped3A = tpu.sem_alloc : memref<!tpu.dma_semaphore, #tpu.memory_space<semaphore_mem>>
      %dma_start3A = arith.constant 0 : i32
      %dma_start3A_41 = tpu.memref_slice %arg8[%arg0, %mul3A_26, %dma_start3A] : memref<2x10240x128xf32, #tpu.memory_space<hbm>> -> memref<1x640x128xf32, #tpu.memory_space<hbm>>
      %dma_start3A_42 = tpu.memref_squeeze %dma_start3A_41 : memref<1x640x128xf32, #tpu.memory_space<hbm>> -> memref<640x128xf32, #tpu.memory_space<hbm>>
      %dma_start3A_43 = arith.constant 0 : i32
      %dma_start3A_44 = tpu.memref_slice %arg12[%mul3A_24, %dma_start3A_43] : memref<10240x128xf32, #tpu.memory_space<vmem_shared>> -> memref<640x128xf32, #tpu.memory_space<vmem_shared>>
      tpu.enqueue_dma source(%dma_start3A_44 : memref<640x128xf32, #tpu.memory_space<vmem_shared>>) target(%dma_start3A_42 : memref<640x128xf32, #tpu.memory_space<hbm>>) target_semaphore(%run_scoped3A : memref<!tpu.dma_semaphore, #tpu.memory_space<semaphore_mem>>)
      %dma_wait3A = arith.constant 0 : i32
      %dma_wait3A_45 = tpu.memref_slice %arg8[%arg0, %mul3A_26, %dma_wait3A] : memref<2x10240x128xf32, #tpu.memory_space<hbm>> -> memref<1x640x128xf32, #tpu.memory_space<hbm>>
      %dma_wait3A_46 = tpu.memref_squeeze %dma_wait3A_45 : memref<1x640x128xf32, #tpu.memory_space<hbm>> -> memref<640x128xf32, #tpu.memory_space<hbm>>
      %dma_wait3A_47 = arith.constant 0 : i32
      %dma_wait3A_48 = tpu.memref_slice %arg12[%mul3A_24, %dma_wait3A_47] : memref<10240x128xf32, #tpu.memory_space<vmem_shared>> -> memref<640x128xf32, #tpu.memory_space<vmem_shared>>
      tpu.wait_dma2 semaphore(%run_scoped3A : memref<!tpu.dma_semaphore, #tpu.memory_space<semaphore_mem>>) src(%dma_wait3A_48 : memref<640x128xf32, #tpu.memory_space<vmem_shared>>) dst(%dma_wait3A_46 : memref<640x128xf32, #tpu.memory_space<hbm>>)
      tpu.yield
    }) : () -> ()
    %mul3A_27 = arith.constant 640 : i32
    %mul3A_28 = arith.muli %arg1, %mul3A_27 : i32
    "tpu.region"() ({
      %run_scoped3A = tpu.sem_alloc : memref<!tpu.dma_semaphore, #tpu.memory_space<semaphore_mem>>
      %dma_start3A = arith.constant 0 : i32
      %dma_start3A_41 = tpu.memref_slice %arg12[%mul3A_28, %dma_start3A] : memref<10240x128xf32, #tpu.memory_space<vmem_shared>> -> memref<640x128xf32, #tpu.memory_space<vmem_shared>>
      tpu.enqueue_dma source(%arg6 : memref<640x128xf32, #tpu.memory_space<hbm>>) target(%dma_start3A_41 : memref<640x128xf32, #tpu.memory_space<vmem_shared>>) target_semaphore(%run_scoped3A : memref<!tpu.dma_semaphore, #tpu.memory_space<semaphore_mem>>)
      %dma_wait3A = arith.constant 0 : i32
      %dma_wait3A_42 = tpu.memref_slice %arg12[%mul3A_28, %dma_wait3A] : memref<10240x128xf32, #tpu.memory_space<vmem_shared>> -> memref<640x128xf32, #tpu.memory_space<vmem_shared>>
      tpu.wait_dma2 semaphore(%run_scoped3A : memref<!tpu.dma_semaphore, #tpu.memory_space<semaphore_mem>>) src(%arg6 : memref<640x128xf32, #tpu.memory_space<hbm>>) dst(%dma_wait3A_42 : memref<640x128xf32, #tpu.memory_space<vmem_shared>>)
      tpu.yield
    }) : () -> ()
    "tpu.region"() ({
      %run_scoped3A = tpu.sem_alloc : memref<!tpu.dma_semaphore, #tpu.memory_space<semaphore_mem>>
      %dma_start3A = arith.constant 0 : i32
      %dma_start3A_41 = arith.constant 0 : i32
      %dma_start3A_42 = tpu.memref_slice %arg4[%add3A, %dma_start3A, %dma_start3A_41] : memref<32x50x128xi32, #tpu.memory_space<hbm>> -> memref<1x50x128xi32, #tpu.memory_space<hbm>>
      %dma_start3A_43 = tpu.memref_squeeze %dma_start3A_42 : memref<1x50x128xi32, #tpu.memory_space<hbm>> -> memref<50x128xi32, #tpu.memory_space<hbm>>
      %dma_start3A_44 = arith.constant 0 : i32
      %dma_start3A_45 = arith.constant 0 : i32
      %dma_start3A_46 = tpu.memref_slice %arg4[%add3A, %dma_start3A_44, %dma_start3A_45] : memref<32x50x128xi32, #tpu.memory_space<hbm>> -> memref<1x50x128xi32, #tpu.memory_space<hbm>>
      %dma_start3A_47 = tpu.memref_squeeze %dma_start3A_46 : memref<1x50x128xi32, #tpu.memory_space<hbm>> -> memref<50x128xi32, #tpu.memory_space<hbm>>
      tpu.enqueue_dma source(%dma_start3A_47 : memref<50x128xi32, #tpu.memory_space<hbm>>) target(%arg10 : memref<50x128xi32, #tpu.memory_space<vmem>>) target_semaphore(%run_scoped3A : memref<!tpu.dma_semaphore, #tpu.memory_space<semaphore_mem>>)
      %dma_wait3A = arith.constant 0 : i32
      %dma_wait3A_48 = arith.constant 0 : i32
      %dma_wait3A_49 = tpu.memref_slice %arg4[%add3A, %dma_wait3A, %dma_wait3A_48] : memref<32x50x128xi32, #tpu.memory_space<hbm>> -> memref<1x50x128xi32, #tpu.memory_space<hbm>>
      %dma_wait3A_50 = tpu.memref_squeeze %dma_wait3A_49 : memref<1x50x128xi32, #tpu.memory_space<hbm>> -> memref<50x128xi32, #tpu.memory_space<hbm>>
      %dma_wait3A_51 = arith.constant 0 : i32
      %dma_wait3A_52 = arith.constant 0 : i32
      %dma_wait3A_53 = tpu.memref_slice %arg4[%add3A, %dma_wait3A_51, %dma_wait3A_52] : memref<32x50x128xi32, #tpu.memory_space<hbm>> -> memref<1x50x128xi32, #tpu.memory_space<hbm>>
      %dma_wait3A_54 = tpu.memref_squeeze %dma_wait3A_53 : memref<1x50x128xi32, #tpu.memory_space<hbm>> -> memref<50x128xi32, #tpu.memory_space<hbm>>
      tpu.wait_dma2 semaphore(%run_scoped3A : memref<!tpu.dma_semaphore, #tpu.memory_space<semaphore_mem>>) src(%dma_wait3A_54 : memref<50x128xi32, #tpu.memory_space<hbm>>) dst(%arg10 : memref<50x128xi32, #tpu.memory_space<vmem>>)
      tpu.yield
    }) : () -> ()
    %barrier3A_29 = arith.constant 0 : index
    tpu.barrier barrier_id(%barrier3A_29)
    %scan3A_30 = arith.constant 0 : i32
    %scan3A_31 = arith.constant 0 : i32
    %scan3A_32 = arith.constant 50 : i32
    %scan3A_33 = arith.addi %scan3A_31, %scan3A_32 : i32
    %scan3A_34 = arith.constant 1 : i32
    scf.for %scan3A_41 = %scan3A_31 to %scan3A_33 step %scan3A_34  : i32 {
      "tpu.region"() ({
        %run_scoped3A = tpu.sem_alloc : memref<!tpu.dma_semaphore, #tpu.memory_space<semaphore_mem>>
        %dma_start3A = arith.constant 0 : i32
        %dma_start3A_42 = tpu.memref_slice %arg10[%scan3A_41, %dma_start3A] : memref<50x128xi32, #tpu.memory_space<vmem>> -> memref<1x128xi32, #tpu.memory_space<vmem>>
        %dma_start3A_43 = tpu.memref_squeeze %dma_start3A_42 : memref<1x128xi32, #tpu.memory_space<vmem>> -> memref<128xi32, #tpu.memory_space<vmem>>
        %dma_start3A_44 = arith.constant 0 : i32
        %dma_start3A_45 = arith.constant 0 : i32
        %dma_start3A_46 = tpu.memref_slice %arg12[%dma_start3A_44, %dma_start3A_45] : memref<10240x128xf32, #tpu.memory_space<vmem_shared>> -> memref<10240x128xf32, #tpu.memory_space<vmem_shared>>
        tpu.enqueue_indirect_dma source(%arg11 : memref<128x128xf32, #tpu.memory_space<vmem>>) target(%dma_start3A_46 : memref<10240x128xf32, #tpu.memory_space<vmem_shared>>) offsets(%dma_start3A_43 : memref<128xi32, #tpu.memory_space<vmem>>) semaphore(%run_scoped3A : memref<!tpu.dma_semaphore, #tpu.memory_space<semaphore_mem>>) {add = true}
        %dma_wait3A = arith.constant 0 : i32
        %dma_wait3A_47 = tpu.memref_slice %arg10[%scan3A_41, %dma_wait3A] : memref<50x128xi32, #tpu.memory_space<vmem>> -> memref<1x128xi32, #tpu.memory_space<vmem>>
        %dma_wait3A_48 = tpu.memref_squeeze %dma_wait3A_47 : memref<1x128xi32, #tpu.memory_space<vmem>> -> memref<128xi32, #tpu.memory_space<vmem>>
        %dma_wait3A_49 = arith.constant 0 : i32
        %dma_wait3A_50 = arith.constant 0 : i32
        %dma_wait3A_51 = tpu.memref_slice %arg12[%dma_wait3A_49, %dma_wait3A_50] : memref<10240x128xf32, #tpu.memory_space<vmem_shared>> -> memref<10240x128xf32, #tpu.memory_space<vmem_shared>>
        tpu.wait_indirect_dma semaphore(%run_scoped3A : memref<!tpu.dma_semaphore, #tpu.memory_space<semaphore_mem>>) src(%arg11 : memref<128x128xf32, #tpu.memory_space<vmem>>) dst(%dma_wait3A_51 : memref<10240x128xf32, #tpu.memory_space<vmem_shared>>)
        tpu.yield
      }) : () -> ()
    }
    %scan3A_35 = arith.constant 50 : i32
    %barrier3A_36 = arith.constant 0 : index
    tpu.barrier barrier_id(%barrier3A_36)
    %mul3A_37 = arith.constant 640 : i32
    %mul3A_38 = arith.muli %arg1, %mul3A_37 : i32
    %mul3A_39 = arith.constant 640 : i32
    %mul3A_40 = arith.muli %arg1, %mul3A_39 : i32
    "tpu.region"() ({
      %run_scoped3A = tpu.sem_alloc : memref<!tpu.dma_semaphore, #tpu.memory_space<semaphore_mem>>
      %dma_start3A = arith.constant 0 : i32
      %dma_start3A_41 = tpu.memref_slice %arg9[%arg0, %mul3A_40, %dma_start3A] : memref<2x10240x128xf32, #tpu.memory_space<hbm>> -> memref<1x640x128xf32, #tpu.memory_space<hbm>>
      %dma_start3A_42 = tpu.memref_squeeze %dma_start3A_41 : memref<1x640x128xf32, #tpu.memory_space<hbm>> -> memref<640x128xf32, #tpu.memory_space<hbm>>
      %dma_start3A_43 = arith.constant 0 : i32
      %dma_start3A_44 = tpu.memref_slice %arg12[%mul3A_38, %dma_start3A_43] : memref<10240x128xf32, #tpu.memory_space<vmem_shared>> -> memref<640x128xf32, #tpu.memory_space<vmem_shared>>
      tpu.enqueue_dma source(%dma_start3A_44 : memref<640x128xf32, #tpu.memory_space<vmem_shared>>) target(%dma_start3A_42 : memref<640x128xf32, #tpu.memory_space<hbm>>) target_semaphore(%run_scoped3A : memref<!tpu.dma_semaphore, #tpu.memory_space<semaphore_mem>>)
      %dma_wait3A = arith.constant 0 : i32
      %dma_wait3A_45 = tpu.memref_slice %arg9[%arg0, %mul3A_40, %dma_wait3A] : memref<2x10240x128xf32, #tpu.memory_space<hbm>> -> memref<1x640x128xf32, #tpu.memory_space<hbm>>
      %dma_wait3A_46 = tpu.memref_squeeze %dma_wait3A_45 : memref<1x640x128xf32, #tpu.memory_space<hbm>> -> memref<640x128xf32, #tpu.memory_space<hbm>>
      %dma_wait3A_47 = arith.constant 0 : i32
      %dma_wait3A_48 = tpu.memref_slice %arg12[%mul3A_38, %dma_wait3A_47] : memref<10240x128xf32, #tpu.memory_space<vmem_shared>> -> memref<640x128xf32, #tpu.memory_space<vmem_shared>>
      tpu.wait_dma2 semaphore(%run_scoped3A : memref<!tpu.dma_semaphore, #tpu.memory_space<semaphore_mem>>) src(%dma_wait3A_48 : memref<640x128xf32, #tpu.memory_space<vmem_shared>>) dst(%dma_wait3A_46 : memref<640x128xf32, #tpu.memory_space<hbm>>)
      tpu.yield
    }) : () -> ()
    return
  }
}

module attributes {stable_mosaic.version = 14 : i64} {
  func.func @_dense1_body(%arg0: i32, %arg1: memref<2x2048x128xf32, #tpu.memory_space<vmem>>, %arg2: memref<2x2048x128xf32, #tpu.memory_space<vmem>>, %arg3: memref<2048x128xf32, #tpu.memory_space<vmem>>, %arg4: memref<128x128xf32, #tpu.memory_space<vmem>>, %arg5: memref<128x128xf32, #tpu.memory_space<vmem>>, %arg6: memref<1x128xf32, #tpu.memory_space<vmem>>, %arg7: memref<2048x128xf32, #tpu.memory_space<vmem>>) attributes {dimension_semantics = [#tpu.dimension_semantics<arbitrary>], iteration_bounds = array<i64: 5>, scalar_prefetch = 0 : i64, scratch_operands = 0 : i64, tpu.core_type = #tpu.core_type<tc>, window_params = [{transform_indices = @transform_0, window_bounds = array<i64: 2, 2048, 128>}, {transform_indices = @transform_1, window_bounds = array<i64: 2, 2048, 128>}, {transform_indices = @transform_2, window_bounds = array<i64: 2048, 128>}, {pipeline_mode = #tpu.pipeline_mode<synchronous>, transform_indices = @transform_3, window_bounds = array<i64: 128, 128>}, {pipeline_mode = #tpu.pipeline_mode<synchronous>, transform_indices = @transform_4, window_bounds = array<i64: 128, 128>}, {pipeline_mode = #tpu.pipeline_mode<synchronous>, transform_indices = @transform_5, window_bounds = array<i64: 1, 128>}, {transform_indices = @transform_6, window_bounds = array<i64: 2048, 128>}]} {
    %get3A = arith.constant 0 : index
    %get3A_0 = arith.constant 0 : index
    %get3A_1 = arith.constant 0 : index
    %get3A_2 = vector.load %arg2[%get3A, %get3A_0, %get3A_1] : memref<2x2048x128xf32, #tpu.memory_space<vmem>>, vector<1x2048x1xf32>
    %get3A_3 = vector.shape_cast %get3A_2 : vector<1x2048x1xf32> to vector<2048x1xf32>
    %get3A_4 = arith.constant 1 : index
    %get3A_5 = arith.constant 0 : index
    %get3A_6 = arith.constant 0 : index
    %get3A_7 = vector.load %arg2[%get3A_4, %get3A_5, %get3A_6] : memref<2x2048x128xf32, #tpu.memory_space<vmem>>, vector<1x2048x1xf32>
    %get3A_8 = vector.shape_cast %get3A_7 : vector<1x2048x1xf32> to vector<2048x1xf32>
    %add3A = arith.addf %get3A_3, %get3A_8 : vector<2048x1xf32>
    %max3A = arith.constant 1.000000e+00 : f32
    %max3A_9 = vector.broadcast %max3A : f32 to vector<2048x1xf32>
    %max3A_10 = arith.maximumf %add3A, %max3A_9 : vector<2048x1xf32>
    %get3A_11 = arith.constant 0 : index
    %get3A_12 = arith.constant 0 : index
    %get3A_13 = arith.constant 0 : index
    %get3A_14 = vector.load %arg1[%get3A_11, %get3A_12, %get3A_13] : memref<2x2048x128xf32, #tpu.memory_space<vmem>>, vector<1x2048x128xf32>
    %get3A_15 = vector.shape_cast %get3A_14 : vector<1x2048x128xf32> to vector<2048x128xf32>
    %get3A_16 = arith.constant 1 : index
    %get3A_17 = arith.constant 0 : index
    %get3A_18 = arith.constant 0 : index
    %get3A_19 = vector.load %arg1[%get3A_16, %get3A_17, %get3A_18] : memref<2x2048x128xf32, #tpu.memory_space<vmem>>, vector<1x2048x128xf32>
    %get3A_20 = vector.shape_cast %get3A_19 : vector<1x2048x128xf32> to vector<2048x128xf32>
    %add3A_21 = arith.addf %get3A_15, %get3A_20 : vector<2048x128xf32>
    %div3A = vector.broadcast %max3A_10 : vector<2048x1xf32> to vector<2048x128xf32>
    %div3A_22 = arith.divf %add3A_21, %div3A : vector<2048x128xf32>
    %get3A_23 = arith.constant 0 : index
    %get3A_24 = arith.constant 0 : index
    %get3A_25 = vector.load %arg4[%get3A_23, %get3A_24] : memref<128x128xf32, #tpu.memory_space<vmem>>, vector<128x128xf32>
    %dot_general3A = arith.constant dense<0.000000e+00> : vector<2048x128xf32>
    %dot_general3A_26 = tpu.matmul %div3A_22, %get3A_25, %dot_general3A {dimension_numbers = #tpu.dot_dimension_numbers<[1], [0], [0], [1], [0, 0, 1, 1], [], []>, transpose_lhs_hint = false} : vector<2048x128xf32>, vector<128x128xf32>, vector<2048x128xf32> -> vector<2048x128xf32>
    %get3A_27 = arith.constant 0 : index
    %get3A_28 = arith.constant 0 : index
    %get3A_29 = vector.load %arg3[%get3A_27, %get3A_28] : memref<2048x128xf32, #tpu.memory_space<vmem>>, vector<2048x128xf32>
    %get3A_30 = arith.constant 0 : index
    %get3A_31 = arith.constant 0 : index
    %get3A_32 = vector.load %arg5[%get3A_30, %get3A_31] : memref<128x128xf32, #tpu.memory_space<vmem>>, vector<128x128xf32>
    %dot_general3A_33 = arith.constant dense<0.000000e+00> : vector<2048x128xf32>
    %dot_general3A_34 = tpu.matmul %get3A_29, %get3A_32, %dot_general3A_33 {dimension_numbers = #tpu.dot_dimension_numbers<[1], [0], [0], [1], [0, 0, 1, 1], [], []>, transpose_lhs_hint = false} : vector<2048x128xf32>, vector<128x128xf32>, vector<2048x128xf32> -> vector<2048x128xf32>
    %add3A_35 = arith.addf %dot_general3A_26, %dot_general3A_34 : vector<2048x128xf32>
    %get3A_36 = arith.constant 0 : index
    %get3A_37 = arith.constant 0 : index
    %get3A_38 = vector.load %arg6[%get3A_36, %get3A_37] : memref<1x128xf32, #tpu.memory_space<vmem>>, vector<1x128xf32>
    %add3A_39 = vector.broadcast %get3A_38 : vector<1x128xf32> to vector<2048x128xf32>
    %add3A_40 = arith.addf %add3A_35, %add3A_39 : vector<2048x128xf32>
    %ge3A = arith.constant 0.000000e+00 : f32
    %ge3A_41 = vector.broadcast %ge3A : f32 to vector<2048x128xf32>
    %ge3A_42 = arith.cmpf oge, %add3A_40, %ge3A_41 : vector<2048x128xf32>
    %mul3A = arith.constant 0.00999999977 : f32
    %mul3A_43 = vector.broadcast %mul3A : f32 to vector<2048x128xf32>
    %mul3A_44 = arith.mulf %mul3A_43, %add3A_40 : vector<2048x128xf32>
    %select_n3A = arith.select %ge3A_42, %add3A_40, %mul3A_44 : vector<2048x128xi1>, vector<2048x128xf32>
    %swap3A = arith.constant 0 : index
    %swap3A_45 = arith.constant 0 : index
    %swap3A_46 = vector.load %arg7[%swap3A, %swap3A_45] : memref<2048x128xf32, #tpu.memory_space<vmem>>, vector<2048x128xf32>
    tpu.vector_store %arg7[%swap3A, %swap3A_45], %select_n3A {strides = array<i32>} : memref<2048x128xf32, #tpu.memory_space<vmem>>, vector<2048x128xf32>,
    return
  }
  func.func @transform_0(%arg0: i32) -> (i32, i32, i32) {
    %c0_i32 = arith.constant 0 : i32
    %c0_i32_0 = arith.constant 0 : i32
    %c0_i32_1 = arith.constant 0 : i32
    return %c0_i32, %arg0, %c0_i32_0 : i32, i32, i32
  }
  func.func @transform_1(%arg0: i32) -> (i32, i32, i32) {
    %c0_i32 = arith.constant 0 : i32
    %c0_i32_0 = arith.constant 0 : i32
    %c0_i32_1 = arith.constant 0 : i32
    return %c0_i32, %arg0, %c0_i32_0 : i32, i32, i32
  }
  func.func @transform_2(%arg0: i32) -> (i32, i32) {
    %c0_i32 = arith.constant 0 : i32
    %c0_i32_0 = arith.constant 0 : i32
    return %arg0, %c0_i32 : i32, i32
  }
  func.func @transform_3(%arg0: i32) -> (i32, i32) {
    %c0_i32 = arith.constant 0 : i32
    %c0_i32_0 = arith.constant 0 : i32
    %c0_i32_1 = arith.constant 0 : i32
    return %c0_i32, %c0_i32_0 : i32, i32
  }
  func.func @transform_4(%arg0: i32) -> (i32, i32) {
    %c0_i32 = arith.constant 0 : i32
    %c0_i32_0 = arith.constant 0 : i32
    %c0_i32_1 = arith.constant 0 : i32
    return %c0_i32, %c0_i32_0 : i32, i32
  }
  func.func @transform_5(%arg0: i32) -> (i32, i32) {
    %c0_i32 = arith.constant 0 : i32
    %c0_i32_0 = arith.constant 0 : i32
    %c0_i32_1 = arith.constant 0 : i32
    return %c0_i32, %c0_i32_0 : i32, i32
  }
  func.func @transform_6(%arg0: i32) -> (i32, i32) {
    %c0_i32 = arith.constant 0 : i32
    %c0_i32_0 = arith.constant 0 : i32
    return %arg0, %c0_i32 : i32, i32
  }
}

module attributes {stable_mosaic.version = 14 : i64} {
  func.func @_dense2_body(%arg0: i32, %arg1: memref<2x2048x128xf32, #tpu.memory_space<vmem>>, %arg2: memref<2x2048x128xf32, #tpu.memory_space<vmem>>, %arg3: memref<2x2048x128xf32, #tpu.memory_space<vmem>>, %arg4: memref<2x2048x128xf32, #tpu.memory_space<vmem>>, %arg5: memref<2048x128xf32, #tpu.memory_space<vmem>>, %arg6: memref<128x128xf32, #tpu.memory_space<vmem>>, %arg7: memref<128x128xf32, #tpu.memory_space<vmem>>, %arg8: memref<1x128xf32, #tpu.memory_space<vmem>>, %arg9: memref<128x128xf32, #tpu.memory_space<vmem>>, %arg10: memref<128x128xf32, #tpu.memory_space<vmem>>, %arg11: memref<1x128xf32, #tpu.memory_space<vmem>>, %arg12: memref<2048x128xf32, #tpu.memory_space<vmem>>) attributes {dimension_semantics = [#tpu.dimension_semantics<arbitrary>], iteration_bounds = array<i64: 5>, scalar_prefetch = 0 : i64, scratch_operands = 0 : i64, tpu.core_type = #tpu.core_type<tc>, window_params = [{transform_indices = @transform_0, window_bounds = array<i64: 2, 2048, 128>}, {transform_indices = @transform_1, window_bounds = array<i64: 2, 2048, 128>}, {transform_indices = @transform_2, window_bounds = array<i64: 2, 2048, 128>}, {transform_indices = @transform_3, window_bounds = array<i64: 2, 2048, 128>}, {transform_indices = @transform_4, window_bounds = array<i64: 2048, 128>}, {pipeline_mode = #tpu.pipeline_mode<synchronous>, transform_indices = @transform_5, window_bounds = array<i64: 128, 128>}, {pipeline_mode = #tpu.pipeline_mode<synchronous>, transform_indices = @transform_6, window_bounds = array<i64: 128, 128>}, {pipeline_mode = #tpu.pipeline_mode<synchronous>, transform_indices = @transform_7, window_bounds = array<i64: 1, 128>}, {pipeline_mode = #tpu.pipeline_mode<synchronous>, transform_indices = @transform_8, window_bounds = array<i64: 128, 128>}, {pipeline_mode = #tpu.pipeline_mode<synchronous>, transform_indices = @transform_9, window_bounds = array<i64: 128, 128>}, {pipeline_mode = #tpu.pipeline_mode<synchronous>, transform_indices = @transform_10, window_bounds = array<i64: 1, 128>}, {transform_indices = @transform_11, window_bounds = array<i64: 2048, 128>}]} {
    %get3A = arith.constant 0 : index
    %get3A_0 = arith.constant 0 : index
    %get3A_1 = arith.constant 0 : index
    %get3A_2 = vector.load %arg2[%get3A, %get3A_0, %get3A_1] : memref<2x2048x128xf32, #tpu.memory_space<vmem>>, vector<1x2048x1xf32>
    %get3A_3 = vector.shape_cast %get3A_2 : vector<1x2048x1xf32> to vector<2048x1xf32>
    %get3A_4 = arith.constant 1 : index
    %get3A_5 = arith.constant 0 : index
    %get3A_6 = arith.constant 0 : index
    %get3A_7 = vector.load %arg2[%get3A_4, %get3A_5, %get3A_6] : memref<2x2048x128xf32, #tpu.memory_space<vmem>>, vector<1x2048x1xf32>
    %get3A_8 = vector.shape_cast %get3A_7 : vector<1x2048x1xf32> to vector<2048x1xf32>
    %add3A = arith.addf %get3A_3, %get3A_8 : vector<2048x1xf32>
    %max3A = arith.constant 1.000000e+00 : f32
    %max3A_9 = vector.broadcast %max3A : f32 to vector<2048x1xf32>
    %max3A_10 = arith.maximumf %add3A, %max3A_9 : vector<2048x1xf32>
    %get3A_11 = arith.constant 0 : index
    %get3A_12 = arith.constant 0 : index
    %get3A_13 = arith.constant 0 : index
    %get3A_14 = vector.load %arg1[%get3A_11, %get3A_12, %get3A_13] : memref<2x2048x128xf32, #tpu.memory_space<vmem>>, vector<1x2048x128xf32>
    %get3A_15 = vector.shape_cast %get3A_14 : vector<1x2048x128xf32> to vector<2048x128xf32>
    %get3A_16 = arith.constant 1 : index
    %get3A_17 = arith.constant 0 : index
    %get3A_18 = arith.constant 0 : index
    %get3A_19 = vector.load %arg1[%get3A_16, %get3A_17, %get3A_18] : memref<2x2048x128xf32, #tpu.memory_space<vmem>>, vector<1x2048x128xf32>
    %get3A_20 = vector.shape_cast %get3A_19 : vector<1x2048x128xf32> to vector<2048x128xf32>
    %add3A_21 = arith.addf %get3A_15, %get3A_20 : vector<2048x128xf32>
    %div3A = vector.broadcast %max3A_10 : vector<2048x1xf32> to vector<2048x128xf32>
    %div3A_22 = arith.divf %add3A_21, %div3A : vector<2048x128xf32>
    %get3A_23 = arith.constant 0 : index
    %get3A_24 = arith.constant 0 : index
    %get3A_25 = vector.load %arg6[%get3A_23, %get3A_24] : memref<128x128xf32, #tpu.memory_space<vmem>>, vector<128x128xf32>
    %dot_general3A = arith.constant dense<0.000000e+00> : vector<2048x128xf32>
    %dot_general3A_26 = tpu.matmul %div3A_22, %get3A_25, %dot_general3A {dimension_numbers = #tpu.dot_dimension_numbers<[1], [0], [0], [1], [0, 0, 1, 1], [], []>, transpose_lhs_hint = false} : vector<2048x128xf32>, vector<128x128xf32>, vector<2048x128xf32> -> vector<2048x128xf32>
    %get3A_27 = arith.constant 0 : index
    %get3A_28 = arith.constant 0 : index
    %get3A_29 = arith.constant 0 : index
    %get3A_30 = vector.load %arg4[%get3A_27, %get3A_28, %get3A_29] : memref<2x2048x128xf32, #tpu.memory_space<vmem>>, vector<1x2048x1xf32>
    %get3A_31 = vector.shape_cast %get3A_30 : vector<1x2048x1xf32> to vector<2048x1xf32>
    %get3A_32 = arith.constant 1 : index
    %get3A_33 = arith.constant 0 : index
    %get3A_34 = arith.constant 0 : index
    %get3A_35 = vector.load %arg4[%get3A_32, %get3A_33, %get3A_34] : memref<2x2048x128xf32, #tpu.memory_space<vmem>>, vector<1x2048x1xf32>
    %get3A_36 = vector.shape_cast %get3A_35 : vector<1x2048x1xf32> to vector<2048x1xf32>
    %add3A_37 = arith.addf %get3A_31, %get3A_36 : vector<2048x1xf32>
    %max3A_38 = arith.constant 1.000000e+00 : f32
    %max3A_39 = vector.broadcast %max3A_38 : f32 to vector<2048x1xf32>
    %max3A_40 = arith.maximumf %add3A_37, %max3A_39 : vector<2048x1xf32>
    %get3A_41 = arith.constant 0 : index
    %get3A_42 = arith.constant 0 : index
    %get3A_43 = arith.constant 0 : index
    %get3A_44 = vector.load %arg3[%get3A_41, %get3A_42, %get3A_43] : memref<2x2048x128xf32, #tpu.memory_space<vmem>>, vector<1x2048x128xf32>
    %get3A_45 = vector.shape_cast %get3A_44 : vector<1x2048x128xf32> to vector<2048x128xf32>
    %get3A_46 = arith.constant 1 : index
    %get3A_47 = arith.constant 0 : index
    %get3A_48 = arith.constant 0 : index
    %get3A_49 = vector.load %arg3[%get3A_46, %get3A_47, %get3A_48] : memref<2x2048x128xf32, #tpu.memory_space<vmem>>, vector<1x2048x128xf32>
    %get3A_50 = vector.shape_cast %get3A_49 : vector<1x2048x128xf32> to vector<2048x128xf32>
    %add3A_51 = arith.addf %get3A_45, %get3A_50 : vector<2048x128xf32>
    %div3A_52 = vector.broadcast %max3A_40 : vector<2048x1xf32> to vector<2048x128xf32>
    %div3A_53 = arith.divf %add3A_51, %div3A_52 : vector<2048x128xf32>
    %get3A_54 = arith.constant 0 : index
    %get3A_55 = arith.constant 0 : index
    %get3A_56 = vector.load %arg9[%get3A_54, %get3A_55] : memref<128x128xf32, #tpu.memory_space<vmem>>, vector<128x128xf32>
    %dot_general3A_57 = arith.constant dense<0.000000e+00> : vector<2048x128xf32>
    %dot_general3A_58 = tpu.matmul %div3A_53, %get3A_56, %dot_general3A_57 {dimension_numbers = #tpu.dot_dimension_numbers<[1], [0], [0], [1], [0, 0, 1, 1], [], []>, transpose_lhs_hint = false} : vector<2048x128xf32>, vector<128x128xf32>, vector<2048x128xf32> -> vector<2048x128xf32>
    %add3A_59 = arith.addf %dot_general3A_26, %dot_general3A_58 : vector<2048x128xf32>
    %get3A_60 = arith.constant 0 : index
    %get3A_61 = arith.constant 0 : index
    %get3A_62 = vector.load %arg5[%get3A_60, %get3A_61] : memref<2048x128xf32, #tpu.memory_space<vmem>>, vector<2048x128xf32>
    %get3A_63 = arith.constant 0 : index
    %get3A_64 = arith.constant 0 : index
    %get3A_65 = vector.load %arg7[%get3A_63, %get3A_64] : memref<128x128xf32, #tpu.memory_space<vmem>>, vector<128x128xf32>
    %get3A_66 = arith.constant 0 : index
    %get3A_67 = arith.constant 0 : index
    %get3A_68 = vector.load %arg10[%get3A_66, %get3A_67] : memref<128x128xf32, #tpu.memory_space<vmem>>, vector<128x128xf32>
    %add3A_69 = arith.addf %get3A_65, %get3A_68 : vector<128x128xf32>
    %dot_general3A_70 = arith.constant dense<0.000000e+00> : vector<2048x128xf32>
    %dot_general3A_71 = tpu.matmul %get3A_62, %add3A_69, %dot_general3A_70 {dimension_numbers = #tpu.dot_dimension_numbers<[1], [0], [0], [1], [0, 0, 1, 1], [], []>, transpose_lhs_hint = false} : vector<2048x128xf32>, vector<128x128xf32>, vector<2048x128xf32> -> vector<2048x128xf32>
    %add3A_72 = arith.addf %add3A_59, %dot_general3A_71 : vector<2048x128xf32>
    %get3A_73 = arith.constant 0 : index
    %get3A_74 = arith.constant 0 : index
    %get3A_75 = vector.load %arg8[%get3A_73, %get3A_74] : memref<1x128xf32, #tpu.memory_space<vmem>>, vector<1x128xf32>
    %add3A_76 = vector.broadcast %get3A_75 : vector<1x128xf32> to vector<2048x128xf32>
    %add3A_77 = arith.addf %add3A_72, %add3A_76 : vector<2048x128xf32>
    %get3A_78 = arith.constant 0 : index
    %get3A_79 = arith.constant 0 : index
    %get3A_80 = vector.load %arg11[%get3A_78, %get3A_79] : memref<1x128xf32, #tpu.memory_space<vmem>>, vector<1x128xf32>
    %add3A_81 = vector.broadcast %get3A_80 : vector<1x128xf32> to vector<2048x128xf32>
    %add3A_82 = arith.addf %add3A_77, %add3A_81 : vector<2048x128xf32>
    %ge3A = arith.constant 0.000000e+00 : f32
    %ge3A_83 = vector.broadcast %ge3A : f32 to vector<2048x128xf32>
    %ge3A_84 = arith.cmpf oge, %add3A_82, %ge3A_83 : vector<2048x128xf32>
    %mul3A = arith.constant 0.00999999977 : f32
    %mul3A_85 = vector.broadcast %mul3A : f32 to vector<2048x128xf32>
    %mul3A_86 = arith.mulf %mul3A_85, %add3A_82 : vector<2048x128xf32>
    %select_n3A = arith.select %ge3A_84, %add3A_82, %mul3A_86 : vector<2048x128xi1>, vector<2048x128xf32>
    %swap3A = arith.constant 0 : index
    %swap3A_87 = arith.constant 0 : index
    %swap3A_88 = vector.load %arg12[%swap3A, %swap3A_87] : memref<2048x128xf32, #tpu.memory_space<vmem>>, vector<2048x128xf32>
    tpu.vector_store %arg12[%swap3A, %swap3A_87], %select_n3A {strides = array<i32>} : memref<2048x128xf32, #tpu.memory_space<vmem>>, vector<2048x128xf32>,
    return
  }
  func.func @transform_0(%arg0: i32) -> (i32, i32, i32) {
    %c0_i32 = arith.constant 0 : i32
    %c0_i32_0 = arith.constant 0 : i32
    %c0_i32_1 = arith.constant 0 : i32
    return %c0_i32, %arg0, %c0_i32_0 : i32, i32, i32
  }
  func.func @transform_1(%arg0: i32) -> (i32, i32, i32) {
    %c0_i32 = arith.constant 0 : i32
    %c0_i32_0 = arith.constant 0 : i32
    %c0_i32_1 = arith.constant 0 : i32
    return %c0_i32, %arg0, %c0_i32_0 : i32, i32, i32
  }
  func.func @transform_2(%arg0: i32) -> (i32, i32, i32) {
    %c0_i32 = arith.constant 0 : i32
    %c0_i32_0 = arith.constant 0 : i32
    %c0_i32_1 = arith.constant 0 : i32
    return %c0_i32, %arg0, %c0_i32_0 : i32, i32, i32
  }
  func.func @transform_3(%arg0: i32) -> (i32, i32, i32) {
    %c0_i32 = arith.constant 0 : i32
    %c0_i32_0 = arith.constant 0 : i32
    %c0_i32_1 = arith.constant 0 : i32
    return %c0_i32, %arg0, %c0_i32_0 : i32, i32, i32
  }
  func.func @transform_4(%arg0: i32) -> (i32, i32) {
    %c0_i32 = arith.constant 0 : i32
    %c0_i32_0 = arith.constant 0 : i32
    return %arg0, %c0_i32 : i32, i32
  }
  func.func @transform_5(%arg0: i32) -> (i32, i32) {
    %c0_i32 = arith.constant 0 : i32
    %c0_i32_0 = arith.constant 0 : i32
    %c0_i32_1 = arith.constant 0 : i32
    return %c0_i32, %c0_i32_0 : i32, i32
  }
  func.func @transform_6(%arg0: i32) -> (i32, i32) {
    %c0_i32 = arith.constant 0 : i32
    %c0_i32_0 = arith.constant 0 : i32
    %c0_i32_1 = arith.constant 0 : i32
    return %c0_i32, %c0_i32_0 : i32, i32
  }
  func.func @transform_7(%arg0: i32) -> (i32, i32) {
    %c0_i32 = arith.constant 0 : i32
    %c0_i32_0 = arith.constant 0 : i32
    %c0_i32_1 = arith.constant 0 : i32
    return %c0_i32, %c0_i32_0 : i32, i32
  }
  func.func @transform_8(%arg0: i32) -> (i32, i32) {
    %c0_i32 = arith.constant 0 : i32
    %c0_i32_0 = arith.constant 0 : i32
    %c0_i32_1 = arith.constant 0 : i32
    return %c0_i32, %c0_i32_0 : i32, i32
  }
  func.func @transform_9(%arg0: i32) -> (i32, i32) {
    %c0_i32 = arith.constant 0 : i32
    %c0_i32_0 = arith.constant 0 : i32
    %c0_i32_1 = arith.constant 0 : i32
    return %c0_i32, %c0_i32_0 : i32, i32
  }
  func.func @transform_10(%arg0: i32) -> (i32, i32) {
    %c0_i32 = arith.constant 0 : i32
    %c0_i32_0 = arith.constant 0 : i32
    %c0_i32_1 = arith.constant 0 : i32
    return %c0_i32, %c0_i32_0 : i32, i32
  }
  func.func @transform_11(%arg0: i32) -> (i32, i32) {
    %c0_i32 = arith.constant 0 : i32
    %c0_i32_0 = arith.constant 0 : i32
    return %arg0, %c0_i32 : i32, i32
  }
}

module attributes {stable_mosaic.version = 14 : i64} {
  func.func @_dense2_final_body(%arg0: i32, %arg1: memref<2x2048x128xf32, #tpu.memory_space<vmem>>, %arg2: memref<2x2048x128xf32, #tpu.memory_space<vmem>>, %arg3: memref<2x2048x128xf32, #tpu.memory_space<vmem>>, %arg4: memref<2x2048x128xf32, #tpu.memory_space<vmem>>, %arg5: memref<2048x128xf32, #tpu.memory_space<vmem>>, %arg6: memref<128x128xf32, #tpu.memory_space<vmem>>, %arg7: memref<128x128xf32, #tpu.memory_space<vmem>>, %arg8: memref<1x128xf32, #tpu.memory_space<vmem>>, %arg9: memref<128x128xf32, #tpu.memory_space<vmem>>, %arg10: memref<128x128xf32, #tpu.memory_space<vmem>>, %arg11: memref<1x128xf32, #tpu.memory_space<vmem>>, %arg12: memref<128x64xf32, #tpu.memory_space<vmem>>, %arg13: memref<1x64xf32, #tpu.memory_space<vmem>>, %arg14: memref<2048x64xf32, #tpu.memory_space<vmem>>) attributes {dimension_semantics = [#tpu.dimension_semantics<arbitrary>], iteration_bounds = array<i64: 5>, scalar_prefetch = 0 : i64, scratch_operands = 0 : i64, tpu.core_type = #tpu.core_type<tc>, window_params = [{transform_indices = @transform_0, window_bounds = array<i64: 2, 2048, 128>}, {transform_indices = @transform_1, window_bounds = array<i64: 2, 2048, 128>}, {transform_indices = @transform_2, window_bounds = array<i64: 2, 2048, 128>}, {transform_indices = @transform_3, window_bounds = array<i64: 2, 2048, 128>}, {transform_indices = @transform_4, window_bounds = array<i64: 2048, 128>}, {pipeline_mode = #tpu.pipeline_mode<synchronous>, transform_indices = @transform_5, window_bounds = array<i64: 128, 128>}, {pipeline_mode = #tpu.pipeline_mode<synchronous>, transform_indices = @transform_6, window_bounds = array<i64: 128, 128>}, {pipeline_mode = #tpu.pipeline_mode<synchronous>, transform_indices = @transform_7, window_bounds = array<i64: 1, 128>}, {pipeline_mode = #tpu.pipeline_mode<synchronous>, transform_indices = @transform_8, window_bounds = array<i64: 128, 128>}, {pipeline_mode = #tpu.pipeline_mode<synchronous>, transform_indices = @transform_9, window_bounds = array<i64: 128, 128>}, {pipeline_mode = #tpu.pipeline_mode<synchronous>, transform_indices = @transform_10, window_bounds = array<i64: 1, 128>}, {pipeline_mode = #tpu.pipeline_mode<synchronous>, transform_indices = @transform_11, window_bounds = array<i64: 128, 64>}, {pipeline_mode = #tpu.pipeline_mode<synchronous>, transform_indices = @transform_12, window_bounds = array<i64: 1, 64>}, {transform_indices = @transform_13, window_bounds = array<i64: 2048, 64>}]} {
    %get3A = arith.constant 0 : index
    %get3A_0 = arith.constant 0 : index
    %get3A_1 = arith.constant 0 : index
    %get3A_2 = vector.load %arg2[%get3A, %get3A_0, %get3A_1] : memref<2x2048x128xf32, #tpu.memory_space<vmem>>, vector<1x2048x1xf32>
    %get3A_3 = vector.shape_cast %get3A_2 : vector<1x2048x1xf32> to vector<2048x1xf32>
    %get3A_4 = arith.constant 1 : index
    %get3A_5 = arith.constant 0 : index
    %get3A_6 = arith.constant 0 : index
    %get3A_7 = vector.load %arg2[%get3A_4, %get3A_5, %get3A_6] : memref<2x2048x128xf32, #tpu.memory_space<vmem>>, vector<1x2048x1xf32>
    %get3A_8 = vector.shape_cast %get3A_7 : vector<1x2048x1xf32> to vector<2048x1xf32>
    %add3A = arith.addf %get3A_3, %get3A_8 : vector<2048x1xf32>
    %max3A = arith.constant 1.000000e+00 : f32
    %max3A_9 = vector.broadcast %max3A : f32 to vector<2048x1xf32>
    %max3A_10 = arith.maximumf %add3A, %max3A_9 : vector<2048x1xf32>
    %get3A_11 = arith.constant 0 : index
    %get3A_12 = arith.constant 0 : index
    %get3A_13 = arith.constant 0 : index
    %get3A_14 = vector.load %arg1[%get3A_11, %get3A_12, %get3A_13] : memref<2x2048x128xf32, #tpu.memory_space<vmem>>, vector<1x2048x128xf32>
    %get3A_15 = vector.shape_cast %get3A_14 : vector<1x2048x128xf32> to vector<2048x128xf32>
    %get3A_16 = arith.constant 1 : index
    %get3A_17 = arith.constant 0 : index
    %get3A_18 = arith.constant 0 : index
    %get3A_19 = vector.load %arg1[%get3A_16, %get3A_17, %get3A_18] : memref<2x2048x128xf32, #tpu.memory_space<vmem>>, vector<1x2048x128xf32>
    %get3A_20 = vector.shape_cast %get3A_19 : vector<1x2048x128xf32> to vector<2048x128xf32>
    %add3A_21 = arith.addf %get3A_15, %get3A_20 : vector<2048x128xf32>
    %div3A = vector.broadcast %max3A_10 : vector<2048x1xf32> to vector<2048x128xf32>
    %div3A_22 = arith.divf %add3A_21, %div3A : vector<2048x128xf32>
    %get3A_23 = arith.constant 0 : index
    %get3A_24 = arith.constant 0 : index
    %get3A_25 = vector.load %arg6[%get3A_23, %get3A_24] : memref<128x128xf32, #tpu.memory_space<vmem>>, vector<128x128xf32>
    %dot_general3A = arith.constant dense<0.000000e+00> : vector<2048x128xf32>
    %dot_general3A_26 = tpu.matmul %div3A_22, %get3A_25, %dot_general3A {dimension_numbers = #tpu.dot_dimension_numbers<[1], [0], [0], [1], [0, 0, 1, 1], [], []>, transpose_lhs_hint = false} : vector<2048x128xf32>, vector<128x128xf32>, vector<2048x128xf32> -> vector<2048x128xf32>
    %get3A_27 = arith.constant 0 : index
    %get3A_28 = arith.constant 0 : index
    %get3A_29 = arith.constant 0 : index
    %get3A_30 = vector.load %arg4[%get3A_27, %get3A_28, %get3A_29] : memref<2x2048x128xf32, #tpu.memory_space<vmem>>, vector<1x2048x1xf32>
    %get3A_31 = vector.shape_cast %get3A_30 : vector<1x2048x1xf32> to vector<2048x1xf32>
    %get3A_32 = arith.constant 1 : index
    %get3A_33 = arith.constant 0 : index
    %get3A_34 = arith.constant 0 : index
    %get3A_35 = vector.load %arg4[%get3A_32, %get3A_33, %get3A_34] : memref<2x2048x128xf32, #tpu.memory_space<vmem>>, vector<1x2048x1xf32>
    %get3A_36 = vector.shape_cast %get3A_35 : vector<1x2048x1xf32> to vector<2048x1xf32>
    %add3A_37 = arith.addf %get3A_31, %get3A_36 : vector<2048x1xf32>
    %max3A_38 = arith.constant 1.000000e+00 : f32
    %max3A_39 = vector.broadcast %max3A_38 : f32 to vector<2048x1xf32>
    %max3A_40 = arith.maximumf %add3A_37, %max3A_39 : vector<2048x1xf32>
    %get3A_41 = arith.constant 0 : index
    %get3A_42 = arith.constant 0 : index
    %get3A_43 = arith.constant 0 : index
    %get3A_44 = vector.load %arg3[%get3A_41, %get3A_42, %get3A_43] : memref<2x2048x128xf32, #tpu.memory_space<vmem>>, vector<1x2048x128xf32>
    %get3A_45 = vector.shape_cast %get3A_44 : vector<1x2048x128xf32> to vector<2048x128xf32>
    %get3A_46 = arith.constant 1 : index
    %get3A_47 = arith.constant 0 : index
    %get3A_48 = arith.constant 0 : index
    %get3A_49 = vector.load %arg3[%get3A_46, %get3A_47, %get3A_48] : memref<2x2048x128xf32, #tpu.memory_space<vmem>>, vector<1x2048x128xf32>
    %get3A_50 = vector.shape_cast %get3A_49 : vector<1x2048x128xf32> to vector<2048x128xf32>
    %add3A_51 = arith.addf %get3A_45, %get3A_50 : vector<2048x128xf32>
    %div3A_52 = vector.broadcast %max3A_40 : vector<2048x1xf32> to vector<2048x128xf32>
    %div3A_53 = arith.divf %add3A_51, %div3A_52 : vector<2048x128xf32>
    %get3A_54 = arith.constant 0 : index
    %get3A_55 = arith.constant 0 : index
    %get3A_56 = vector.load %arg9[%get3A_54, %get3A_55] : memref<128x128xf32, #tpu.memory_space<vmem>>, vector<128x128xf32>
    %dot_general3A_57 = arith.constant dense<0.000000e+00> : vector<2048x128xf32>
    %dot_general3A_58 = tpu.matmul %div3A_53, %get3A_56, %dot_general3A_57 {dimension_numbers = #tpu.dot_dimension_numbers<[1], [0], [0], [1], [0, 0, 1, 1], [], []>, transpose_lhs_hint = false} : vector<2048x128xf32>, vector<128x128xf32>, vector<2048x128xf32> -> vector<2048x128xf32>
    %add3A_59 = arith.addf %dot_general3A_26, %dot_general3A_58 : vector<2048x128xf32>
    %get3A_60 = arith.constant 0 : index
    %get3A_61 = arith.constant 0 : index
    %get3A_62 = vector.load %arg5[%get3A_60, %get3A_61] : memref<2048x128xf32, #tpu.memory_space<vmem>>, vector<2048x128xf32>
    %get3A_63 = arith.constant 0 : index
    %get3A_64 = arith.constant 0 : index
    %get3A_65 = vector.load %arg7[%get3A_63, %get3A_64] : memref<128x128xf32, #tpu.memory_space<vmem>>, vector<128x128xf32>
    %get3A_66 = arith.constant 0 : index
    %get3A_67 = arith.constant 0 : index
    %get3A_68 = vector.load %arg10[%get3A_66, %get3A_67] : memref<128x128xf32, #tpu.memory_space<vmem>>, vector<128x128xf32>
    %add3A_69 = arith.addf %get3A_65, %get3A_68 : vector<128x128xf32>
    %dot_general3A_70 = arith.constant dense<0.000000e+00> : vector<2048x128xf32>
    %dot_general3A_71 = tpu.matmul %get3A_62, %add3A_69, %dot_general3A_70 {dimension_numbers = #tpu.dot_dimension_numbers<[1], [0], [0], [1], [0, 0, 1, 1], [], []>, transpose_lhs_hint = false} : vector<2048x128xf32>, vector<128x128xf32>, vector<2048x128xf32> -> vector<2048x128xf32>
    %add3A_72 = arith.addf %add3A_59, %dot_general3A_71 : vector<2048x128xf32>
    %get3A_73 = arith.constant 0 : index
    %get3A_74 = arith.constant 0 : index
    %get3A_75 = vector.load %arg8[%get3A_73, %get3A_74] : memref<1x128xf32, #tpu.memory_space<vmem>>, vector<1x128xf32>
    %add3A_76 = vector.broadcast %get3A_75 : vector<1x128xf32> to vector<2048x128xf32>
    %add3A_77 = arith.addf %add3A_72, %add3A_76 : vector<2048x128xf32>
    %get3A_78 = arith.constant 0 : index
    %get3A_79 = arith.constant 0 : index
    %get3A_80 = vector.load %arg11[%get3A_78, %get3A_79] : memref<1x128xf32, #tpu.memory_space<vmem>>, vector<1x128xf32>
    %add3A_81 = vector.broadcast %get3A_80 : vector<1x128xf32> to vector<2048x128xf32>
    %add3A_82 = arith.addf %add3A_77, %add3A_81 : vector<2048x128xf32>
    %ge3A = arith.constant 0.000000e+00 : f32
    %ge3A_83 = vector.broadcast %ge3A : f32 to vector<2048x128xf32>
    %ge3A_84 = arith.cmpf oge, %add3A_82, %ge3A_83 : vector<2048x128xf32>
    %mul3A = arith.constant 0.00999999977 : f32
    %mul3A_85 = vector.broadcast %mul3A : f32 to vector<2048x128xf32>
    %mul3A_86 = arith.mulf %mul3A_85, %add3A_82 : vector<2048x128xf32>
    %select_n3A = arith.select %ge3A_84, %add3A_82, %mul3A_86 : vector<2048x128xi1>, vector<2048x128xf32>
    %get3A_87 = arith.constant 0 : index
    %get3A_88 = arith.constant 0 : index
    %get3A_89 = vector.load %arg12[%get3A_87, %get3A_88] : memref<128x64xf32, #tpu.memory_space<vmem>>, vector<128x64xf32>
    %dot_general3A_90 = arith.constant dense<0.000000e+00> : vector<2048x64xf32>
    %dot_general3A_91 = tpu.matmul %select_n3A, %get3A_89, %dot_general3A_90 {dimension_numbers = #tpu.dot_dimension_numbers<[1], [0], [0], [1], [0, 0, 1, 1], [], []>, transpose_lhs_hint = false} : vector<2048x128xf32>, vector<128x64xf32>, vector<2048x64xf32> -> vector<2048x64xf32>
    %get3A_92 = arith.constant 0 : index
    %get3A_93 = arith.constant 0 : index
    %get3A_94 = vector.load %arg13[%get3A_92, %get3A_93] : memref<1x64xf32, #tpu.memory_space<vmem>>, vector<1x64xf32>
    %add3A_95 = vector.broadcast %get3A_94 : vector<1x64xf32> to vector<2048x64xf32>
    %add3A_96 = arith.addf %dot_general3A_91, %add3A_95 : vector<2048x64xf32>
    %swap3A = arith.constant 0 : index
    %swap3A_97 = arith.constant 0 : index
    %swap3A_98 = vector.load %arg14[%swap3A, %swap3A_97] : memref<2048x64xf32, #tpu.memory_space<vmem>>, vector<2048x64xf32>
    tpu.vector_store %arg14[%swap3A, %swap3A_97], %add3A_96 {strides = array<i32>} : memref<2048x64xf32, #tpu.memory_space<vmem>>, vector<2048x64xf32>,
    return
  }
  func.func @transform_0(%arg0: i32) -> (i32, i32, i32) {
    %c0_i32 = arith.constant 0 : i32
    %c0_i32_0 = arith.constant 0 : i32
    %c0_i32_1 = arith.constant 0 : i32
    return %c0_i32, %arg0, %c0_i32_0 : i32, i32, i32
  }
  func.func @transform_1(%arg0: i32) -> (i32, i32, i32) {
    %c0_i32 = arith.constant 0 : i32
    %c0_i32_0 = arith.constant 0 : i32
    %c0_i32_1 = arith.constant 0 : i32
    return %c0_i32, %arg0, %c0_i32_0 : i32, i32, i32
  }
  func.func @transform_2(%arg0: i32) -> (i32, i32, i32) {
    %c0_i32 = arith.constant 0 : i32
    %c0_i32_0 = arith.constant 0 : i32
    %c0_i32_1 = arith.constant 0 : i32
    return %c0_i32, %arg0, %c0_i32_0 : i32, i32, i32
  }
  func.func @transform_3(%arg0: i32) -> (i32, i32, i32) {
    %c0_i32 = arith.constant 0 : i32
    %c0_i32_0 = arith.constant 0 : i32
    %c0_i32_1 = arith.constant 0 : i32
    return %c0_i32, %arg0, %c0_i32_0 : i32, i32, i32
  }
  func.func @transform_4(%arg0: i32) -> (i32, i32) {
    %c0_i32 = arith.constant 0 : i32
    %c0_i32_0 = arith.constant 0 : i32
    return %arg0, %c0_i32 : i32, i32
  }
  func.func @transform_5(%arg0: i32) -> (i32, i32) {
    %c0_i32 = arith.constant 0 : i32
    %c0_i32_0 = arith.constant 0 : i32
    %c0_i32_1 = arith.constant 0 : i32
    return %c0_i32, %c0_i32_0 : i32, i32
  }
  func.func @transform_6(%arg0: i32) -> (i32, i32) {
    %c0_i32 = arith.constant 0 : i32
    %c0_i32_0 = arith.constant 0 : i32
    %c0_i32_1 = arith.constant 0 : i32
    return %c0_i32, %c0_i32_0 : i32, i32
  }
  func.func @transform_7(%arg0: i32) -> (i32, i32) {
    %c0_i32 = arith.constant 0 : i32
    %c0_i32_0 = arith.constant 0 : i32
    %c0_i32_1 = arith.constant 0 : i32
    return %c0_i32, %c0_i32_0 : i32, i32
  }
  func.func @transform_8(%arg0: i32) -> (i32, i32) {
    %c0_i32 = arith.constant 0 : i32
    %c0_i32_0 = arith.constant 0 : i32
    %c0_i32_1 = arith.constant 0 : i32
    return %c0_i32, %c0_i32_0 : i32, i32
  }
  func.func @transform_9(%arg0: i32) -> (i32, i32) {
    %c0_i32 = arith.constant 0 : i32
    %c0_i32_0 = arith.constant 0 : i32
    %c0_i32_1 = arith.constant 0 : i32
    return %c0_i32, %c0_i32_0 : i32, i32
  }
  func.func @transform_10(%arg0: i32) -> (i32, i32) {
    %c0_i32 = arith.constant 0 : i32
    %c0_i32_0 = arith.constant 0 : i32
    %c0_i32_1 = arith.constant 0 : i32
    return %c0_i32, %c0_i32_0 : i32, i32
  }
  func.func @transform_11(%arg0: i32) -> (i32, i32) {
    %c0_i32 = arith.constant 0 : i32
    %c0_i32_0 = arith.constant 0 : i32
    %c0_i32_1 = arith.constant 0 : i32
    return %c0_i32, %c0_i32_0 : i32, i32
  }
  func.func @transform_12(%arg0: i32) -> (i32, i32) {
    %c0_i32 = arith.constant 0 : i32
    %c0_i32_0 = arith.constant 0 : i32
    %c0_i32_1 = arith.constant 0 : i32
    return %c0_i32, %c0_i32_0 : i32, i32
  }
  func.func @transform_13(%arg0: i32) -> (i32, i32) {
    %c0_i32 = arith.constant 0 : i32
    %c0_i32_0 = arith.constant 0 : i32
    return %arg0, %c0_i32 : i32, i32
  }
}

</mosaic_0001>

<sc_bundles>
// kernel: kernel.11.cloned.1.call-start
scs
__scs_entry_jumppad:
0x0: {  	(pc) =	sbr.rel $0x88, $3  }
0x1: {  	(tag) =	ssettag $0x0;
	lr =	simm.s32 $0x1  }
0x2: {  	[smem:$0x3F8B] =	sst lr;
	_ =	strace $0xD0000000  }
0x3: {  	_ = 	snop  }
0x4: {  	_ = 	snop  }
0x5: {  	_ = 	snop  }
0x6: {  	_ = 	snop  }
0x7: {  	_ = 	snop  }
__scs_overlays_trampoline_lowered:
0x8: {  	[smem:$0x3F9A] =	sst s0  }
0x9: {  	[smem:$0x3F9B] =	sst s1  }
0xa: {  	[smem:$0x3F9C] =	sst s2  }
0xb: {  	[smem:$0x3F9D] =	sst s3  }
0xc: {  	[smem:$0x3F9E] =	sst s4  }
0xd: {  	[smem:$0x3F9F] =	sst s5  }
0xe: {  	[smem:$0x3FA0] =	sst s6  }
0xf: {  	[smem:$0x3FA1] =	sst s7  }
0x10: {  	[smem:$0x3FA2] =	sst s8  }
0x11: {  	[smem:$0x3FA3] =	sst s9;
	s0 =	simm.s32 @!p0 $0x0  }
0x12: {  	s1 =	sld [smem:$0x3F89];
	s0 =	simm.s32 @p0 $0x1  }
0x13: {  	[smem:$0x3FA4] =	sst s0;
	s0 =	simm.s32 @!p1 $0x0  }
0x14: {  	s2 =	sld [smem:$0x3F88];
	s0 =	simm.s32 @p1 $0x1  }
0x15: {  	[smem:$0x3FA5] =	sst s0;
	s0 =	simm.s32 @!p2 $0x0  }
0x16: {  	s3 =	sld [smem:$0x3FDB];
	s0 =	simm.s32 @p2 $0x1  }
0x17: {  	s4 =	simm.s32 $0x1BF5;
	[smem:$0x3FA7] =	sst s0  }
0x18: {  	s0 =	sld [smem:$0x3F8A];
	_ =	swait.ge [sflag:s4], $0x0  }
0x19: {  	s7 =	sld [smem:$0x3F8B]  }
0x1a: {  	s8 =	sadd.s32 $0xFFFFE003, lr  }
0x1b: {  	s9 =	sadd.s32 $0xFFFFFEF7, lr;
	s5 =	simm.s32 $0xFFFFFFFF;
	p2 =	slt.u32 s8, $0xFFFFF086  }
0x1c: {  	p1 =	slt.u32 s9, $0xF7A;
	s5 =	simm.s32 @!p2 $0x0  }
0x1d: {  	s5 =	simm.s32 @p1 $0x1;
	p0 =	seq.s32 s7, s2  }
0x1e: {  	s7 =	smul.u32 @!p0 $0xF7A, s2;
	p2 =	seq.s32 @!p0 s5, $0x0  }
0x1f: {  	s9 =	smul.u32 $0xF7A, s1;
	s8 =	simm.s32 @!p0 $0x1BF5;
	p2 =	por !p2, p0  }
0x20: {  	[sflag:s8] =	ssyncset.s32 @!p0 $0xFFFFF086;
	s6 =	sadd.s32 @!p0 s3, s7;
	s7 =	simm.s32 @!p0 $0x108  }
0x21: {  	s3 =	sadd.s32 s3, s9;
	s6 =	sadd.s32 @!p0 $0x88, s6;
	s7 =	simm.s32 @p2 $0x1082  }
0x22: {  	[simem:s7], [sflag:s8] =	dma.local @!p0 [hbm:s6], $0xF7A  }
0x23: {  	s9 =	sor.u32 $0xD0000000, s2;
	s6 =	simm.s32 $0x108;
	_ =	swait.ge @!p0 [sflag:s8], $0x0  }
0x24: {  	s3 =	sadd.s32 $0x88, s3;
	s6 =	simm.s32 @!p1 $0x1082;
	[sflag:s4] =	ssyncset.s32 $0xFFFFF086  }
0x25: {  	[simem:s6], [sflag:s4] =	dma.local [hbm:s3], $0xF7A  }
0x26: {  	[smem:$0x3F8B] =	sst s1;
	(tag) =	ssettag s2;
	_ =	strace s9  }
0x27: {  	s1 =	sld [smem:$0x3F9B]  }
0x28: {  	s2 =	sld [smem:$0x3F9C]  }
0x29: {  	s4 =	sld [smem:$0x3F9E]  }
0x2a: {  	p0 =	seq.s32 s5, $0x0;
	s5 =	sld [smem:$0x3F9F]  }
0x2b: {  	s6 =	sld [smem:$0x3FA0]  }
0x2c: {  	s7 =	sld [smem:$0x3FA1]  }
0x2d: {  	s3 =	simm.s32 $0x108;
	s8 =	sld [smem:$0x3FA2]  }
0x2e: {  	s3 =	simm.s32 @!p0 $0x1082;
	s9 =	sld [smem:$0x3FA3]  }
0x2f: {  	lr =	sadd.s32 s0, s3;
	s0 =	sld [smem:$0x3F9A]  }
0x30: {  	s3 =	sld [smem:$0x3F9D]  }
0x31: {  	[smem:$0x3FA6] =	sst s10  }
0x32: {  	s10 =	sld [smem:$0x3FA4];
	_ =	sdelay $0x3  }
0x33: {  	p0 =	seq.s32 s10, $0x1;
	s10 =	sld [smem:$0x3FA6];
	_ =	sdelay $0x3  }
0x34: {  	[smem:$0x3FA6] =	sst s10  }
0x35: {  	s10 =	sld [smem:$0x3FA5];
	_ =	sdelay $0x3  }
0x36: {  	p1 =	seq.s32 s10, $0x1;
	s10 =	sld [smem:$0x3FA6];
	_ =	sdelay $0x3  }
0x37: {  	[smem:$0x3FA6] =	sst s10  }
0x38: {  	s10 =	sld [smem:$0x3FA7]  }
0x39: {  	_ = 	snop;
	(pc) =	sbr.ind lr, $3  }
0x3a: {  	_ = 	snop  }
0x3b: {  	_ = 	snop  }
0x3c: {  	p2 =	seq.s32 s10, $0x1;
	s10 =	sld [smem:$0x3FA6]  }
0x3d: {  	_ =	shalt  }
0x3e: {  	_ =	shalt  }
0x3f: {  	_ =	shalt  }
0x40: {  	_ =	shalt  }
0x41: {  	_ =	shalt  }
0x42: {  	_ =	shalt  }
0x43: {  	_ =	shalt  }
0x44: {  	_ =	shalt  }
0x45: {  	_ =	shalt  }
0x46: {  	_ =	shalt  }
0x47: {  	_ =	shalt  }
0x48: {  	_ =	shalt  }
0x49: {  	_ =	shalt  }
0x4a: {  	_ =	shalt  }
0x4b: {  	_ =	shalt  }
0x4c: {  	_ =	shalt  }
0x4d: {  	_ =	shalt  }
0x4e: {  	_ =	shalt  }
0x4f: {  	_ =	shalt  }
0x50: {  	_ =	shalt  }
0x51: {  	_ =	shalt  }
0x52: {  	_ =	shalt  }
0x53: {  	_ =	shalt  }
0x54: {  	_ =	shalt  }
0x55: {  	_ =	shalt  }
0x56: {  	_ =	shalt  }
0x57: {  	_ =	shalt  }
0x58: {  	_ =	shalt  }
0x59: {  	_ =	shalt  }
0x5a: {  	_ =	shalt  }
0x5b: {  	_ =	shalt  }
0x5c: {  	_ =	shalt  }
0x5d: {  	_ =	shalt  }
0x5e: {  	_ =	shalt  }
0x5f: {  	_ =	shalt  }
0x60: {  	_ =	shalt  }
0x61: {  	_ =	shalt  }
0x62: {  	_ =	shalt  }
0x63: {  	_ =	shalt  }
0x64: {  	_ =	shalt  }
0x65: {  	_ =	shalt  }
0x66: {  	_ =	shalt  }
0x67: {  	_ =	shalt  }
0x68: {  	_ =	shalt  }
0x69: {  	_ =	shalt  }
0x6a: {  	_ =	shalt  }
0x6b: {  	_ =	shalt  }
0x6c: {  	_ =	shalt  }
0x6d: {  	_ =	shalt  }
0x6e: {  	_ =	shalt  }
0x6f: {  	_ =	shalt  }
0x70: {  	_ =	shalt  }
0x71: {  	_ =	shalt  }
0x72: {  	_ =	shalt  }
0x73: {  	_ =	shalt  }
0x74: {  	_ =	shalt  }
0x75: {  	_ =	shalt  }
0x76: {  	_ =	shalt  }
0x77: {  	_ =	shalt  }
0x78: {  	_ =	shalt  }
0x79: {  	_ =	shalt  }
0x7a: {  	_ =	shalt  }
0x7b: {  	_ =	shalt  }
0x7c: {  	_ =	shalt  }
0x7d: {  	_ =	shalt  }
0x7e: {  	_ =	shalt  }
0x7f: {  	_ =	shalt  }
0x80: {  	_ =	shalt  }
0x81: {  	_ =	shalt  }
0x82: {  	_ =	shalt  }
0x83: {  	_ =	shalt  }
0x84: {  	_ =	shalt  }
0x85: {  	_ =	shalt  }
0x86: {  	_ =	shalt  }
0x87: {  	_ =	shalt  }
.Lfunc_end0:
.L_simem_size_0:
called_computation.1_lowered:
.L_overlay_start_0:
0x88: {  	s2 =	sld [smem:$0x3FD9]  }
0x89: {  	s3 =	sld [smem:$0x3FFE];
	_ =	sdelay $0x1  }
0x8a: {  	s1 =	srdreg.scid  }
0x8b: {  	s0 =	sand.u32 $0x1, s1  }
0x8c: {  	s17 =	sshll.u32 s0, $0xA;
	s2 =	sadd.s32 s3, s2  }
0x8d: {  	s2 =	sadd.s32 s2, s17  }
0x8e: {  	[smem:$0x3FB2] =	sst s2  }
0x8f: {  	_ = 	snop  }
0x90: {  	s2 =	sld [smem:$0x3FD0];
	(tm) =	ssettm $0x1  }
0x91: {  	s18 =	sld [smem:$0x3FFB];
	_ =	sdelay $0x3  }
0x92: {  	_ =	strace s18  }
0x93: {  	s3 =	sld [smem:$0x3FFC];
	_ =	sdelay $0x3  }
0x94: {  	_ =	strace s3  }
0x95: {  	s3 =	sld [smem:$0x3FFD];
	_ =	sdelay $0x3  }
0x96: {  	_ =	strace s3  }
0x97: {  	_ =	strace $0x8FFFFFFF  }
0x98: {  	s19 =	sld [smem:$0x3FDB];
	_ =	sdelay $0x1  }
0x99: {  	s4 =	simm.s32 $_scs_section_size  }
0x9a: {  	s5 =	simm.s32 $_size__tile_overlayer_lowered;
	s6 =	simm.s32 $_tile_overlayer_lowered  }
0x9b: {  	s22 =	simm.s32 $0x1BFF;
	s21 =	sshll.u32 s6, $0x1;
	s3 =	sadd.s32 s4, s19  }
0x9c: {  	s7 =	simm.s32 $0x0;
	s20 =	sshll.u32 s5, $0x1;
	s5 =	sadd.s32 s21, s3  }
0x9d: {  	[timem:s7], [sflag:s22] =	dma.local [hbm:s5], s20  }
0x9e: {  	_ =	swait.ge [sflag:s22], s20  }
0x9f: {  	s4 =	ssub.s32 $0x0, s20;
	[sflag:s22] =	ssyncset.done $0x0  }
0xa0: {  	[sflag:s22] =	ssyncadd.s32 s4;
	_ =	sdelay $0x1  }
0xa1: {  	s23 =	simm.s32 $0x1B8B  }
0xa2: {  	_ =	swait.ge [sflag:s23], $0x1  }
0xa3: {  	[sflag:s23] =	ssyncset.done $0x0  }
0xa4: {  	s25 =	simm.s32 $0x1B8E;
	s24 =	sld [smem:$0x3FFE];
	[sflag:s23] =	ssyncadd.s32 $0xFFFFFFFF  }
0xa5: {  	s26 =	simm.s32 $execute0_lowered;
	[smem:$0x3FD2] =	sst s25  }
0xa6: {  	s5 =	sshll.u32 s26, $0x1;
	_ =	strace $0x80000046;
	[dreg:$0x1] =	wrdreg $0xFFFFFFFF  }
0xa7: {  	s28 =	simm.s32 $_size_execute0_lowered;
	s3 =	sadd.s32 s3, s5;
	[dreg:$0x0] =	wrdreg $0x0  }
0xa8: {  	s5 =	sshll.u32 s28, $0x1;
	[dreg:$0x2] =	wrdreg s3  }
0xa9: {  	[dreg:$0x3] =	wrdreg s5  }
0xaa: {  	[dreg:$0x4] =	wrdreg $0xC0  }
0xab: {  	_ =	task [dreg:s7], $0x5FFFF  }
0xac: {  	[dreg:$0x1] =	wrdreg $0xFFFFFFFF  }
0xad: {  	[dreg:$0x0] =	wrdreg $0x60  }
0xae: {  	[dreg:$0x2] =	wrdreg s24  }
0xaf: {  	[dreg:$0x3] =	wrdreg s2  }
0xb0: {  	[dreg:$0x4] =	wrdreg $0xB8000  }
0xb1: {  	[dreg:$0x5] =	wrdreg $0xA  }
0xb2: {  	_ =	task.clear_ibuf [dreg:s7], $0x6FFFF;
	_ =	strace $0x90000046  }
0xb3: {  	s29 =	simm.s32 $0xA;
	_ =	strace $0x80000048  }
0xb4: {  	_ =	swait.ge [sflag:s29], $0x1  }
0xb5: {  	[sflag:s29] =	ssyncadd.s32 $0xFFFFFFFF  }
0xb6: {  	_ =	strace $0x90000048  }
0xb7: {  	_ =	sfence  }
0xb8: {  	s30 =	sld [smem:$0x0];
	_ =	sdelay $0x2  }
0xb9: {  	s31 =	sshll.u32 s1, $0xD;
	s1 =	sshrl.u32 s1, $0x2  }
0xba: {  	s3 =	sand.u32 $0x4000, s31;
	s1 =	sadd.s32 s1, s30  }
0xbb: {  	s0 =	sor.u32 s3, s0;
	s1 =	sshll.u32 s1, $0x11  }
0xbc: {  	s0 =	sor.u32 s1, s0  }
0xbd: {  	s0 =	sadd.s32 $0x8F2B, s0  }
0xbe: {  	[sflag:s0] =	ssyncadd.remote.s32 $0x1  }
0xbf: {  	_ =	sfence.sel $0xFFFF  }
0xc0: {  	[dreg:$0x0] =	wrdreg $0xFFFFFFFF;
	(pc) =	sbr.abs _section_cstart, $3  }
0xc1: {  	[dreg:$0x1] =	wrdreg $0xFFFFFFFF  }
0xc2: {  	_ =	task.clear_ibuf [dreg:s7], $0x2FFFF;
	_ =	strace $0x9FFFFFFF  }
0xc3: {  	(tm) =	ssettm $0x7FFFFFFF  }
tec
execute0_lowered:
.L_overlay_start_1:
0x0: {  	(tag) =	ssettag $0x1  }
0x1: {  	s7 =	rddreg [dreg:$0x0]  }
0x2: {  	s8 =	rddreg [dreg:$0x1]  }
0x3: {  	s1 =	rddreg [dreg:$0x2]  }
0x4: {  	s2 =	srdreg.scid;
	s0 =	rddreg [dreg:$0x3];
	s3 =	simm.s32 $0x0  }
0x5: {  	s19 =	simm.s32 $0x2;
	s20 =	simm.s32 $0x3800;
	s21 =	simm.s32 $0x1  }
0x6: {  	s22 =	simm.s32 $0x80;
	s23 =	simm.s32 $0x3480;
	s24 =	simm.s32 $0x7800  }
0x7: {  	s25 =	simm.s32 $0x0;
	s9 =	sand.u32 $0x1, s2;
	s2 =	stileid.u32  }
0x8: {  	[smem:$0x7FF] =	sst s3;
	s5 =	sadd.s32 $0x48E00, s7;
	s6 =	smul.u32 $0x140000, s9  }
0x9: {  	s4 =	sshll.u32 s9, $0x4;
	s10 =	smul.u32 $0x14000, s2;
	_ =	strace $0x80000047  }
0xa: {  	s12 =	smul.u32 $0x50000, s2;
	s29 =	ssub.s32 $0x2, s9;
	s4 =	sor.u32 s2, s4  }
0xb: {  	s31 =	sshll.u32 s2, $0x6;
	s9 =	sshrl.u32 s29, $0x1;
	s11 =	smul.u32 $0x380, s4  }
0xc: {  	s4 =	sadd.s32 $0x20E00, s7;
	s6 =	sadd.s32 s10, s6;
	s30 =	sshrl.u32 s12, $0x2  }
0xd: {  	s17 =	ssub.s32 s29, s9;
	s10 =	sshrl.u32 s6, $0x3;
	s6 =	sadd.s32 $0x77E00, s7  }
0xe: {  	s18 =	sadd.s32 s30, s1;
	s17 =	smax.u32 s17, $0x1;
	s15 =	sadd.s32 s11, s7  }
0xf: {  	s16 =	sadd.s32 s10, s7;
	s7 =	sor.u32 $0x1C02, s31;
	s8 =	sadd.s32 s8, s11  }
0x10: {  	s18 =	sshrl.u32 s18, $0x3;
	s9 =	sadd.s32 $0x4E00, s15;
	s10 =	sadd.s32 $0xCA600, s16  }
0x11: {  	s11 =	sadd.s32 $0x12E00, s15;
	s12 =	sadd.s32 $0xBE00, s15;
	s13 =	sadd.s32 $0x11A600, s16  }
0x12: {  	s14 =	sadd.s32 $0x70E00, s15;
	s15 =	sadd.s32 $0x19E00, s15;
	s16 =	sadd.s32 $0x7A600, s16  }
.LBB2_1:
0x13: {  	[spmem:s18], [sflag:s7] =	dma.local [hbm:s6], $0x2800  }
0x14: {  	_ =	swait.ge [sflag:s19], $0x2800  }
0x15: {  	[sflag:s19] =	ssyncset.done $0x0  }
0x16: {  	[sflag:s19] =	ssyncadd.s32 $0xFFFFD800  }
0x17: {  	[tilespmem:s3], [sflag:$0x2] =	stream.linear.gather [hbm4b:s8+s3], $0x1900, $0x38;
	[tilespmem:$0x1F800] =	vst v63  }
0x18: {  	_ =	swait.ge [sflag:s19], $0x1900  }
0x19: {  	[sflag:s19] =	ssyncset.done $0x0  }
0x1a: {  	s26 =	simm.s32 $0x1C00;
	[sflag:s19] =	ssyncadd.s32 $0xFFFFE700  }
0x1b: {  	[tilespmem:s26], [sflag:$0x2] =	stream.linear.gather [hbm4b:s9+s3], $0x1900, $0x38;
	[tilespmem:$0x1F800] =	vst v63  }
0x1c: {  	_ =	swait.ge [sflag:s19], $0x1900  }
0x1d: {  	[sflag:s19] =	ssyncset.done $0x0  }
0x1e: {  	[sflag:s19] =	ssyncadd.s32 $0xFFFFE700  }
0x1f: {  	s28 =	simm.s32 $0x10000;
	[bflag:$0x0] =	sbarrier.arrive $0xFFFF  }
0x20: {  	[tilespmem:s20], [sflag:$0x1] =	stream.indirect.gather [hbm4b:s4+s22], $0x80, s3, s22, $0xb8;
	[tilespmem:$0x1F800] =	vst v63  }
0x21: {  	s28 =	sand.u32 $0x10000, s28;
	_ =	swait.ge [sflag:s21], $0x4000  }
0x22: {  	s29 =	simm.s32 $0x0;
	s28 =	sshrl.u32 s28, $0x2;
	[sflag:s21] =	ssyncset.done $0x0  }
0x23: {  	s29 =	sand.u32 $0x10000, s29;
	s28 =	sor.u32 $0x3800, s28;
	[sflag:s21] =	ssyncadd.s32 $0xFFFFC000  }
0x24: {  	[tilespmem:s28], [sflag:$0x1] =	stream.indirect.gather [hbm4b:s4+s22], $0x80, s22, s22, $0xb8;
	[tilespmem:$0x1F800] =	vst v63  }
0x25: {  	s28 =	sshrl.u32 s29, $0x2  }
0x26: {  	s28 =	sor.u32 $0x3800, s28  }
0x27: {  	[spmem:s1] =	stream.indirect.scatter.add.f32 [tilespmem:s28], [sflag:$0x2], $0x80, s26, s22, $0xb8;
	[tilespmem:$0x1F800] =	vst v63  }
0x28: {  	s29 =	simm.s32 $0x80;
	s28 =	simm.s32 $0x20000;
	_ =	swait.ge [sflag:s19], $0x4000  }
.LBB2_2:
0x29: {  	[sflag:s19] =	ssyncset.done $0x0  }
0x2a: {  	s26 =	sadd.s32 $0x80, s26;
	s29 =	sadd.s32 $0x80, s29;
	s30 =	smov.u32 s28  }
0x2b: {  	p0 =	sne.s32 s28, $0x310000;
	s28 =	sadd.s32 $0x10000, s28;
	[sflag:s19] =	ssyncadd.s32 $0xFFFFC000  }
0x2c: {  	s31 =	sand.u32 $0x10000, s30;
	_ =	swait.ge [sflag:s21], $0x4000  }
0x2d: {  	s30 =	sadd.s32 $0xFFFF0000, s30;
	s31 =	sshrl.u32 s31, $0x2;
	[sflag:s21] =	ssyncset.done $0x0  }
0x2e: {  	s30 =	sand.u32 $0x10000, s30;
	s31 =	sor.u32 $0x3800, s31;
	[sflag:s21] =	ssyncadd.s32 $0xFFFFC000  }
0x2f: {  	[tilespmem:s31], [sflag:$0x1] =	stream.indirect.gather [hbm4b:s4+s22], $0x80, s29, s22, $0xb8;
	[tilespmem:$0x1F800] =	vst v63  }
.Ltmp0:
0x30: {  	_ = 	snop;
	(pc) =	sbr.rel @p0 .LBB2_2-.Ltmp0, $4  }
0x31: {  	s30 =	sshrl.u32 s30, $0x2  }
0x32: {  	s30 =	sor.u32 $0x3800, s30  }
0x33: {  	[spmem:s1] =	stream.indirect.scatter.add.f32 [tilespmem:s30], [sflag:$0x2], $0x80, s26, s22, $0xb8;
	[tilespmem:$0x1F800] =	vst v63  }
0x34: {  	_ =	swait.ge [sflag:s19], $0x4000  }
0x35: {  	[sflag:s19] =	ssyncset.done $0x0  }
0x36: {  	[sflag:s19] =	ssyncadd.s32 $0xFFFFC000  }
0x37: {  	_ =	swait.ge [sflag:s21], $0x4000  }
0x38: {  	[sflag:s21] =	ssyncset.done $0x0  }
0x39: {  	s26 =	simm.s32 $0x80;
	[sflag:s21] =	ssyncadd.s32 $0xFFFFC000  }
0x3a: {  	[spmem:s1] =	stream.indirect.scatter.add.f32 [tilespmem:s24], [sflag:$0x2], $0x80, s23, s26, $0xb8;
	[tilespmem:$0x1F800] =	vst v63  }
0x3b: {  	_ =	swait.ge [sflag:s19], $0x4000  }
0x3c: {  	[sflag:s19] =	ssyncset.done $0x0  }
0x3d: {  	[sflag:s19] =	ssyncadd.s32 $0xFFFFC000  }
0x3e: {  	[bflag:$0x0] =	sbarrier.arrive $0xFFFF  }
0x3f: {  	[hbm:s10], [sflag:s7] =	dma.local [spmem:s18], $0x2800  }
0x40: {  	_ =	swait.ge [sflag:s19], $0x2800  }
0x41: {  	[sflag:s19] =	ssyncset.done $0x0  }
0x42: {  	[sflag:s19] =	ssyncadd.s32 $0xFFFFD800  }
0x43: {  	[spmem:s18], [sflag:s7] =	dma.local [hbm:s6], $0x2800  }
0x44: {  	_ =	swait.ge [sflag:s19], $0x2800  }
0x45: {  	[sflag:s19] =	ssyncset.done $0x0  }
0x46: {  	[sflag:s19] =	ssyncadd.s32 $0xFFFFD800  }
0x47: {  	[tilespmem:s3], [sflag:$0x2] =	stream.linear.gather [hbm4b:s11+s3], $0x1900, $0x38;
	[tilespmem:$0x1F800] =	vst v63  }
0x48: {  	_ =	swait.ge [sflag:s19], $0x1900  }
0x49: {  	[sflag:s19] =	ssyncset.done $0x0  }
0x4a: {  	s28 =	simm.s32 $0x1C00;
	[sflag:s19] =	ssyncadd.s32 $0xFFFFE700  }
0x4b: {  	[tilespmem:s28], [sflag:$0x2] =	stream.linear.gather [hbm4b:s12+s3], $0x1900, $0x38;
	[tilespmem:$0x1F800] =	vst v63  }
0x4c: {  	_ =	swait.ge [sflag:s19], $0x1900  }
0x4d: {  	[sflag:s19] =	ssyncset.done $0x0  }
0x4e: {  	[sflag:s19] =	ssyncadd.s32 $0xFFFFE700  }
0x4f: {  	s29 =	simm.s32 $0x10000;
	[bflag:$0x0] =	sbarrier.arrive $0xFFFF  }
0x50: {  	[tilespmem:s20], [sflag:$0x1] =	stream.indirect.gather [hbm4b:s5+s26], $0x80, s3, s26, $0xb8;
	[tilespmem:$0x1F800] =	vst v63  }
0x51: {  	s29 =	sand.u32 $0x10000, s29;
	_ =	swait.ge [sflag:s21], $0x4000  }
0x52: {  	s30 =	simm.s32 $0x0;
	s29 =	sshrl.u32 s29, $0x2;
	[sflag:s21] =	ssyncset.done $0x0  }
0x53: {  	s30 =	sand.u32 $0x10000, s30;
	s29 =	sor.u32 $0x3800, s29;
	[sflag:s21] =	ssyncadd.s32 $0xFFFFC000  }
0x54: {  	[tilespmem:s29], [sflag:$0x1] =	stream.indirect.gather [hbm4b:s5+s22], $0x80, s26, s22, $0xb8;
	[tilespmem:$0x1F800] =	vst v63  }
0x55: {  	s29 =	sshrl.u32 s30, $0x2  }
0x56: {  	s29 =	sor.u32 $0x3800, s29  }
0x57: {  	[spmem:s1] =	stream.indirect.scatter.add.f32 [tilespmem:s29], [sflag:$0x2], $0x80, s28, s22, $0xb8;
	[tilespmem:$0x1F800] =	vst v63  }
0x58: {  	s29 =	simm.s32 $0x20000;
	_ =	swait.ge [sflag:s19], $0x4000  }
.LBB2_4:
0x59: {  	[sflag:s19] =	ssyncset.done $0x0  }
0x5a: {  	s28 =	sadd.s32 $0x80, s28;
	s26 =	sadd.s32 $0x80, s26;
	s30 =	smov.u32 s29  }
0x5b: {  	p0 =	sne.s32 s29, $0x310000;
	s29 =	sadd.s32 $0x10000, s29;
	[sflag:s19] =	ssyncadd.s32 $0xFFFFC000  }
0x5c: {  	s31 =	sand.u32 $0x10000, s30;
	_ =	swait.ge [sflag:s21], $0x4000  }
0x5d: {  	s30 =	sadd.s32 $0xFFFF0000, s30;
	s31 =	sshrl.u32 s31, $0x2;
	[sflag:s21] =	ssyncset.done $0x0  }
0x5e: {  	s30 =	sand.u32 $0x10000, s30;
	s31 =	sor.u32 $0x3800, s31;
	[sflag:s21] =	ssyncadd.s32 $0xFFFFC000  }
0x5f: {  	[tilespmem:s31], [sflag:$0x1] =	stream.indirect.gather [hbm4b:s5+s22], $0x80, s26, s22, $0xb8;
	[tilespmem:$0x1F800] =	vst v63  }
.Ltmp1:
0x60: {  	_ = 	snop;
	(pc) =	sbr.rel @p0 .LBB2_4-.Ltmp1, $4  }
0x61: {  	s30 =	sshrl.u32 s30, $0x2  }
0x62: {  	s30 =	sor.u32 $0x3800, s30  }
0x63: {  	[spmem:s1] =	stream.indirect.scatter.add.f32 [tilespmem:s30], [sflag:$0x2], $0x80, s28, s22, $0xb8;
	[tilespmem:$0x1F800] =	vst v63  }
0x64: {  	_ =	swait.ge [sflag:s19], $0x4000  }
0x65: {  	[sflag:s19] =	ssyncset.done $0x0  }
0x66: {  	[sflag:s19] =	ssyncadd.s32 $0xFFFFC000  }
0x67: {  	_ =	swait.ge [sflag:s21], $0x4000  }
0x68: {  	[sflag:s21] =	ssyncset.done $0x0  }
0x69: {  	s26 =	simm.s32 $0x80;
	[sflag:s21] =	ssyncadd.s32 $0xFFFFC000  }
0x6a: {  	[spmem:s1] =	stream.indirect.scatter.add.f32 [tilespmem:s24], [sflag:$0x2], $0x80, s23, s26, $0xb8;
	[tilespmem:$0x1F800] =	vst v63  }
0x6b: {  	_ =	swait.ge [sflag:s19], $0x4000  }
0x6c: {  	[sflag:s19] =	ssyncset.done $0x0  }
0x6d: {  	[sflag:s19] =	ssyncadd.s32 $0xFFFFC000  }
0x6e: {  	[bflag:$0x0] =	sbarrier.arrive $0xFFFF  }
0x6f: {  	[hbm:s13], [sflag:s7] =	dma.local [spmem:s18], $0x2800  }
0x70: {  	_ =	swait.ge [sflag:s19], $0x2800  }
0x71: {  	[sflag:s19] =	ssyncset.done $0x0  }
0x72: {  	[sflag:s19] =	ssyncadd.s32 $0xFFFFD800  }
0x73: {  	[spmem:s18], [sflag:s7] =	dma.local [hbm:s6], $0x2800  }
0x74: {  	_ =	swait.ge [sflag:s19], $0x2800  }
0x75: {  	[sflag:s19] =	ssyncset.done $0x0  }
0x76: {  	[sflag:s19] =	ssyncadd.s32 $0xFFFFD800  }
0x77: {  	[tilespmem:s3], [sflag:$0x2] =	stream.linear.gather [hbm4b:s14+s3], $0x1900, $0x38;
	[tilespmem:$0x1F800] =	vst v63  }
0x78: {  	_ =	swait.ge [sflag:s19], $0x1900  }
0x79: {  	[sflag:s19] =	ssyncset.done $0x0  }
0x7a: {  	s28 =	simm.s32 $0x1C00;
	[sflag:s19] =	ssyncadd.s32 $0xFFFFE700  }
0x7b: {  	[tilespmem:s28], [sflag:$0x2] =	stream.linear.gather [hbm4b:s15+s3], $0x1900, $0x38;
	[tilespmem:$0x1F800] =	vst v63  }
0x7c: {  	_ =	swait.ge [sflag:s19], $0x1900  }
0x7d: {  	[sflag:s19] =	ssyncset.done $0x0  }
0x7e: {  	[sflag:s19] =	ssyncadd.s32 $0xFFFFE700  }
0x7f: {  	s29 =	simm.s32 $0x10000;
	[bflag:$0x0] =	sbarrier.arrive $0xFFFF  }
0x80: {  	[tilespmem:s20], [sflag:$0x1] =	stream.indirect.gather [hbm4b:s4+s26], $0x80, s3, s26, $0xb8;
	[tilespmem:$0x1F800] =	vst v63  }
0x81: {  	s29 =	sand.u32 $0x10000, s29;
	_ =	swait.ge [sflag:s21], $0x4000  }
0x82: {  	s30 =	simm.s32 $0x0;
	s29 =	sshrl.u32 s29, $0x2;
	[sflag:s21] =	ssyncset.done $0x0  }
0x83: {  	s30 =	sand.u32 $0x10000, s30;
	s29 =	sor.u32 $0x3800, s29;
	[sflag:s21] =	ssyncadd.s32 $0xFFFFC000  }
0x84: {  	[tilespmem:s29], [sflag:$0x1] =	stream.indirect.gather [hbm4b:s4+s22], $0x80, s26, s22, $0xb8;
	[tilespmem:$0x1F800] =	vst v63  }
0x85: {  	s29 =	sshrl.u32 s30, $0x2  }
0x86: {  	s29 =	sor.u32 $0x3800, s29  }
0x87: {  	[spmem:s1] =	stream.indirect.scatter.add.f32 [tilespmem:s29], [sflag:$0x2], $0x80, s28, s22, $0xb8;
	[tilespmem:$0x1F800] =	vst v63  }
0x88: {  	s29 =	simm.s32 $0x20000;
	_ =	swait.ge [sflag:s19], $0x4000  }
.LBB2_6:
0x89: {  	[sflag:s19] =	ssyncset.done $0x0  }
0x8a: {  	s28 =	sadd.s32 $0x80, s28;
	s26 =	sadd.s32 $0x80, s26;
	s30 =	smov.u32 s29  }
0x8b: {  	p0 =	sne.s32 s29, $0x310000;
	s29 =	sadd.s32 $0x10000, s29;
	[sflag:s19] =	ssyncadd.s32 $0xFFFFC000  }
0x8c: {  	s31 =	sand.u32 $0x10000, s30;
	_ =	swait.ge [sflag:s21], $0x4000  }
0x8d: {  	s30 =	sadd.s32 $0xFFFF0000, s30;
	s31 =	sshrl.u32 s31, $0x2;
	[sflag:s21] =	ssyncset.done $0x0  }
0x8e: {  	s30 =	sand.u32 $0x10000, s30;
	s31 =	sor.u32 $0x3800, s31;
	[sflag:s21] =	ssyncadd.s32 $0xFFFFC000  }
0x8f: {  	[tilespmem:s31], [sflag:$0x1] =	stream.indirect.gather [hbm4b:s4+s22], $0x80, s26, s22, $0xb8;
	[tilespmem:$0x1F800] =	vst v63  }
.Ltmp2:
0x90: {  	_ = 	snop;
	(pc) =	sbr.rel @p0 .LBB2_6-.Ltmp2, $4  }
0x91: {  	s30 =	sshrl.u32 s30, $0x2  }
0x92: {  	s30 =	sor.u32 $0x3800, s30  }
0x93: {  	[spmem:s1] =	stream.indirect.scatter.add.f32 [tilespmem:s30], [sflag:$0x2], $0x80, s28, s22, $0xb8;
	[tilespmem:$0x1F800] =	vst v63  }
0x94: {  	_ =	swait.ge [sflag:s19], $0x4000  }
0x95: {  	[sflag:s19] =	ssyncset.done $0x0  }
0x96: {  	[sflag:s19] =	ssyncadd.s32 $0xFFFFC000  }
0x97: {  	_ =	swait.ge [sflag:s21], $0x4000  }
0x98: {  	[sflag:s21] =	ssyncset.done $0x0  }
0x99: {  	[sflag:s21] =	ssyncadd.s32 $0xFFFFC000  }
0x9a: {  	[spmem:s1] =	stream.indirect.scatter.add.f32 [tilespmem:s24], [sflag:$0x2], $0x80, s23, s22, $0xb8;
	[tilespmem:$0x1F800] =	vst v63  }
0x9b: {  	_ =	swait.ge [sflag:s19], $0x4000  }
0x9c: {  	s25 =	sadd.s32 $0x1, s25;
	[sflag:s19] =	ssyncset.done $0x0  }
0x9d: {  	p0 =	sne.s32 s25, s17;
	[sflag:s19] =	ssyncadd.s32 $0xFFFFC000  }
.Ltmp3:
0x9e: {  	[bflag:$0x0] =	sbarrier.arrive $0xFFFF;
	(pc) =	sbr.rel @p0 .LBB2_1-.Ltmp3, $4  }
0x9f: {  	[hbm:s16], [sflag:s7] =	dma.local [spmem:s18], $0x2800  }
0xa0: {  	_ =	swait.ge [sflag:s19], $0x2800  }
0xa1: {  	[sflag:s19] =	ssyncset.done $0x0  }
0xa2: {  	[sflag:s19] =	ssyncadd.s32 $0xFFFFD800  }
0xa3: {  	_ =	sfence.sel $0x180000  }
0xa4: {  	[bflag:$0x0] =	sbarrier.arrive $0xFFFF  }
0xa5: {  	p0 =	sne.s32 s2, $0x0;
	_ =	strace $0x90000047  }
0xa6: {  	s0 =	sadd.s32 @!p0 $0x100000, s0;
	[bflag:$0x2] =	sbarrier.arrive $0xFFFF  }
0xa7: {  	[sflag:s0] =	ssyncadd.tile.s32 @!p0 $0x1;
	_ =	shalt  }
.Lfunc_end2:
_tile_overlayer_lowered:
.L_overlay_start_2:
0xa8: {  	(tag) =	ssettag $0x2  }
0xa9: {  	s0 =	rddreg [dreg:$0x0];
	s2 =	stileid.u32  }
0xaa: {  	s1 =	rddreg [dreg:$0x1];
	p0 =	sne.s32 s2, $0x0  }
0xab: {  	s3 =	rddreg [dreg:$0x2];
	[bflag:$0x3] =	sbarrier.arrive $0xFFFF;
	s2 =	simm.s32 @!p0 $0x1C02  }
0xac: {  	[timem:s3], [sflag:s2] =	dma.local @!p0 [hbm:s0], s1  }
0xad: {  	s0 =	simm.s32 @!p0 $0x2  }
0xae: {  	_ =	swait.ge @!p0 [sflag:s0], s1  }
0xaf: {  	s1 =	ssub.s32 @!p0 $0x0, s1;
	[sflag:s0] =	ssyncset.done @!p0 $0x0  }
0xb0: {  	[sflag:s0] =	ssyncadd.s32 @!p0 s1  }
0xb1: {  	[bflag:$0x3] =	sbarrier.arrive $0xFFFF  }
0xb2: {  	_ =	shalt  }

// kernel: kernel.14.cloned.1.call-start
scs
__scs_entry_jumppad:
0x0: {  	(pc) =	sbr.rel $0x88, $3  }
0x1: {  	(tag) =	ssettag $0x0;
	lr =	simm.s32 $0x1  }
0x2: {  	[smem:$0x3F8B] =	sst lr;
	_ =	strace $0xD0000000  }
0x3: {  	_ = 	snop  }
0x4: {  	_ = 	snop  }
0x5: {  	_ = 	snop  }
0x6: {  	_ = 	snop  }
0x7: {  	_ = 	snop  }
__scs_overlays_trampoline_lowered:
0x8: {  	[smem:$0x3F9A] =	sst s0  }
0x9: {  	[smem:$0x3F9B] =	sst s1  }
0xa: {  	[smem:$0x3F9C] =	sst s2  }
0xb: {  	[smem:$0x3F9D] =	sst s3  }
0xc: {  	[smem:$0x3F9E] =	sst s4  }
0xd: {  	[smem:$0x3F9F] =	sst s5  }
0xe: {  	[smem:$0x3FA0] =	sst s6  }
0xf: {  	[smem:$0x3FA1] =	sst s7  }
0x10: {  	[smem:$0x3FA2] =	sst s8  }
0x11: {  	[smem:$0x3FA3] =	sst s9;
	s0 =	simm.s32 @!p0 $0x0  }
0x12: {  	s1 =	sld [smem:$0x3F89];
	s0 =	simm.s32 @p0 $0x1  }
0x13: {  	[smem:$0x3FA4] =	sst s0;
	s0 =	simm.s32 @!p1 $0x0  }
0x14: {  	s2 =	sld [smem:$0x3F88];
	s0 =	simm.s32 @p1 $0x1  }
0x15: {  	[smem:$0x3FA5] =	sst s0;
	s0 =	simm.s32 @!p2 $0x0  }
0x16: {  	s3 =	sld [smem:$0x3FDB];
	s0 =	simm.s32 @p2 $0x1  }
0x17: {  	s4 =	simm.s32 $0x1BF5;
	[smem:$0x3FA7] =	sst s0  }
0x18: {  	s0 =	sld [smem:$0x3F8A];
	_ =	swait.ge [sflag:s4], $0x0  }
0x19: {  	s7 =	sld [smem:$0x3F8B]  }
0x1a: {  	s8 =	sadd.s32 $0xFFFFE003, lr  }
0x1b: {  	s9 =	sadd.s32 $0xFFFFFEF7, lr;
	s5 =	simm.s32 $0xFFFFFFFF;
	p2 =	slt.u32 s8, $0xFFFFF086  }
0x1c: {  	p1 =	slt.u32 s9, $0xF7A;
	s5 =	simm.s32 @!p2 $0x0  }
0x1d: {  	s5 =	simm.s32 @p1 $0x1;
	p0 =	seq.s32 s7, s2  }
0x1e: {  	s7 =	smul.u32 @!p0 $0xF7A, s2;
	p2 =	seq.s32 @!p0 s5, $0x0  }
0x1f: {  	s9 =	smul.u32 $0xF7A, s1;
	s8 =	simm.s32 @!p0 $0x1BF5;
	p2 =	por !p2, p0  }
0x20: {  	[sflag:s8] =	ssyncset.s32 @!p0 $0xFFFFF086;
	s6 =	sadd.s32 @!p0 s3, s7;
	s7 =	simm.s32 @!p0 $0x108  }
0x21: {  	s3 =	sadd.s32 s3, s9;
	s6 =	sadd.s32 @!p0 $0x88, s6;
	s7 =	simm.s32 @p2 $0x1082  }
0x22: {  	[simem:s7], [sflag:s8] =	dma.local @!p0 [hbm:s6], $0xF7A  }
0x23: {  	s9 =	sor.u32 $0xD0000000, s2;
	s6 =	simm.s32 $0x108;
	_ =	swait.ge @!p0 [sflag:s8], $0x0  }
0x24: {  	s3 =	sadd.s32 $0x88, s3;
	s6 =	simm.s32 @!p1 $0x1082;
	[sflag:s4] =	ssyncset.s32 $0xFFFFF086  }
0x25: {  	[simem:s6], [sflag:s4] =	dma.local [hbm:s3], $0xF7A  }
0x26: {  	[smem:$0x3F8B] =	sst s1;
	(tag) =	ssettag s2;
	_ =	strace s9  }
0x27: {  	s1 =	sld [smem:$0x3F9B]  }
0x28: {  	s2 =	sld [smem:$0x3F9C]  }
0x29: {  	s4 =	sld [smem:$0x3F9E]  }
0x2a: {  	p0 =	seq.s32 s5, $0x0;
	s5 =	sld [smem:$0x3F9F]  }
0x2b: {  	s6 =	sld [smem:$0x3FA0]  }
0x2c: {  	s7 =	sld [smem:$0x3FA1]  }
0x2d: {  	s3 =	simm.s32 $0x108;
	s8 =	sld [smem:$0x3FA2]  }
0x2e: {  	s3 =	simm.s32 @!p0 $0x1082;
	s9 =	sld [smem:$0x3FA3]  }
0x2f: {  	lr =	sadd.s32 s0, s3;
	s0 =	sld [smem:$0x3F9A]  }
0x30: {  	s3 =	sld [smem:$0x3F9D]  }
0x31: {  	[smem:$0x3FA6] =	sst s10  }
0x32: {  	s10 =	sld [smem:$0x3FA4];
	_ =	sdelay $0x3  }
0x33: {  	p0 =	seq.s32 s10, $0x1;
	s10 =	sld [smem:$0x3FA6];
	_ =	sdelay $0x3  }
0x34: {  	[smem:$0x3FA6] =	sst s10  }
0x35: {  	s10 =	sld [smem:$0x3FA5];
	_ =	sdelay $0x3  }
0x36: {  	p1 =	seq.s32 s10, $0x1;
	s10 =	sld [smem:$0x3FA6];
	_ =	sdelay $0x3  }
0x37: {  	[smem:$0x3FA6] =	sst s10  }
0x38: {  	s10 =	sld [smem:$0x3FA7]  }
0x39: {  	_ = 	snop;
	(pc) =	sbr.ind lr, $3  }
0x3a: {  	_ = 	snop  }
0x3b: {  	_ = 	snop  }
0x3c: {  	p2 =	seq.s32 s10, $0x1;
	s10 =	sld [smem:$0x3FA6]  }
0x3d: {  	_ =	shalt  }
0x3e: {  	_ =	shalt  }
0x3f: {  	_ =	shalt  }
0x40: {  	_ =	shalt  }
0x41: {  	_ =	shalt  }
0x42: {  	_ =	shalt  }
0x43: {  	_ =	shalt  }
0x44: {  	_ =	shalt  }
0x45: {  	_ =	shalt  }
0x46: {  	_ =	shalt  }
0x47: {  	_ =	shalt  }
0x48: {  	_ =	shalt  }
0x49: {  	_ =	shalt  }
0x4a: {  	_ =	shalt  }
0x4b: {  	_ =	shalt  }
0x4c: {  	_ =	shalt  }
0x4d: {  	_ =	shalt  }
0x4e: {  	_ =	shalt  }
0x4f: {  	_ =	shalt  }
0x50: {  	_ =	shalt  }
0x51: {  	_ =	shalt  }
0x52: {  	_ =	shalt  }
0x53: {  	_ =	shalt  }
0x54: {  	_ =	shalt  }
0x55: {  	_ =	shalt  }
0x56: {  	_ =	shalt  }
0x57: {  	_ =	shalt  }
0x58: {  	_ =	shalt  }
0x59: {  	_ =	shalt  }
0x5a: {  	_ =	shalt  }
0x5b: {  	_ =	shalt  }
0x5c: {  	_ =	shalt  }
0x5d: {  	_ =	shalt  }
0x5e: {  	_ =	shalt  }
0x5f: {  	_ =	shalt  }
0x60: {  	_ =	shalt  }
0x61: {  	_ =	shalt  }
0x62: {  	_ =	shalt  }
0x63: {  	_ =	shalt  }
0x64: {  	_ =	shalt  }
0x65: {  	_ =	shalt  }
0x66: {  	_ =	shalt  }
0x67: {  	_ =	shalt  }
0x68: {  	_ =	shalt  }
0x69: {  	_ =	shalt  }
0x6a: {  	_ =	shalt  }
0x6b: {  	_ =	shalt  }
0x6c: {  	_ =	shalt  }
0x6d: {  	_ =	shalt  }
0x6e: {  	_ =	shalt  }
0x6f: {  	_ =	shalt  }
0x70: {  	_ =	shalt  }
0x71: {  	_ =	shalt  }
0x72: {  	_ =	shalt  }
0x73: {  	_ =	shalt  }
0x74: {  	_ =	shalt  }
0x75: {  	_ =	shalt  }
0x76: {  	_ =	shalt  }
0x77: {  	_ =	shalt  }
0x78: {  	_ =	shalt  }
0x79: {  	_ =	shalt  }
0x7a: {  	_ =	shalt  }
0x7b: {  	_ =	shalt  }
0x7c: {  	_ =	shalt  }
0x7d: {  	_ =	shalt  }
0x7e: {  	_ =	shalt  }
0x7f: {  	_ =	shalt  }
0x80: {  	_ =	shalt  }
0x81: {  	_ =	shalt  }
0x82: {  	_ =	shalt  }
0x83: {  	_ =	shalt  }
0x84: {  	_ =	shalt  }
0x85: {  	_ =	shalt  }
0x86: {  	_ =	shalt  }
0x87: {  	_ =	shalt  }
.Lfunc_end0:
.L_simem_size_0:
called_computation.2_lowered:
.L_overlay_start_0:
0x88: {  	s2 =	sld [smem:$0x3FD9]  }
0x89: {  	s3 =	sld [smem:$0x3FFE];
	_ =	sdelay $0x1  }
0x8a: {  	s1 =	srdreg.scid  }
0x8b: {  	s0 =	sand.u32 $0x1, s1  }
0x8c: {  	s17 =	sshll.u32 s0, $0xA;
	s2 =	sadd.s32 s3, s2  }
0x8d: {  	s2 =	sadd.s32 s2, s17  }
0x8e: {  	[smem:$0x3FB2] =	sst s2  }
0x8f: {  	_ = 	snop  }
0x90: {  	s2 =	sld [smem:$0x3FD0];
	(tm) =	ssettm $0x1  }
0x91: {  	s18 =	sld [smem:$0x3FFB];
	_ =	sdelay $0x3  }
0x92: {  	_ =	strace s18  }
0x93: {  	s3 =	sld [smem:$0x3FFC];
	_ =	sdelay $0x3  }
0x94: {  	_ =	strace s3  }
0x95: {  	s3 =	sld [smem:$0x3FFD];
	_ =	sdelay $0x3  }
0x96: {  	_ =	strace s3  }
0x97: {  	_ =	strace $0x8FFFFFFF  }
0x98: {  	s19 =	sld [smem:$0x3FDB];
	_ =	sdelay $0x1  }
0x99: {  	s4 =	simm.s32 $_scs_section_size  }
0x9a: {  	s5 =	simm.s32 $_size__tile_overlayer_lowered;
	s6 =	simm.s32 $_tile_overlayer_lowered  }
0x9b: {  	s22 =	simm.s32 $0x1BFF;
	s21 =	sshll.u32 s6, $0x1;
	s3 =	sadd.s32 s4, s19  }
0x9c: {  	s7 =	simm.s32 $0x0;
	s20 =	sshll.u32 s5, $0x1;
	s5 =	sadd.s32 s21, s3  }
0x9d: {  	[timem:s7], [sflag:s22] =	dma.local [hbm:s5], s20  }
0x9e: {  	_ =	swait.ge [sflag:s22], s20  }
0x9f: {  	s4 =	ssub.s32 $0x0, s20;
	[sflag:s22] =	ssyncset.done $0x0  }
0xa0: {  	[sflag:s22] =	ssyncadd.s32 s4;
	_ =	sdelay $0x1  }
0xa1: {  	s23 =	simm.s32 $0x1B8B  }
0xa2: {  	_ =	swait.ge [sflag:s23], $0x1  }
0xa3: {  	[sflag:s23] =	ssyncset.done $0x0  }
0xa4: {  	s25 =	simm.s32 $0x1B8E;
	s24 =	sld [smem:$0x3FFE];
	[sflag:s23] =	ssyncadd.s32 $0xFFFFFFFF  }
0xa5: {  	s26 =	simm.s32 $execute0_lowered;
	[smem:$0x3FD2] =	sst s25  }
0xa6: {  	s5 =	sshll.u32 s26, $0x1;
	_ =	strace $0x8000004C;
	[dreg:$0x1] =	wrdreg $0xFFFFFFFF  }
0xa7: {  	s28 =	simm.s32 $_size_execute0_lowered;
	s3 =	sadd.s32 s3, s5;
	[dreg:$0x0] =	wrdreg $0x0  }
0xa8: {  	s5 =	sshll.u32 s28, $0x1;
	[dreg:$0x2] =	wrdreg s3  }
0xa9: {  	[dreg:$0x3] =	wrdreg s5  }
0xaa: {  	[dreg:$0x4] =	wrdreg $0xC0  }
0xab: {  	_ =	task [dreg:s7], $0x5FFFF  }
0xac: {  	[dreg:$0x1] =	wrdreg $0xFFFFFFFF  }
0xad: {  	[dreg:$0x0] =	wrdreg $0x60  }
0xae: {  	[dreg:$0x2] =	wrdreg s24  }
0xaf: {  	[dreg:$0x3] =	wrdreg s2  }
0xb0: {  	[dreg:$0x4] =	wrdreg $0xB8000  }
0xb1: {  	[dreg:$0x5] =	wrdreg $0x9  }
0xb2: {  	_ =	task.clear_ibuf [dreg:s7], $0x6FFFF;
	_ =	strace $0x9000004C  }
0xb3: {  	s29 =	simm.s32 $0x9;
	_ =	strace $0x8000004E  }
0xb4: {  	_ =	swait.ge [sflag:s29], $0x1  }
0xb5: {  	[sflag:s29] =	ssyncadd.s32 $0xFFFFFFFF  }
0xb6: {  	_ =	strace $0x9000004E  }
0xb7: {  	_ =	sfence  }
0xb8: {  	s30 =	sld [smem:$0x0];
	_ =	sdelay $0x2  }
0xb9: {  	s31 =	sshll.u32 s1, $0xD;
	s1 =	sshrl.u32 s1, $0x2  }
0xba: {  	s3 =	sand.u32 $0x4000, s31;
	s1 =	sadd.s32 s1, s30  }
0xbb: {  	s0 =	sor.u32 s3, s0;
	s1 =	sshll.u32 s1, $0x11  }
0xbc: {  	s0 =	sor.u32 s1, s0  }
0xbd: {  	s0 =	sadd.s32 $0x8F2B, s0  }
0xbe: {  	[sflag:s0] =	ssyncadd.remote.s32 $0x1  }
0xbf: {  	_ =	sfence.sel $0xFFFF  }
0xc0: {  	[dreg:$0x0] =	wrdreg $0xFFFFFFFF;
	(pc) =	sbr.abs _section_cstart, $3  }
0xc1: {  	[dreg:$0x1] =	wrdreg $0xFFFFFFFF  }
0xc2: {  	_ =	task.clear_ibuf [dreg:s7], $0x2FFFF;
	_ =	strace $0x9FFFFFFF  }
0xc3: {  	(tm) =	ssettm $0x7FFFFFFF  }
tec
execute0_lowered:
.L_overlay_start_1:
0x0: {  	(tag) =	ssettag $0x1  }
0x1: {  	s7 =	rddreg [dreg:$0x0]  }
0x2: {  	s8 =	rddreg [dreg:$0x1]  }
0x3: {  	s1 =	rddreg [dreg:$0x2]  }
0x4: {  	s2 =	srdreg.scid;
	s0 =	rddreg [dreg:$0x3];
	s3 =	simm.s32 $0x0  }
0x5: {  	s17 =	simm.s32 $0x3800;
	s18 =	simm.s32 $0x1;
	s19 =	simm.s32 $0x80  }
0x6: {  	s20 =	simm.s32 $0x3480;
	s21 =	simm.s32 $0x7800;
	s9 =	sand.u32 $0x1, s2  }
0x7: {  	s22 =	simm.s32 $0x0;
	s2 =	stileid.u32;
	s6 =	smul.u32 $0x140000, s9  }
0x8: {  	[smem:$0x7FF] =	sst s3;
	s5 =	sadd.s32 $0x48E00, s7;
	s10 =	smul.u32 $0x14000, s2  }
0x9: {  	s4 =	sshll.u32 s9, $0x4;
	_ =	strace $0x8000004D;
	s13 =	smul.u32 $0x50000, s2  }
0xa: {  	s29 =	ssub.s32 $0x2, s9;
	s31 =	sshll.u32 s2, $0x6;
	s4 =	sor.u32 s2, s4  }
0xb: {  	s9 =	sshrl.u32 s29, $0x1;
	s11 =	smul.u32 $0x380, s4;
	s4 =	sadd.s32 $0x19E00, s7  }
0xc: {  	s6 =	sadd.s32 s10, s6;
	s30 =	sshrl.u32 s13, $0x2;
	s15 =	ssub.s32 s29, s9  }
0xd: {  	s10 =	sshrl.u32 s6, $0x3;
	s6 =	sadd.s32 $0x77E00, s7;
	s16 =	sadd.s32 s30, s1  }
0xe: {  	s12 =	sadd.s32 s11, s7;
	s14 =	sadd.s32 s10, s7;
	s7 =	sor.u32 $0x1C02, s31  }
0xf: {  	s8 =	sadd.s32 s8, s11;
	s9 =	sadd.s32 $0x4E00, s12;
	s10 =	sadd.s32 $0x7A600, s14  }
0x10: {  	s11 =	sadd.s32 $0x12E00, s12;
	s12 =	sadd.s32 $0xBE00, s12;
	s13 =	sadd.s32 $0xCA600, s14  }
0x11: {  	s14 =	smax.u32 s15, $0x1;
	s15 =	sshrl.u32 s16, $0x3;
	s16 =	simm.s32 $0x2  }
.LBB2_1:
0x12: {  	[spmem:s15], [sflag:s7] =	dma.local [hbm:s6], $0x2800  }
0x13: {  	_ =	swait.ge [sflag:s16], $0x2800  }
0x14: {  	[sflag:s16] =	ssyncset.done $0x0  }
0x15: {  	[sflag:s16] =	ssyncadd.s32 $0xFFFFD800  }
0x16: {  	[tilespmem:s3], [sflag:$0x2] =	stream.linear.gather [hbm4b:s8+s3], $0x1900, $0x38;
	[tilespmem:$0x1F800] =	vst v63  }
0x17: {  	_ =	swait.ge [sflag:s16], $0x1900  }
0x18: {  	[sflag:s16] =	ssyncset.done $0x0  }
0x19: {  	s23 =	simm.s32 $0x1C00;
	[sflag:s16] =	ssyncadd.s32 $0xFFFFE700  }
0x1a: {  	[tilespmem:s23], [sflag:$0x2] =	stream.linear.gather [hbm4b:s9+s3], $0x1900, $0x38;
	[tilespmem:$0x1F800] =	vst v63  }
0x1b: {  	_ =	swait.ge [sflag:s16], $0x1900  }
0x1c: {  	[sflag:s16] =	ssyncset.done $0x0  }
0x1d: {  	[sflag:s16] =	ssyncadd.s32 $0xFFFFE700  }
0x1e: {  	s24 =	simm.s32 $0x10000;
	[bflag:$0x0] =	sbarrier.arrive $0xFFFF  }
0x1f: {  	[tilespmem:s17], [sflag:$0x1] =	stream.indirect.gather [hbm4b:s4+s19], $0x80, s3, s19, $0xb8;
	[tilespmem:$0x1F800] =	vst v63  }
0x20: {  	s25 =	simm.s32 $0x0;
	s24 =	sand.u32 $0x10000, s24;
	_ =	swait.ge [sflag:s18], $0x4000  }
0x21: {  	s25 =	sand.u32 $0x10000, s25;
	s24 =	sshrl.u32 s24, $0x2;
	[sflag:s18] =	ssyncset.done $0x0  }
0x22: {  	s31 =	sshrl.u32 s25, $0x2;
	s24 =	sor.u32 $0x3800, s24;
	[sflag:s18] =	ssyncadd.s32 $0xFFFFC000  }
0x23: {  	[tilespmem:s24], [sflag:$0x1] =	stream.indirect.gather [hbm4b:s4+s19], $0x80, s19, s19, $0xb8;
	[tilespmem:$0x1F800] =	vst v63  }
0x24: {  	s24 =	sor.u32 $0x3800, s31  }
0x25: {  	[spmem:s1] =	stream.indirect.scatter.add.f32 [tilespmem:s24], [sflag:$0x2], $0x80, s23, s19, $0xb8;
	[tilespmem:$0x1F800] =	vst v63  }
0x26: {  	s25 =	simm.s32 $0x80;
	s24 =	simm.s32 $0x20000;
	_ =	swait.ge [sflag:s16], $0x4000  }
.LBB2_2:
0x27: {  	[sflag:s16] =	ssyncset.done $0x0  }
0x28: {  	s23 =	sadd.s32 $0x80, s23;
	s25 =	sadd.s32 $0x80, s25;
	s26 =	smov.u32 s24  }
0x29: {  	p0 =	sne.s32 s24, $0x310000;
	s24 =	sadd.s32 $0x10000, s24;
	[sflag:s16] =	ssyncadd.s32 $0xFFFFC000  }
0x2a: {  	s28 =	sand.u32 $0x10000, s26;
	_ =	swait.ge [sflag:s18], $0x4000  }
0x2b: {  	s26 =	sadd.s32 $0xFFFF0000, s26;
	s28 =	sshrl.u32 s28, $0x2;
	[sflag:s18] =	ssyncset.done $0x0  }
0x2c: {  	s26 =	sand.u32 $0x10000, s26;
	s28 =	sor.u32 $0x3800, s28;
	[sflag:s18] =	ssyncadd.s32 $0xFFFFC000  }
0x2d: {  	[tilespmem:s28], [sflag:$0x1] =	stream.indirect.gather [hbm4b:s4+s19], $0x80, s25, s19, $0xb8;
	[tilespmem:$0x1F800] =	vst v63  }
.Ltmp0:
0x2e: {  	_ = 	snop;
	(pc) =	sbr.rel @p0 .LBB2_2-.Ltmp0, $4  }
0x2f: {  	s26 =	sshrl.u32 s26, $0x2  }
0x30: {  	s26 =	sor.u32 $0x3800, s26  }
0x31: {  	[spmem:s1] =	stream.indirect.scatter.add.f32 [tilespmem:s26], [sflag:$0x2], $0x80, s23, s19, $0xb8;
	[tilespmem:$0x1F800] =	vst v63  }
0x32: {  	_ =	swait.ge [sflag:s16], $0x4000  }
0x33: {  	[sflag:s16] =	ssyncset.done $0x0  }
0x34: {  	[sflag:s16] =	ssyncadd.s32 $0xFFFFC000  }
0x35: {  	_ =	swait.ge [sflag:s18], $0x4000  }
0x36: {  	[sflag:s18] =	ssyncset.done $0x0  }
0x37: {  	s23 =	simm.s32 $0x80;
	[sflag:s18] =	ssyncadd.s32 $0xFFFFC000  }
0x38: {  	[spmem:s1] =	stream.indirect.scatter.add.f32 [tilespmem:s21], [sflag:$0x2], $0x80, s20, s23, $0xb8;
	[tilespmem:$0x1F800] =	vst v63  }
0x39: {  	_ =	swait.ge [sflag:s16], $0x4000  }
0x3a: {  	[sflag:s16] =	ssyncset.done $0x0  }
0x3b: {  	[sflag:s16] =	ssyncadd.s32 $0xFFFFC000  }
0x3c: {  	[bflag:$0x0] =	sbarrier.arrive $0xFFFF  }
0x3d: {  	[hbm:s10], [sflag:s7] =	dma.local [spmem:s15], $0x2800  }
0x3e: {  	_ =	swait.ge [sflag:s16], $0x2800  }
0x3f: {  	[sflag:s16] =	ssyncset.done $0x0  }
0x40: {  	[sflag:s16] =	ssyncadd.s32 $0xFFFFD800  }
0x41: {  	[spmem:s15], [sflag:s7] =	dma.local [hbm:s6], $0x2800  }
0x42: {  	_ =	swait.ge [sflag:s16], $0x2800  }
0x43: {  	[sflag:s16] =	ssyncset.done $0x0  }
0x44: {  	[sflag:s16] =	ssyncadd.s32 $0xFFFFD800  }
0x45: {  	[tilespmem:s3], [sflag:$0x2] =	stream.linear.gather [hbm4b:s11+s3], $0x1900, $0x38;
	[tilespmem:$0x1F800] =	vst v63  }
0x46: {  	_ =	swait.ge [sflag:s16], $0x1900  }
0x47: {  	[sflag:s16] =	ssyncset.done $0x0  }
0x48: {  	s24 =	simm.s32 $0x1C00;
	[sflag:s16] =	ssyncadd.s32 $0xFFFFE700  }
0x49: {  	[tilespmem:s24], [sflag:$0x2] =	stream.linear.gather [hbm4b:s12+s3], $0x1900, $0x38;
	[tilespmem:$0x1F800] =	vst v63  }
0x4a: {  	_ =	swait.ge [sflag:s16], $0x1900  }
0x4b: {  	[sflag:s16] =	ssyncset.done $0x0  }
0x4c: {  	[sflag:s16] =	ssyncadd.s32 $0xFFFFE700  }
0x4d: {  	s25 =	simm.s32 $0x10000;
	[bflag:$0x0] =	sbarrier.arrive $0xFFFF  }
0x4e: {  	[tilespmem:s17], [sflag:$0x1] =	stream.indirect.gather [hbm4b:s5+s23], $0x80, s3, s23, $0xb8;
	[tilespmem:$0x1F800] =	vst v63  }
0x4f: {  	s26 =	simm.s32 $0x0;
	s25 =	sand.u32 $0x10000, s25;
	_ =	swait.ge [sflag:s18], $0x4000  }
0x50: {  	s26 =	sand.u32 $0x10000, s26;
	s25 =	sshrl.u32 s25, $0x2;
	[sflag:s18] =	ssyncset.done $0x0  }
0x51: {  	s31 =	sshrl.u32 s26, $0x2;
	s25 =	sor.u32 $0x3800, s25;
	[sflag:s18] =	ssyncadd.s32 $0xFFFFC000  }
0x52: {  	[tilespmem:s25], [sflag:$0x1] =	stream.indirect.gather [hbm4b:s5+s19], $0x80, s23, s19, $0xb8;
	[tilespmem:$0x1F800] =	vst v63  }
0x53: {  	s25 =	sor.u32 $0x3800, s31  }
0x54: {  	[spmem:s1] =	stream.indirect.scatter.add.f32 [tilespmem:s25], [sflag:$0x2], $0x80, s24, s19, $0xb8;
	[tilespmem:$0x1F800] =	vst v63  }
0x55: {  	s25 =	simm.s32 $0x20000;
	_ =	swait.ge [sflag:s16], $0x4000  }
.LBB2_4:
0x56: {  	[sflag:s16] =	ssyncset.done $0x0  }
0x57: {  	s24 =	sadd.s32 $0x80, s24;
	s23 =	sadd.s32 $0x80, s23;
	s26 =	smov.u32 s25  }
0x58: {  	p0 =	sne.s32 s25, $0x310000;
	s25 =	sadd.s32 $0x10000, s25;
	[sflag:s16] =	ssyncadd.s32 $0xFFFFC000  }
0x59: {  	s28 =	sand.u32 $0x10000, s26;
	_ =	swait.ge [sflag:s18], $0x4000  }
0x5a: {  	s26 =	sadd.s32 $0xFFFF0000, s26;
	s28 =	sshrl.u32 s28, $0x2;
	[sflag:s18] =	ssyncset.done $0x0  }
0x5b: {  	s26 =	sand.u32 $0x10000, s26;
	s28 =	sor.u32 $0x3800, s28;
	[sflag:s18] =	ssyncadd.s32 $0xFFFFC000  }
0x5c: {  	[tilespmem:s28], [sflag:$0x1] =	stream.indirect.gather [hbm4b:s5+s19], $0x80, s23, s19, $0xb8;
	[tilespmem:$0x1F800] =	vst v63  }
.Ltmp1:
0x5d: {  	_ = 	snop;
	(pc) =	sbr.rel @p0 .LBB2_4-.Ltmp1, $4  }
0x5e: {  	s26 =	sshrl.u32 s26, $0x2  }
0x5f: {  	s26 =	sor.u32 $0x3800, s26  }
0x60: {  	[spmem:s1] =	stream.indirect.scatter.add.f32 [tilespmem:s26], [sflag:$0x2], $0x80, s24, s19, $0xb8;
	[tilespmem:$0x1F800] =	vst v63  }
0x61: {  	_ =	swait.ge [sflag:s16], $0x4000  }
0x62: {  	[sflag:s16] =	ssyncset.done $0x0  }
0x63: {  	[sflag:s16] =	ssyncadd.s32 $0xFFFFC000  }
0x64: {  	_ =	swait.ge [sflag:s18], $0x4000  }
0x65: {  	[sflag:s18] =	ssyncset.done $0x0  }
0x66: {  	[sflag:s18] =	ssyncadd.s32 $0xFFFFC000  }
0x67: {  	[spmem:s1] =	stream.indirect.scatter.add.f32 [tilespmem:s21], [sflag:$0x2], $0x80, s20, s19, $0xb8;
	[tilespmem:$0x1F800] =	vst v63  }
0x68: {  	_ =	swait.ge [sflag:s16], $0x4000  }
0x69: {  	s22 =	sadd.s32 $0x1, s22;
	[sflag:s16] =	ssyncset.done $0x0  }
0x6a: {  	p0 =	sne.s32 s22, s14;
	[sflag:s16] =	ssyncadd.s32 $0xFFFFC000  }
.Ltmp2:
0x6b: {  	[bflag:$0x0] =	sbarrier.arrive $0xFFFF;
	(pc) =	sbr.rel @p0 .LBB2_1-.Ltmp2, $4  }
0x6c: {  	[hbm:s13], [sflag:s7] =	dma.local [spmem:s15], $0x2800  }
0x6d: {  	_ =	swait.ge [sflag:s16], $0x2800  }
0x6e: {  	[sflag:s16] =	ssyncset.done $0x0  }
0x6f: {  	[sflag:s16] =	ssyncadd.s32 $0xFFFFD800  }
0x70: {  	_ =	sfence.sel $0x180000  }
0x71: {  	[bflag:$0x0] =	sbarrier.arrive $0xFFFF  }
0x72: {  	p0 =	sne.s32 s2, $0x0;
	_ =	strace $0x9000004D  }
0x73: {  	s0 =	sadd.s32 @!p0 $0x100000, s0;
	[bflag:$0x2] =	sbarrier.arrive $0xFFFF  }
0x74: {  	[sflag:s0] =	ssyncadd.tile.s32 @!p0 $0x1;
	_ =	shalt  }
.Lfunc_end2:
_tile_overlayer_lowered:
.L_overlay_start_2:
0x75: {  	(tag) =	ssettag $0x2  }
0x76: {  	s0 =	rddreg [dreg:$0x0];
	s2 =	stileid.u32  }
0x77: {  	s1 =	rddreg [dreg:$0x1];
	p0 =	sne.s32 s2, $0x0  }
0x78: {  	s3 =	rddreg [dreg:$0x2];
	[bflag:$0x3] =	sbarrier.arrive $0xFFFF;
	s2 =	simm.s32 @!p0 $0x1C02  }
0x79: {  	[timem:s3], [sflag:s2] =	dma.local @!p0 [hbm:s0], s1  }
0x7a: {  	s0 =	simm.s32 @!p0 $0x2  }
0x7b: {  	_ =	swait.ge @!p0 [sflag:s0], s1  }
0x7c: {  	s1 =	ssub.s32 @!p0 $0x0, s1;
	[sflag:s0] =	ssyncset.done @!p0 $0x0  }
0x7d: {  	[sflag:s0] =	ssyncadd.s32 @!p0 s1  }
0x7e: {  	[bflag:$0x3] =	sbarrier.arrive $0xFFFF  }
0x7f: {  	_ =	shalt  }

// kernel: kernel.8.cloned.1.call-start
scs
__scs_entry_jumppad:
0x0: {  	(pc) =	sbr.rel $0x88, $3  }
0x1: {  	(tag) =	ssettag $0x0;
	lr =	simm.s32 $0x1  }
0x2: {  	[smem:$0x3F8B] =	sst lr;
	_ =	strace $0xD0000000  }
0x3: {  	_ = 	snop  }
0x4: {  	_ = 	snop  }
0x5: {  	_ = 	snop  }
0x6: {  	_ = 	snop  }
0x7: {  	_ = 	snop  }
__scs_overlays_trampoline_lowered:
0x8: {  	[smem:$0x3F9A] =	sst s0  }
0x9: {  	[smem:$0x3F9B] =	sst s1  }
0xa: {  	[smem:$0x3F9C] =	sst s2  }
0xb: {  	[smem:$0x3F9D] =	sst s3  }
0xc: {  	[smem:$0x3F9E] =	sst s4  }
0xd: {  	[smem:$0x3F9F] =	sst s5  }
0xe: {  	[smem:$0x3FA0] =	sst s6  }
0xf: {  	[smem:$0x3FA1] =	sst s7  }
0x10: {  	[smem:$0x3FA2] =	sst s8  }
0x11: {  	[smem:$0x3FA3] =	sst s9;
	s0 =	simm.s32 @!p0 $0x0  }
0x12: {  	s1 =	sld [smem:$0x3F89];
	s0 =	simm.s32 @p0 $0x1  }
0x13: {  	[smem:$0x3FA4] =	sst s0;
	s0 =	simm.s32 @!p1 $0x0  }
0x14: {  	s2 =	sld [smem:$0x3F88];
	s0 =	simm.s32 @p1 $0x1  }
0x15: {  	[smem:$0x3FA5] =	sst s0;
	s0 =	simm.s32 @!p2 $0x0  }
0x16: {  	s3 =	sld [smem:$0x3FDB];
	s0 =	simm.s32 @p2 $0x1  }
0x17: {  	s4 =	simm.s32 $0x1BF5;
	[smem:$0x3FA7] =	sst s0  }
0x18: {  	s0 =	sld [smem:$0x3F8A];
	_ =	swait.ge [sflag:s4], $0x0  }
0x19: {  	s7 =	sld [smem:$0x3F8B]  }
0x1a: {  	s8 =	sadd.s32 $0xFFFFE003, lr  }
0x1b: {  	s9 =	sadd.s32 $0xFFFFFEF7, lr;
	s5 =	simm.s32 $0xFFFFFFFF;
	p2 =	slt.u32 s8, $0xFFFFF086  }
0x1c: {  	p1 =	slt.u32 s9, $0xF7A;
	s5 =	simm.s32 @!p2 $0x0  }
0x1d: {  	s5 =	simm.s32 @p1 $0x1;
	p0 =	seq.s32 s7, s2  }
0x1e: {  	s7 =	smul.u32 @!p0 $0xF7A, s2;
	p2 =	seq.s32 @!p0 s5, $0x0  }
0x1f: {  	s9 =	smul.u32 $0xF7A, s1;
	s8 =	simm.s32 @!p0 $0x1BF5;
	p2 =	por !p2, p0  }
0x20: {  	[sflag:s8] =	ssyncset.s32 @!p0 $0xFFFFF086;
	s6 =	sadd.s32 @!p0 s3, s7;
	s7 =	simm.s32 @!p0 $0x108  }
0x21: {  	s3 =	sadd.s32 s3, s9;
	s6 =	sadd.s32 @!p0 $0x88, s6;
	s7 =	simm.s32 @p2 $0x1082  }
0x22: {  	[simem:s7], [sflag:s8] =	dma.local @!p0 [hbm:s6], $0xF7A  }
0x23: {  	s9 =	sor.u32 $0xD0000000, s2;
	s6 =	simm.s32 $0x108;
	_ =	swait.ge @!p0 [sflag:s8], $0x0  }
0x24: {  	s3 =	sadd.s32 $0x88, s3;
	s6 =	simm.s32 @!p1 $0x1082;
	[sflag:s4] =	ssyncset.s32 $0xFFFFF086  }
0x25: {  	[simem:s6], [sflag:s4] =	dma.local [hbm:s3], $0xF7A  }
0x26: {  	[smem:$0x3F8B] =	sst s1;
	(tag) =	ssettag s2;
	_ =	strace s9  }
0x27: {  	s1 =	sld [smem:$0x3F9B]  }
0x28: {  	s2 =	sld [smem:$0x3F9C]  }
0x29: {  	s4 =	sld [smem:$0x3F9E]  }
0x2a: {  	p0 =	seq.s32 s5, $0x0;
	s5 =	sld [smem:$0x3F9F]  }
0x2b: {  	s6 =	sld [smem:$0x3FA0]  }
0x2c: {  	s7 =	sld [smem:$0x3FA1]  }
0x2d: {  	s3 =	simm.s32 $0x108;
	s8 =	sld [smem:$0x3FA2]  }
0x2e: {  	s3 =	simm.s32 @!p0 $0x1082;
	s9 =	sld [smem:$0x3FA3]  }
0x2f: {  	lr =	sadd.s32 s0, s3;
	s0 =	sld [smem:$0x3F9A]  }
0x30: {  	s3 =	sld [smem:$0x3F9D]  }
0x31: {  	[smem:$0x3FA6] =	sst s10  }
0x32: {  	s10 =	sld [smem:$0x3FA4];
	_ =	sdelay $0x3  }
0x33: {  	p0 =	seq.s32 s10, $0x1;
	s10 =	sld [smem:$0x3FA6];
	_ =	sdelay $0x3  }
0x34: {  	[smem:$0x3FA6] =	sst s10  }
0x35: {  	s10 =	sld [smem:$0x3FA5];
	_ =	sdelay $0x3  }
0x36: {  	p1 =	seq.s32 s10, $0x1;
	s10 =	sld [smem:$0x3FA6];
	_ =	sdelay $0x3  }
0x37: {  	[smem:$0x3FA6] =	sst s10  }
0x38: {  	s10 =	sld [smem:$0x3FA7]  }
0x39: {  	_ = 	snop;
	(pc) =	sbr.ind lr, $3  }
0x3a: {  	_ = 	snop  }
0x3b: {  	_ = 	snop  }
0x3c: {  	p2 =	seq.s32 s10, $0x1;
	s10 =	sld [smem:$0x3FA6]  }
0x3d: {  	_ =	shalt  }
0x3e: {  	_ =	shalt  }
0x3f: {  	_ =	shalt  }
0x40: {  	_ =	shalt  }
0x41: {  	_ =	shalt  }
0x42: {  	_ =	shalt  }
0x43: {  	_ =	shalt  }
0x44: {  	_ =	shalt  }
0x45: {  	_ =	shalt  }
0x46: {  	_ =	shalt  }
0x47: {  	_ =	shalt  }
0x48: {  	_ =	shalt  }
0x49: {  	_ =	shalt  }
0x4a: {  	_ =	shalt  }
0x4b: {  	_ =	shalt  }
0x4c: {  	_ =	shalt  }
0x4d: {  	_ =	shalt  }
0x4e: {  	_ =	shalt  }
0x4f: {  	_ =	shalt  }
0x50: {  	_ =	shalt  }
0x51: {  	_ =	shalt  }
0x52: {  	_ =	shalt  }
0x53: {  	_ =	shalt  }
0x54: {  	_ =	shalt  }
0x55: {  	_ =	shalt  }
0x56: {  	_ =	shalt  }
0x57: {  	_ =	shalt  }
0x58: {  	_ =	shalt  }
0x59: {  	_ =	shalt  }
0x5a: {  	_ =	shalt  }
0x5b: {  	_ =	shalt  }
0x5c: {  	_ =	shalt  }
0x5d: {  	_ =	shalt  }
0x5e: {  	_ =	shalt  }
0x5f: {  	_ =	shalt  }
0x60: {  	_ =	shalt  }
0x61: {  	_ =	shalt  }
0x62: {  	_ =	shalt  }
0x63: {  	_ =	shalt  }
0x64: {  	_ =	shalt  }
0x65: {  	_ =	shalt  }
0x66: {  	_ =	shalt  }
0x67: {  	_ =	shalt  }
0x68: {  	_ =	shalt  }
0x69: {  	_ =	shalt  }
0x6a: {  	_ =	shalt  }
0x6b: {  	_ =	shalt  }
0x6c: {  	_ =	shalt  }
0x6d: {  	_ =	shalt  }
0x6e: {  	_ =	shalt  }
0x6f: {  	_ =	shalt  }
0x70: {  	_ =	shalt  }
0x71: {  	_ =	shalt  }
0x72: {  	_ =	shalt  }
0x73: {  	_ =	shalt  }
0x74: {  	_ =	shalt  }
0x75: {  	_ =	shalt  }
0x76: {  	_ =	shalt  }
0x77: {  	_ =	shalt  }
0x78: {  	_ =	shalt  }
0x79: {  	_ =	shalt  }
0x7a: {  	_ =	shalt  }
0x7b: {  	_ =	shalt  }
0x7c: {  	_ =	shalt  }
0x7d: {  	_ =	shalt  }
0x7e: {  	_ =	shalt  }
0x7f: {  	_ =	shalt  }
0x80: {  	_ =	shalt  }
0x81: {  	_ =	shalt  }
0x82: {  	_ =	shalt  }
0x83: {  	_ =	shalt  }
0x84: {  	_ =	shalt  }
0x85: {  	_ =	shalt  }
0x86: {  	_ =	shalt  }
0x87: {  	_ =	shalt  }
.Lfunc_end0:
.L_simem_size_0:
called_computation_lowered:
.L_overlay_start_0:
0x88: {  	s2 =	sld [smem:$0x3FD9]  }
0x89: {  	s3 =	sld [smem:$0x3FFE];
	_ =	sdelay $0x1  }
0x8a: {  	s1 =	srdreg.scid  }
0x8b: {  	s0 =	sand.u32 $0x1, s1  }
0x8c: {  	s17 =	sshll.u32 s0, $0xA;
	s2 =	sadd.s32 s3, s2  }
0x8d: {  	s2 =	sadd.s32 s2, s17  }
0x8e: {  	[smem:$0x3FB2] =	sst s2  }
0x8f: {  	_ = 	snop  }
0x90: {  	(tm) =	ssettm $0x1  }
0x91: {  	s18 =	sld [smem:$0x3FFB];
	_ =	sdelay $0x3  }
0x92: {  	_ =	strace s18  }
0x93: {  	s2 =	sld [smem:$0x3FFC];
	_ =	sdelay $0x3  }
0x94: {  	_ =	strace s2  }
0x95: {  	s2 =	sld [smem:$0x3FFD];
	_ =	sdelay $0x3  }
0x96: {  	_ =	strace s2  }
0x97: {  	_ =	strace $0x8FFFFFFF  }
0x98: {  	s19 =	sld [smem:$0x3FDB];
	_ =	sdelay $0x1  }
0x99: {  	s20 =	simm.s32 $_scs_section_size  }
0x9a: {  	s4 =	simm.s32 $_size__tile_overlayer_lowered;
	s5 =	simm.s32 $_tile_overlayer_lowered  }
0x9b: {  	s6 =	simm.s32 $0x1BFF;
	s21 =	sshll.u32 s5, $0x1;
	s3 =	sadd.s32 s20, s19  }
0x9c: {  	s22 =	simm.s32 $0x0;
	s4 =	sshll.u32 s4, $0x1;
	s5 =	sadd.s32 s21, s3  }
0x9d: {  	[timem:s22], [sflag:s6] =	dma.local [hbm:s5], s4  }
0x9e: {  	_ =	swait.ge [sflag:s6], s4  }
0x9f: {  	s4 =	ssub.s32 $0x0, s4;
	[sflag:s6] =	ssyncset.done $0x0  }
0xa0: {  	[sflag:s6] =	ssyncadd.s32 s4;
	_ =	sdelay $0x1  }
0xa1: {  	s23 =	simm.s32 $0x1B8B  }
0xa2: {  	_ =	swait.ge [sflag:s23], $0x1  }
0xa3: {  	[sflag:s23] =	ssyncset.done $0x0  }
0xa4: {  	[sflag:s23] =	ssyncadd.s32 $0xFFFFFFFF  }
0xa5: {  	s4 =	sld [smem:$0x0]  }
0xa6: {  	s5 =	sand.u32 $0xFFFFFFFE, s1  }
0xa7: {  	p0 =	sne.s32 s1, s5  }
0xa8: {  	s5 =	sshll.u32 @p0 s5, $0xE  }
0xa9: {  	s5 =	sadd.s32 @p0 $0x11B8D, s5;
	s6 =	sshll.u32 @p0 s4, $0x11  }
0xaa: {  	s5 =	sor.u32 @p0 s6, s5  }
0xab: {  	[sflag:s5] =	ssyncadd.remote.s32 @p0 $0x1;
	_ =	sdelay $0x1  }
0xac: {  	s5 =	simm.s32 @p0 $0x1B8D  }
0xad: {  	_ =	swait.eq @p0 [sflag:s5], $0x1  }
0xae: {  	[sflag:s5] =	ssyncadd.s32 @p0 $0xFFFFFFFF  }
0xaf: {  	s6 =	sshll.u32 @!p0 s1, $0xE  }
0xb0: {  	s6 =	sor.u32 @!p0 $0x4000, s6;
	s5 =	simm.s32 @!p0 $0x1B8D  }
0xb1: {  	s4 =	sshll.u32 @!p0 s4, $0x11;
	s6 =	sadd.s32 @!p0 $0x11B8D, s6;
	_ =	swait.eq @!p0 [sflag:s5], $0x1  }
0xb2: {  	s4 =	sor.u32 @!p0 s4, s6;
	[sflag:s5] =	ssyncadd.s32 @!p0 $0xFFFFFFFF  }
0xb3: {  	s25 =	simm.s32 $0x1B8E;
	s24 =	sld [smem:$0x3FFE];
	[sflag:s4] =	ssyncadd.remote.s32 @!p0 $0x1  }
0xb4: {  	s26 =	simm.s32 $execute0_lowered;
	[smem:$0x3FD2] =	sst s25  }
0xb5: {  	s5 =	sshll.u32 s26, $0x1;
	_ =	strace $0x80000049;
	[dreg:$0x1] =	wrdreg $0xFFFFFFFF  }
0xb6: {  	s28 =	simm.s32 $_size_execute0_lowered;
	s3 =	sadd.s32 s3, s5;
	[dreg:$0x0] =	wrdreg $0x0  }
0xb7: {  	s5 =	sshll.u32 s28, $0x1;
	[dreg:$0x2] =	wrdreg s3  }
0xb8: {  	[dreg:$0x3] =	wrdreg s5  }
0xb9: {  	[dreg:$0x4] =	wrdreg $0xC0  }
0xba: {  	_ =	task [dreg:s22], $0x5FFFF  }
0xbb: {  	[dreg:$0x1] =	wrdreg $0xFFFFFFFF  }
0xbc: {  	[dreg:$0x0] =	wrdreg $0x60  }
0xbd: {  	[dreg:$0x2] =	wrdreg s24  }
0xbe: {  	[dreg:$0x3] =	wrdreg $0x5C000  }
0xbf: {  	[dreg:$0x4] =	wrdreg $0x9  }
0xc0: {  	_ =	task.clear_ibuf [dreg:s22], $0x5FFFF;
	_ =	strace $0x90000049  }
0xc1: {  	s29 =	simm.s32 $0x9;
	_ =	strace $0x8000004B  }
0xc2: {  	_ =	swait.ge [sflag:s29], $0x1  }
0xc3: {  	[sflag:s29] =	ssyncadd.s32 $0xFFFFFFFF  }
0xc4: {  	_ =	strace $0x9000004B  }
0xc5: {  	_ =	sfence  }
0xc6: {  	s30 =	sld [smem:$0x0];
	_ =	sdelay $0x2  }
0xc7: {  	s31 =	sshll.u32 s1, $0xD;
	s1 =	sshrl.u32 s1, $0x2  }
0xc8: {  	s4 =	sand.u32 $0x4000, s31;
	s1 =	sadd.s32 s1, s30  }
0xc9: {  	s0 =	sor.u32 s4, s0;
	s1 =	sshll.u32 s1, $0x11  }
0xca: {  	s0 =	sor.u32 s1, s0  }
0xcb: {  	s0 =	sadd.s32 $0x8F2B, s0  }
0xcc: {  	[sflag:s0] =	ssyncadd.remote.s32 $0x1  }
0xcd: {  	_ =	sfence.sel $0xFFFF  }
0xce: {  	[dreg:$0x0] =	wrdreg $0xFFFFFFFF;
	(pc) =	sbr.abs _section_cstart, $3  }
0xcf: {  	[dreg:$0x1] =	wrdreg $0xFFFFFFFF  }
0xd0: {  	_ =	task.clear_ibuf [dreg:s22], $0x2FFFF;
	_ =	strace $0x9FFFFFFF  }
0xd1: {  	(tm) =	ssettm $0x7FFFFFFF  }
tec
execute0_lowered:
.L_overlay_start_1:
0x0: {  	(tag) =	ssettag $0x1  }
0x1: {  	s6 =	rddreg [dreg:$0x0]  }
0x2: {  	s0 =	srdreg.scid;
	s2 =	rddreg [dreg:$0x1];
	s3 =	simm.s32 $0x0  }
0x3: {  	s14 =	simm.s32 $0x1;
	s17 =	simm.s32 $0x80;
	s5 =	sand.u32 $0x1, s0  }
0x4: {  	s18 =	simm.s32 $0x0;
	s0 =	stileid.u32;
	s7 =	smul.u32 $0x140000, s5  }
0x5: {  	[smem:$0x7FF] =	sst s3;
	s1 =	sshll.u32 s5, $0x4;
	s8 =	smul.u32 $0x14000, s0  }
0x6: {  	s30 =	ssub.s32 $0x2, s5;
	s9 =	smul.u32 $0x50000, s0;
	s5 =	sadd.s32 $0x77E00, s6  }
0x7: {  	s15 =	sshll.u32 s0, $0x6;
	s1 =	sor.u32 s0, s1;
	s11 =	sshrl.u32 s30, $0x1  }
0x8: {  	s15 =	sor.u32 $0x1C01, s15;
	s4 =	smul.u32 $0x380, s1;
	s1 =	rddreg [dreg:$0x2]  }
0x9: {  	_ =	strace $0x8000004A;
	s7 =	sadd.s32 s8, s7;
	s31 =	sshrl.u32 s9, $0x2  }
0xa: {  	s13 =	ssub.s32 s30, s11;
	s7 =	sshrl.u32 s7, $0x3;
	s16 =	sadd.s32 s31, s2  }
0xb: {  	s10 =	sadd.s32 s4, s6;
	s4 =	sadd.s32 $0x16A600, s6;
	s12 =	sadd.s32 s7, s6  }
0xc: {  	s16 =	sshrl.u32 s16, $0x3;
	s6 =	sadd.s32 $0x4E00, s10;
	s7 =	sadd.s32 $0x1BAE00, s12  }
0xd: {  	s8 =	sadd.s32 $0xBE00, s10;
	s9 =	sadd.s32 $0x20AE00, s12;
	s10 =	sadd.s32 $0x19E00, s10  }
0xe: {  	s11 =	sadd.s32 $0x16AE00, s12;
	s12 =	smax.u32 s13, $0x1;
	s13 =	simm.s32 $0x1C00  }
.LBB2_1:
0xf: {  	[tilespmem:s13], [sflag:$0x1] =	stream.linear.gather [hbm4b:s4+s3], $0x4000, $0x38;
	[tilespmem:$0x19C00] =	vst v63  }
0x10: {  	_ =	swait.ge [sflag:s14], $0x4000  }
0x11: {  	[sflag:s14] =	ssyncset.done $0x0  }
0x12: {  	[sflag:s14] =	ssyncadd.s32 $0xFFFFC000  }
0x13: {  	[spmem:s16], [sflag:s15] =	dma.local [hbm:s5], $0x2800  }
0x14: {  	_ =	swait.ge [sflag:s14], $0x2800  }
0x15: {  	[sflag:s14] =	ssyncset.done $0x0  }
0x16: {  	[sflag:s14] =	ssyncadd.s32 $0xFFFFD800  }
0x17: {  	[tilespmem:s3], [sflag:$0x1] =	stream.linear.gather [hbm4b:s6+s3], $0x1900, $0x38;
	[tilespmem:$0x19C00] =	vst v63  }
0x18: {  	_ =	swait.ge [sflag:s14], $0x1900  }
0x19: {  	[sflag:s14] =	ssyncset.done $0x0  }
0x1a: {  	[sflag:s14] =	ssyncadd.s32 $0xFFFFE700  }
0x1b: {  	s19 =	simm.s32 $0x0;
	[bflag:$0x0] =	sbarrier.arrive $0xFFFF  }
0x1c: {  	[spmem:s2] =	stream.indirect.scatter.add.f32 [tilespmem:s13], [sflag:$0x1], $0x80, s19, s17, $0xb8;
	[tilespmem:$0x19C00] =	vst v63  }
0x1d: {  	_ =	swait.ge [sflag:s14], $0x4000  }
0x1e: {  	s19 =	simm.s32 $0x200;
	[sflag:s14] =	ssyncset.done $0x0  }
.LBB2_2:
0x1f: {  	s20 =	sshra.s32 s19, $0x2;
	[sflag:s14] =	ssyncadd.s32 $0xFFFFC000;
	p0 =	sne.s32 s19, $0x6200  }
0x20: {  	[spmem:s2] =	stream.indirect.scatter.add.f32 [tilespmem:s13], [sflag:$0x1], $0x80, s20, s17, $0xb8;
	[tilespmem:$0x19C00] =	vst v63  }
.Ltmp0:
0x21: {  	_ = 	snop;
	(pc) =	sbr.rel @p0 .LBB2_2-.Ltmp0, $4  }
0x22: {  	_ = 	snop  }
0x23: {  	s19 =	sadd.s32 $0x200, s19  }
0x24: {  	_ =	swait.ge [sflag:s14], $0x4000  }
0x25: {  	[sflag:s14] =	ssyncset.done $0x0  }
0x26: {  	[sflag:s14] =	ssyncadd.s32 $0xFFFFC000  }
0x27: {  	[bflag:$0x0] =	sbarrier.arrive $0xFFFF  }
0x28: {  	[hbm:s7], [sflag:s15] =	dma.local [spmem:s16], $0x2800  }
0x29: {  	_ =	swait.ge [sflag:s14], $0x2800  }
0x2a: {  	[sflag:s14] =	ssyncset.done $0x0  }
0x2b: {  	[sflag:s14] =	ssyncadd.s32 $0xFFFFD800  }
0x2c: {  	[spmem:s16], [sflag:s15] =	dma.local [hbm:s5], $0x2800  }
0x2d: {  	_ =	swait.ge [sflag:s14], $0x2800  }
0x2e: {  	[sflag:s14] =	ssyncset.done $0x0  }
0x2f: {  	s19 =	simm.s32 $0x0;
	[sflag:s14] =	ssyncadd.s32 $0xFFFFD800  }
0x30: {  	[tilespmem:s19], [sflag:$0x1] =	stream.linear.gather [hbm4b:s8+s19], $0x1900, $0x38;
	[tilespmem:$0x19C00] =	vst v63  }
0x31: {  	_ =	swait.ge [sflag:s14], $0x1900  }
0x32: {  	[sflag:s14] =	ssyncset.done $0x0  }
0x33: {  	[sflag:s14] =	ssyncadd.s32 $0xFFFFE700  }
0x34: {  	s31 =	simm.s32 $0x0;
	[bflag:$0x0] =	sbarrier.arrive $0xFFFF  }
0x35: {  	[spmem:s2] =	stream.indirect.scatter.add.f32 [tilespmem:s13], [sflag:$0x1], $0x80, s31, s17, $0xb8;
	[tilespmem:$0x19C00] =	vst v63  }
0x36: {  	_ =	swait.ge [sflag:s14], $0x4000  }
0x37: {  	s19 =	simm.s32 $0x200;
	[sflag:s14] =	ssyncset.done $0x0  }
.LBB2_4:
0x38: {  	s20 =	sshra.s32 s19, $0x2;
	[sflag:s14] =	ssyncadd.s32 $0xFFFFC000;
	p0 =	sne.s32 s19, $0x6200  }
0x39: {  	[spmem:s2] =	stream.indirect.scatter.add.f32 [tilespmem:s13], [sflag:$0x1], $0x80, s20, s17, $0xb8;
	[tilespmem:$0x19C00] =	vst v63  }
.Ltmp1:
0x3a: {  	_ = 	snop;
	(pc) =	sbr.rel @p0 .LBB2_4-.Ltmp1, $4  }
0x3b: {  	_ = 	snop  }
0x3c: {  	s19 =	sadd.s32 $0x200, s19  }
0x3d: {  	_ =	swait.ge [sflag:s14], $0x4000  }
0x3e: {  	[sflag:s14] =	ssyncset.done $0x0  }
0x3f: {  	[sflag:s14] =	ssyncadd.s32 $0xFFFFC000  }
0x40: {  	[bflag:$0x0] =	sbarrier.arrive $0xFFFF  }
0x41: {  	[hbm:s9], [sflag:s15] =	dma.local [spmem:s16], $0x2800  }
0x42: {  	_ =	swait.ge [sflag:s14], $0x2800  }
0x43: {  	[sflag:s14] =	ssyncset.done $0x0  }
0x44: {  	[sflag:s14] =	ssyncadd.s32 $0xFFFFD800  }
0x45: {  	[spmem:s16], [sflag:s15] =	dma.local [hbm:s5], $0x2800  }
0x46: {  	_ =	swait.ge [sflag:s14], $0x2800  }
0x47: {  	[sflag:s14] =	ssyncset.done $0x0  }
0x48: {  	s19 =	simm.s32 $0x0;
	[sflag:s14] =	ssyncadd.s32 $0xFFFFD800  }
0x49: {  	[tilespmem:s19], [sflag:$0x1] =	stream.linear.gather [hbm4b:s10+s19], $0x1900, $0x38;
	[tilespmem:$0x19C00] =	vst v63  }
0x4a: {  	_ =	swait.ge [sflag:s14], $0x1900  }
0x4b: {  	[sflag:s14] =	ssyncset.done $0x0  }
0x4c: {  	[sflag:s14] =	ssyncadd.s32 $0xFFFFE700  }
0x4d: {  	s31 =	simm.s32 $0x0;
	[bflag:$0x0] =	sbarrier.arrive $0xFFFF  }
0x4e: {  	[spmem:s2] =	stream.indirect.scatter.add.f32 [tilespmem:s13], [sflag:$0x1], $0x80, s31, s17, $0xb8;
	[tilespmem:$0x19C00] =	vst v63  }
0x4f: {  	_ =	swait.ge [sflag:s14], $0x4000  }
0x50: {  	s19 =	simm.s32 $0x200;
	[sflag:s14] =	ssyncset.done $0x0  }
.LBB2_6:
0x51: {  	s20 =	sshra.s32 s19, $0x2;
	[sflag:s14] =	ssyncadd.s32 $0xFFFFC000;
	p0 =	sne.s32 s19, $0x6200  }
0x52: {  	[spmem:s2] =	stream.indirect.scatter.add.f32 [tilespmem:s13], [sflag:$0x1], $0x80, s20, s17, $0xb8;
	[tilespmem:$0x19C00] =	vst v63  }
.Ltmp2:
0x53: {  	_ = 	snop;
	(pc) =	sbr.rel @p0 .LBB2_6-.Ltmp2, $4  }
0x54: {  	_ = 	snop  }
0x55: {  	s19 =	sadd.s32 $0x200, s19  }
0x56: {  	_ =	swait.ge [sflag:s14], $0x4000  }
0x57: {  	[sflag:s14] =	ssyncset.done $0x0  }
0x58: {  	s18 =	sadd.s32 $0x1, s18  }
0x59: {  	[sflag:s14] =	ssyncadd.s32 $0xFFFFC000;
	p0 =	sne.s32 s18, s12  }
.Ltmp3:
0x5a: {  	[bflag:$0x0] =	sbarrier.arrive $0xFFFF;
	(pc) =	sbr.rel @p0 .LBB2_1-.Ltmp3, $4  }
0x5b: {  	[hbm:s11], [sflag:s15] =	dma.local [spmem:s16], $0x2800  }
0x5c: {  	_ =	swait.ge [sflag:s14], $0x2800  }
0x5d: {  	[sflag:s14] =	ssyncset.done $0x0  }
0x5e: {  	[sflag:s14] =	ssyncadd.s32 $0xFFFFD800  }
0x5f: {  	_ =	sfence.sel $0x180000  }
0x60: {  	[bflag:$0x0] =	sbarrier.arrive $0xFFFF  }
0x61: {  	p0 =	sne.s32 s0, $0x0;
	_ =	strace $0x9000004A  }
0x62: {  	s0 =	sadd.s32 @!p0 $0x100000, s1;
	[bflag:$0x2] =	sbarrier.arrive $0xFFFF  }
0x63: {  	[sflag:s0] =	ssyncadd.tile.s32 @!p0 $0x1;
	_ =	shalt  }
.Lfunc_end2:
_tile_overlayer_lowered:
.L_overlay_start_2:
0x64: {  	(tag) =	ssettag $0x2  }
0x65: {  	s0 =	rddreg [dreg:$0x0];
	s2 =	stileid.u32  }
0x66: {  	s1 =	rddreg [dreg:$0x1];
	p0 =	sne.s32 s2, $0x0  }
0x67: {  	s3 =	rddreg [dreg:$0x2];
	[bflag:$0x3] =	sbarrier.arrive $0xFFFF;
	s2 =	simm.s32 @!p0 $0x1C01  }
0x68: {  	[timem:s3], [sflag:s2] =	dma.local @!p0 [hbm:s0], s1  }
0x69: {  	s0 =	simm.s32 @!p0 $0x1  }
0x6a: {  	_ =	swait.ge @!p0 [sflag:s0], s1  }
0x6b: {  	s1 =	ssub.s32 @!p0 $0x0, s1;
	[sflag:s0] =	ssyncset.done @!p0 $0x0  }
0x6c: {  	[sflag:s0] =	ssyncadd.s32 @!p0 s1  }
0x6d: {  	[bflag:$0x3] =	sbarrier.arrive $0xFFFF  }
0x6e: {  	_ =	shalt  }

</sc_bundles>
